<compile_context>
chip_gen: v7x
topology: tpu7x:2x2x1
jax: 0.10.2.dev20260603
libtpu: 0.0.44.dev20260713+nightly
codegen_flags: <defaults>
</compile_context>

<pallas_src>
import functools

import jax
import jax.numpy as jnp
from jax import lax
from jax.experimental import pallas as pl
from jax.experimental.pallas import tpu as pltpu
from jax.experimental.pallas import tpu_sc as plsc

B = 1024
L = 200
D = 768
LANES = 16
DV = D // LANES
CHUNK = 40
CPR = L // CHUNK
NSLOTS = 3


def _sc_body(nc, ns, wt_hbm, tok_hbm, b_hbm, out_hbm, sums_hbm,
             toks_v, buf0, buf1, buf2, acc_v, bias_v, sums_v, sg0, sg1, sg2):
    nw = nc * ns
    rows_w = B // nw
    tok_w = rows_w * L
    nchunk = tok_w // CHUNK

    cid = lax.axis_index("c")
    sid = lax.axis_index("s")
    wid = cid * ns + sid
    grow = wid * rows_w

    bufs = (buf0, buf1, buf2)
    sgs = (sg0, sg1, sg2)

    pltpu.sync_copy(tok_hbm.at[pl.ds(wid * tok_w, tok_w)], toks_v)
    pltpu.sync_copy(b_hbm, bias_v)

    def fill_row(r, carry):
        for c in range(DV):
            acc_v[r, pl.ds(c * LANES, LANES)] = bias_v[pl.ds(c * LANES, LANES)]
        return carry

    lax.fori_loop(0, rows_w, fill_row, 0)

    def start_gather(g, u):
        pltpu.async_copy(wt_hbm.at[toks_v.at[pl.ds(g * CHUNK, CHUNK)]],
                         bufs[u], sgs[u])

    for u in range(NSLOTS):
        start_gather(u, u)

    def go_body(go, carry):
        for u in range(NSLOTS):
            g = go * NSLOTS + u
            r = g // CPR
            pltpu.make_async_copy(
                wt_hbm.at[toks_v.at[pl.ds(g * CHUNK, CHUNK)]],
                bufs[u], sgs[u]).wait()

            def cbody(c, c2):
                co = pl.multiple_of(c * LANES, LANES)
                vals = [bufs[u][j, pl.ds(co, LANES)] for j in range(CHUNK)]
                while len(vals) > 1:
                    nxt = [vals[i] + vals[i + 1]
                           for i in range(0, len(vals) - 1, 2)]
                    if len(vals) % 2:
                        nxt.append(vals[-1])
                    vals = nxt
                plsc.addupdate(acc_v.at[r, pl.ds(co, LANES)], vals[0])
                return c2

            lax.fori_loop(0, DV, cbody, 0)

            @pl.when(g + NSLOTS < nchunk)
            def _():
                start_gather(g + NSLOTS, u)
        return carry

    lax.fori_loop(0, nchunk // NSLOTS, go_body, 0)

    for u in range(nchunk % NSLOTS):
        g = nchunk // NSLOTS * NSLOTS + u
        r = g // CPR
        pltpu.make_async_copy(
            wt_hbm.at[toks_v.at[pl.ds(g * CHUNK, CHUNK)]],
            bufs[u], sgs[u]).wait()

        def cbody_e(c, c2, _u=u, _r=r):
            co = pl.multiple_of(c * LANES, LANES)
            vals = [bufs[_u][j, pl.ds(co, LANES)] for j in range(CHUNK)]
            while len(vals) > 1:
                nxt = [vals[i] + vals[i + 1]
                       for i in range(0, len(vals) - 1, 2)]
                if len(vals) % 2:
                    nxt.append(vals[-1])
                vals = nxt
            plsc.addupdate(acc_v.at[_r, pl.ds(co, LANES)], vals[0])
            return c2

        lax.fori_loop(0, DV, cbody_e, 0)

    def out_row(r, carry):
        s = acc_v[r, pl.ds(0, LANES)]
        for c in range(1, DV):
            s = s + acc_v[r, pl.ds(c * LANES, LANES)]
        sums_v[pl.ds(r * LANES, LANES)] = s
        return carry

    lax.fori_loop(0, rows_w, out_row, 0)

    pltpu.sync_copy(acc_v, out_hbm.at[pl.ds(grow, rows_w)])
    pltpu.sync_copy(sums_v, sums_hbm.at[pl.ds(wid * rows_w * LANES,
                                              rows_w * LANES)])


def kernel(token_ids, W, b):
    info = plsc.get_sparse_core_info()
    nc, ns = info.num_cores, info.num_subcores
    nw = nc * ns
    rows_w = B // nw

    wt = W.T
    toks = token_ids.reshape(-1).astype(jnp.int32)

    mesh = plsc.VectorSubcoreMesh(core_axis_name="c", subcore_axis_name="s")
    sc = pl.kernel(
        functools.partial(_sc_body, nc, ns),
        out_type=(
            jax.ShapeDtypeStruct((B, D), jnp.float32),
            jax.ShapeDtypeStruct((B * LANES,), jnp.float32),
        ),
        mesh=mesh,
        scratch_types=[
            pltpu.VMEM((rows_w * L,), jnp.int32),
            pltpu.VMEM((CHUNK, D), jnp.float32),
            pltpu.VMEM((CHUNK, D), jnp.float32),
            pltpu.VMEM((CHUNK, D), jnp.float32),
            pltpu.VMEM((rows_w, D), jnp.float32),
            pltpu.VMEM((D,), jnp.float32),
            pltpu.VMEM((rows_w * LANES,), jnp.float32),
            pltpu.SemaphoreType.DMA,
            pltpu.SemaphoreType.DMA,
            pltpu.SemaphoreType.DMA,
        ],
    )
    out2d, sums = sc(wt, toks, b)
    padding_mask = jnp.sum(sums.reshape(B, LANES), axis=1, keepdims=True) == 0.0
    return (out2d[:, None, :], padding_mask)

# --- scband reference (transcript-rebuilt; emitter-appended) ---
"""Pipeline reference for scband-count-vectorizer-36919538877017 (READ-ONLY COPY).

The authoritative reference and input builder live on the scoring server;
editing this copy changes nothing except your own understanding.
"""

import jax, jax.numpy as jnp
import numpy as np

B = 1024
L = 200
VOCAB = 100000
D_MODEL = 768


def setup_inputs(seed: int = 0) -> dict:
    key = jax.random.key(seed)
    k1, k2, k3 = jax.random.split(key, 3)
    # Tokenized text: each row is a document of L word ids in [0, VOCAB)
    token_ids = jax.random.randint(k1, (B, L), 0, VOCAB, dtype=jnp.int64) if jax.config.jax_enable_x64 else jax.random.randint(k1, (B, L), 0, VOCAB, dtype=jnp.int32)
    # nn.Linear(vocab_size, d_model): weight [d_model, vocab], bias [d_model]
    W = jax.random.normal(k2, (D_MODEL, VOCAB), dtype=jnp.float32) * 0.01
    b = jax.random.normal(k3, (D_MODEL,), dtype=jnp.float32) * 0.01
    return {"token_ids": token_ids, "W": W, "b": b}


def reference(token_ids, W, b):
    Bb, Ll = token_ids.shape
    vocab = W.shape[1]
    # Bag-of-words count vectors via scatter-add (the per-word loop in torch)
    rows = jnp.broadcast_to(jnp.arange(Bb)[:, None], (Bb, Ll))
    counts = jnp.zeros((Bb, vocab), dtype=jnp.float32).at[rows, token_ids].add(1.0)
    # Linear projection: counts @ W.T + b, then unsqueeze(1)
    out = counts @ W.T + b
    out = out[:, None, :]
    # generate_padding_mask: positions whose feature sum equals padding_idx (0)
    padding_mask = (jnp.sum(out, axis=-1) == 0)
    return (out, padding_mask)

if __name__ == "__main__":
    import jax
    _d = setup_inputs()
    print(jax.jit(kernel)(*tuple(_d.values())))

</pallas_src>

<mosaic_0001>
#map = affine_map<(d0, d1) -> (0, 0)>
#map1 = affine_map<(d0, d1) -> (0)>
module attributes {stable_mosaic.version = 14 : i64} {
  func.func @_sc_body(%arg0: i32, %arg1: i32, %arg2: memref<100000x768xf32, #tpu.memory_space<hbm>>, %arg3: memref<204800xi32, #tpu.memory_space<hbm>>, %arg4: memref<768xf32, #tpu.memory_space<hbm>>, %arg5: memref<1024x768xf32, #tpu.memory_space<hbm>>, %arg6: memref<16384xf32, #tpu.memory_space<hbm>>, %arg7: memref<6400xi32, #tpu.memory_space<vmem>>, %arg8: memref<40x768xf32, #tpu.memory_space<vmem>>, %arg9: memref<40x768xf32, #tpu.memory_space<vmem>>, %arg10: memref<40x768xf32, #tpu.memory_space<vmem>>, %arg11: memref<32x768xf32, #tpu.memory_space<vmem>>, %arg12: memref<768xf32, #tpu.memory_space<vmem>>, %arg13: memref<512xf32, #tpu.memory_space<vmem>>, %arg14: memref<!tpu.dma_semaphore, #tpu.memory_space<semaphore_mem>>, %arg15: memref<!tpu.dma_semaphore, #tpu.memory_space<semaphore_mem>>, %arg16: memref<!tpu.dma_semaphore, #tpu.memory_space<semaphore_mem>>) attributes {dimension_semantics = [#tpu.dimension_semantics<core_parallel>, #tpu.dimension_semantics<subcore_parallel>], iteration_bounds = array<i64: 2, 16>, scalar_prefetch = 0 : i64, scratch_operands = 10 : i64, tpu.core_type = #tpu.core_type<sc_vector_subcore>, window_params = [{transform_indices = #map}, {transform_indices = #map1}, {transform_indices = #map1}, {transform_indices = #map}, {transform_indices = #map1}]} {
    %mul3A = arith.constant 16 : i32
    %mul3A_0 = arith.muli %arg0, %mul3A : i32
    %add3A = arith.addi %mul3A_0, %arg1 : i32
    %mul3A_1 = arith.constant 32 : i32
    %mul3A_2 = arith.muli %add3A, %mul3A_1 : i32
    %mul3A_3 = arith.constant 6400 : i32
    %mul3A_4 = arith.muli %add3A, %mul3A_3 : i32
    "tpu.region"() ({
      %run_scoped3A = tpu.sem_alloc : memref<!tpu.dma_semaphore, #tpu.memory_space<semaphore_mem>>
      %dma_start3A_50 = tpu.memref_slice %arg3[%mul3A_4] : memref<204800xi32, #tpu.memory_space<hbm>> -> memref<6400xi32, #tpu.memory_space<hbm>>
      %dma_start3A_51 = tpu.memref_slice %arg3[%mul3A_4] : memref<204800xi32, #tpu.memory_space<hbm>> -> memref<6400xi32, #tpu.memory_space<hbm>>
      tpu.enqueue_dma source(%dma_start3A_51 : memref<6400xi32, #tpu.memory_space<hbm>>) target(%arg7 : memref<6400xi32, #tpu.memory_space<vmem>>) target_semaphore(%run_scoped3A : memref<!tpu.dma_semaphore, #tpu.memory_space<semaphore_mem>>)
      %dma_wait3A_52 = tpu.memref_slice %arg3[%mul3A_4] : memref<204800xi32, #tpu.memory_space<hbm>> -> memref<6400xi32, #tpu.memory_space<hbm>>
      %dma_wait3A_53 = tpu.memref_slice %arg3[%mul3A_4] : memref<204800xi32, #tpu.memory_space<hbm>> -> memref<6400xi32, #tpu.memory_space<hbm>>
      tpu.wait_dma2 semaphore(%run_scoped3A : memref<!tpu.dma_semaphore, #tpu.memory_space<semaphore_mem>>) src(%dma_wait3A_53 : memref<6400xi32, #tpu.memory_space<hbm>>) dst(%arg7 : memref<6400xi32, #tpu.memory_space<vmem>>)
      tpu.yield
    }) : () -> ()
    "tpu.region"() ({
      %run_scoped3A = tpu.sem_alloc : memref<!tpu.dma_semaphore, #tpu.memory_space<semaphore_mem>>
      tpu.enqueue_dma source(%arg4 : memref<768xf32, #tpu.memory_space<hbm>>) target(%arg12 : memref<768xf32, #tpu.memory_space<vmem>>) target_semaphore(%run_scoped3A : memref<!tpu.dma_semaphore, #tpu.memory_space<semaphore_mem>>)
      tpu.wait_dma2 semaphore(%run_scoped3A : memref<!tpu.dma_semaphore, #tpu.memory_space<semaphore_mem>>) src(%arg4 : memref<768xf32, #tpu.memory_space<hbm>>) dst(%arg12 : memref<768xf32, #tpu.memory_space<vmem>>)
      tpu.yield
    }) : () -> ()
    %scan3A = arith.constant 0 : i32
    %scan3A_5 = arith.constant 0 : i32
    %scan3A_6 = arith.constant 32 : i32
    %scan3A_7 = arith.addi %scan3A_5, %scan3A_6 : i32
    %scan3A_8 = arith.constant 1 : i32
    scf.for %scan3A_50 = %scan3A_5 to %scan3A_7 step %scan3A_8  : i32 {
      %get3A = arith.constant 0 : index
      %get3A_51 = tpu.vector_load %arg12[%get3A] {strides = array<i32>} : memref<768xf32, #tpu.memory_space<vmem>>, vector<16xf32>,
      %get3A_52 = vector.shape_cast %get3A_51 : vector<16xf32> to vector<16xf32>
      %swap3A = arith.index_cast %scan3A_50 : i32 to index
      %swap3A_53 = arith.constant 0 : index
      %swap3A_54 = tpu.vector_load %arg11[%swap3A, %swap3A_53] {strides = array<i32>} : memref<32x768xf32, #tpu.memory_space<vmem>>, vector<1x16xf32>,
      %swap3A_55 = vector.shape_cast %swap3A_54 : vector<1x16xf32> to vector<16xf32>
      %swap3A_56 = vector.shape_cast %get3A_52 : vector<16xf32> to vector<1x16xf32>
      tpu.vector_store %arg11[%swap3A, %swap3A_53], %swap3A_56 {strides = array<i32>} : memref<32x768xf32, #tpu.memory_space<vmem>>, vector<1x16xf32>,
      %get3A_57 = arith.constant 16 : index
      %get3A_58 = tpu.vector_load %arg12[%get3A_57] {strides = array<i32>} : memref<768xf32, #tpu.memory_space<vmem>>, vector<16xf32>,
      %get3A_59 = vector.shape_cast %get3A_58 : vector<16xf32> to vector<16xf32>
      %swap3A_60 = arith.index_cast %scan3A_50 : i32 to index
      %swap3A_61 = arith.constant 16 : index
      %swap3A_62 = tpu.vector_load %arg11[%swap3A_60, %swap3A_61] {strides = array<i32>} : memref<32x768xf32, #tpu.memory_space<vmem>>, vector<1x16xf32>,
      %swap3A_63 = vector.shape_cast %swap3A_62 : vector<1x16xf32> to vector<16xf32>
      %swap3A_64 = vector.shape_cast %get3A_59 : vector<16xf32> to vector<1x16xf32>
      tpu.vector_store %arg11[%swap3A_60, %swap3A_61], %swap3A_64 {strides = array<i32>} : memref<32x768xf32, #tpu.memory_space<vmem>>, vector<1x16xf32>,
      %get3A_65 = arith.constant 32 : index
      %get3A_66 = tpu.vector_load %arg12[%get3A_65] {strides = array<i32>} : memref<768xf32, #tpu.memory_space<vmem>>, vector<16xf32>,
      %get3A_67 = vector.shape_cast %get3A_66 : vector<16xf32> to vector<16xf32>
      %swap3A_68 = arith.index_cast %scan3A_50 : i32 to index
      %swap3A_69 = arith.constant 32 : index
      %swap3A_70 = tpu.vector_load %arg11[%swap3A_68, %swap3A_69] {strides = array<i32>} : memref<32x768xf32, #tpu.memory_space<vmem>>, vector<1x16xf32>,
      %swap3A_71 = vector.shape_cast %swap3A_70 : vector<1x16xf32> to vector<16xf32>
      %swap3A_72 = vector.shape_cast %get3A_67 : vector<16xf32> to vector<1x16xf32>
      tpu.vector_store %arg11[%swap3A_68, %swap3A_69], %swap3A_72 {strides = array<i32>} : memref<32x768xf32, #tpu.memory_space<vmem>>, vector<1x16xf32>,
      %get3A_73 = arith.constant 48 : index
      %get3A_74 = tpu.vector_load %arg12[%get3A_73] {strides = array<i32>} : memref<768xf32, #tpu.memory_space<vmem>>, vector<16xf32>,
      %get3A_75 = vector.shape_cast %get3A_74 : vector<16xf32> to vector<16xf32>
      %swap3A_76 = arith.index_cast %scan3A_50 : i32 to index
      %swap3A_77 = arith.constant 48 : index
      %swap3A_78 = tpu.vector_load %arg11[%swap3A_76, %swap3A_77] {strides = array<i32>} : memref<32x768xf32, #tpu.memory_space<vmem>>, vector<1x16xf32>,
      %swap3A_79 = vector.shape_cast %swap3A_78 : vector<1x16xf32> to vector<16xf32>
      %swap3A_80 = vector.shape_cast %get3A_75 : vector<16xf32> to vector<1x16xf32>
      tpu.vector_store %arg11[%swap3A_76, %swap3A_77], %swap3A_80 {strides = array<i32>} : memref<32x768xf32, #tpu.memory_space<vmem>>, vector<1x16xf32>,
      %get3A_81 = arith.constant 64 : index
      %get3A_82 = tpu.vector_load %arg12[%get3A_81] {strides = array<i32>} : memref<768xf32, #tpu.memory_space<vmem>>, vector<16xf32>,
      %get3A_83 = vector.shape_cast %get3A_82 : vector<16xf32> to vector<16xf32>
      %swap3A_84 = arith.index_cast %scan3A_50 : i32 to index
      %swap3A_85 = arith.constant 64 : index
      %swap3A_86 = tpu.vector_load %arg11[%swap3A_84, %swap3A_85] {strides = array<i32>} : memref<32x768xf32, #tpu.memory_space<vmem>>, vector<1x16xf32>,
      %swap3A_87 = vector.shape_cast %swap3A_86 : vector<1x16xf32> to vector<16xf32>
      %swap3A_88 = vector.shape_cast %get3A_83 : vector<16xf32> to vector<1x16xf32>
      tpu.vector_store %arg11[%swap3A_84, %swap3A_85], %swap3A_88 {strides = array<i32>} : memref<32x768xf32, #tpu.memory_space<vmem>>, vector<1x16xf32>,
      %get3A_89 = arith.constant 80 : index
      %get3A_90 = tpu.vector_load %arg12[%get3A_89] {strides = array<i32>} : memref<768xf32, #tpu.memory_space<vmem>>, vector<16xf32>,
      %get3A_91 = vector.shape_cast %get3A_90 : vector<16xf32> to vector<16xf32>
      %swap3A_92 = arith.index_cast %scan3A_50 : i32 to index
      %swap3A_93 = arith.constant 80 : index
      %swap3A_94 = tpu.vector_load %arg11[%swap3A_92, %swap3A_93] {strides = array<i32>} : memref<32x768xf32, #tpu.memory_space<vmem>>, vector<1x16xf32>,
      %swap3A_95 = vector.shape_cast %swap3A_94 : vector<1x16xf32> to vector<16xf32>
      %swap3A_96 = vector.shape_cast %get3A_91 : vector<16xf32> to vector<1x16xf32>
      tpu.vector_store %arg11[%swap3A_92, %swap3A_93], %swap3A_96 {strides = array<i32>} : memref<32x768xf32, #tpu.memory_space<vmem>>, vector<1x16xf32>,
      %get3A_97 = arith.constant 96 : index
      %get3A_98 = tpu.vector_load %arg12[%get3A_97] {strides = array<i32>} : memref<768xf32, #tpu.memory_space<vmem>>, vector<16xf32>,
      %get3A_99 = vector.shape_cast %get3A_98 : vector<16xf32> to vector<16xf32>
      %swap3A_100 = arith.index_cast %scan3A_50 : i32 to index
      %swap3A_101 = arith.constant 96 : index
      %swap3A_102 = tpu.vector_load %arg11[%swap3A_100, %swap3A_101] {strides = array<i32>} : memref<32x768xf32, #tpu.memory_space<vmem>>, vector<1x16xf32>,
      %swap3A_103 = vector.shape_cast %swap3A_102 : vector<1x16xf32> to vector<16xf32>
      %swap3A_104 = vector.shape_cast %get3A_99 : vector<16xf32> to vector<1x16xf32>
      tpu.vector_store %arg11[%swap3A_100, %swap3A_101], %swap3A_104 {strides = array<i32>} : memref<32x768xf32, #tpu.memory_space<vmem>>, vector<1x16xf32>,
      %get3A_105 = arith.constant 112 : index
      %get3A_106 = tpu.vector_load %arg12[%get3A_105] {strides = array<i32>} : memref<768xf32, #tpu.memory_space<vmem>>, vector<16xf32>,
      %get3A_107 = vector.shape_cast %get3A_106 : vector<16xf32> to vector<16xf32>
      %swap3A_108 = arith.index_cast %scan3A_50 : i32 to index
      %swap3A_109 = arith.constant 112 : index
      %swap3A_110 = tpu.vector_load %arg11[%swap3A_108, %swap3A_109] {strides = array<i32>} : memref<32x768xf32, #tpu.memory_space<vmem>>, vector<1x16xf32>,
      %swap3A_111 = vector.shape_cast %swap3A_110 : vector<1x16xf32> to vector<16xf32>
      %swap3A_112 = vector.shape_cast %get3A_107 : vector<16xf32> to vector<1x16xf32>
      tpu.vector_store %arg11[%swap3A_108, %swap3A_109], %swap3A_112 {strides = array<i32>} : memref<32x768xf32, #tpu.memory_space<vmem>>, vector<1x16xf32>,
      %get3A_113 = arith.constant 128 : index
      %get3A_114 = tpu.vector_load %arg12[%get3A_113] {strides = array<i32>} : memref<768xf32, #tpu.memory_space<vmem>>, vector<16xf32>,
      %get3A_115 = vector.shape_cast %get3A_114 : vector<16xf32> to vector<16xf32>
      %swap3A_116 = arith.index_cast %scan3A_50 : i32 to index
      %swap3A_117 = arith.constant 128 : index
      %swap3A_118 = tpu.vector_load %arg11[%swap3A_116, %swap3A_117] {strides = array<i32>} : memref<32x768xf32, #tpu.memory_space<vmem>>, vector<1x16xf32>,
      %swap3A_119 = vector.shape_cast %swap3A_118 : vector<1x16xf32> to vector<16xf32>
      %swap3A_120 = vector.shape_cast %get3A_115 : vector<16xf32> to vector<1x16xf32>
      tpu.vector_store %arg11[%swap3A_116, %swap3A_117], %swap3A_120 {strides = array<i32>} : memref<32x768xf32, #tpu.memory_space<vmem>>, vector<1x16xf32>,
      %get3A_121 = arith.constant 144 : index
      %get3A_122 = tpu.vector_load %arg12[%get3A_121] {strides = array<i32>} : memref<768xf32, #tpu.memory_space<vmem>>, vector<16xf32>,
      %get3A_123 = vector.shape_cast %get3A_122 : vector<16xf32> to vector<16xf32>
      %swap3A_124 = arith.index_cast %scan3A_50 : i32 to index
      %swap3A_125 = arith.constant 144 : index
      %swap3A_126 = tpu.vector_load %arg11[%swap3A_124, %swap3A_125] {strides = array<i32>} : memref<32x768xf32, #tpu.memory_space<vmem>>, vector<1x16xf32>,
      %swap3A_127 = vector.shape_cast %swap3A_126 : vector<1x16xf32> to vector<16xf32>
      %swap3A_128 = vector.shape_cast %get3A_123 : vector<16xf32> to vector<1x16xf32>
      tpu.vector_store %arg11[%swap3A_124, %swap3A_125], %swap3A_128 {strides = array<i32>} : memref<32x768xf32, #tpu.memory_space<vmem>>, vector<1x16xf32>,
      %get3A_129 = arith.constant 160 : index
      %get3A_130 = tpu.vector_load %arg12[%get3A_129] {strides = array<i32>} : memref<768xf32, #tpu.memory_space<vmem>>, vector<16xf32>,
      %get3A_131 = vector.shape_cast %get3A_130 : vector<16xf32> to vector<16xf32>
      %swap3A_132 = arith.index_cast %scan3A_50 : i32 to index
      %swap3A_133 = arith.constant 160 : index
      %swap3A_134 = tpu.vector_load %arg11[%swap3A_132, %swap3A_133] {strides = array<i32>} : memref<32x768xf32, #tpu.memory_space<vmem>>, vector<1x16xf32>,
      %swap3A_135 = vector.shape_cast %swap3A_134 : vector<1x16xf32> to vector<16xf32>
      %swap3A_136 = vector.shape_cast %get3A_131 : vector<16xf32> to vector<1x16xf32>
      tpu.vector_store %arg11[%swap3A_132, %swap3A_133], %swap3A_136 {strides = array<i32>} : memref<32x768xf32, #tpu.memory_space<vmem>>, vector<1x16xf32>,
      %get3A_137 = arith.constant 176 : index
      %get3A_138 = tpu.vector_load %arg12[%get3A_137] {strides = array<i32>} : memref<768xf32, #tpu.memory_space<vmem>>, vector<16xf32>,
      %get3A_139 = vector.shape_cast %get3A_138 : vector<16xf32> to vector<16xf32>
      %swap3A_140 = arith.index_cast %scan3A_50 : i32 to index
      %swap3A_141 = arith.constant 176 : index
      %swap3A_142 = tpu.vector_load %arg11[%swap3A_140, %swap3A_141] {strides = array<i32>} : memref<32x768xf32, #tpu.memory_space<vmem>>, vector<1x16xf32>,
      %swap3A_143 = vector.shape_cast %swap3A_142 : vector<1x16xf32> to vector<16xf32>
      %swap3A_144 = vector.shape_cast %get3A_139 : vector<16xf32> to vector<1x16xf32>
      tpu.vector_store %arg11[%swap3A_140, %swap3A_141], %swap3A_144 {strides = array<i32>} : memref<32x768xf32, #tpu.memory_space<vmem>>, vector<1x16xf32>,
      %get3A_145 = arith.constant 192 : index
      %get3A_146 = tpu.vector_load %arg12[%get3A_145] {strides = array<i32>} : memref<768xf32, #tpu.memory_space<vmem>>, vector<16xf32>,
      %get3A_147 = vector.shape_cast %get3A_146 : vector<16xf32> to vector<16xf32>
      %swap3A_148 = arith.index_cast %scan3A_50 : i32 to index
      %swap3A_149 = arith.constant 192 : index
      %swap3A_150 = tpu.vector_load %arg11[%swap3A_148, %swap3A_149] {strides = array<i32>} : memref<32x768xf32, #tpu.memory_space<vmem>>, vector<1x16xf32>,
      %swap3A_151 = vector.shape_cast %swap3A_150 : vector<1x16xf32> to vector<16xf32>
      %swap3A_152 = vector.shape_cast %get3A_147 : vector<16xf32> to vector<1x16xf32>
      tpu.vector_store %arg11[%swap3A_148, %swap3A_149], %swap3A_152 {strides = array<i32>} : memref<32x768xf32, #tpu.memory_space<vmem>>, vector<1x16xf32>,
      %get3A_153 = arith.constant 208 : index
      %get3A_154 = tpu.vector_load %arg12[%get3A_153] {strides = array<i32>} : memref<768xf32, #tpu.memory_space<vmem>>, vector<16xf32>,
      %get3A_155 = vector.shape_cast %get3A_154 : vector<16xf32> to vector<16xf32>
      %swap3A_156 = arith.index_cast %scan3A_50 : i32 to index
      %swap3A_157 = arith.constant 208 : index
      %swap3A_158 = tpu.vector_load %arg11[%swap3A_156, %swap3A_157] {strides = array<i32>} : memref<32x768xf32, #tpu.memory_space<vmem>>, vector<1x16xf32>,
      %swap3A_159 = vector.shape_cast %swap3A_158 : vector<1x16xf32> to vector<16xf32>
      %swap3A_160 = vector.shape_cast %get3A_155 : vector<16xf32> to vector<1x16xf32>
      tpu.vector_store %arg11[%swap3A_156, %swap3A_157], %swap3A_160 {strides = array<i32>} : memref<32x768xf32, #tpu.memory_space<vmem>>, vector<1x16xf32>,
      %get3A_161 = arith.constant 224 : index
      %get3A_162 = tpu.vector_load %arg12[%get3A_161] {strides = array<i32>} : memref<768xf32, #tpu.memory_space<vmem>>, vector<16xf32>,
      %get3A_163 = vector.shape_cast %get3A_162 : vector<16xf32> to vector<16xf32>
      %swap3A_164 = arith.index_cast %scan3A_50 : i32 to index
      %swap3A_165 = arith.constant 224 : index
      %swap3A_166 = tpu.vector_load %arg11[%swap3A_164, %swap3A_165] {strides = array<i32>} : memref<32x768xf32, #tpu.memory_space<vmem>>, vector<1x16xf32>,
      %swap3A_167 = vector.shape_cast %swap3A_166 : vector<1x16xf32> to vector<16xf32>
      %swap3A_168 = vector.shape_cast %get3A_163 : vector<16xf32> to vector<1x16xf32>
      tpu.vector_store %arg11[%swap3A_164, %swap3A_165], %swap3A_168 {strides = array<i32>} : memref<32x768xf32, #tpu.memory_space<vmem>>, vector<1x16xf32>,
      %get3A_169 = arith.constant 240 : index
      %get3A_170 = tpu.vector_load %arg12[%get3A_169] {strides = array<i32>} : memref<768xf32, #tpu.memory_space<vmem>>, vector<16xf32>,
      %get3A_171 = vector.shape_cast %get3A_170 : vector<16xf32> to vector<16xf32>
      %swap3A_172 = arith.index_cast %scan3A_50 : i32 to index
      %swap3A_173 = arith.constant 240 : index
      %swap3A_174 = tpu.vector_load %arg11[%swap3A_172, %swap3A_173] {strides = array<i32>} : memref<32x768xf32, #tpu.memory_space<vmem>>, vector<1x16xf32>,
      %swap3A_175 = vector.shape_cast %swap3A_174 : vector<1x16xf32> to vector<16xf32>
      %swap3A_176 = vector.shape_cast %get3A_171 : vector<16xf32> to vector<1x16xf32>
      tpu.vector_store %arg11[%swap3A_172, %swap3A_173], %swap3A_176 {strides = array<i32>} : memref<32x768xf32, #tpu.memory_space<vmem>>, vector<1x16xf32>,
      %get3A_177 = arith.constant 256 : index
      %get3A_178 = tpu.vector_load %arg12[%get3A_177] {strides = array<i32>} : memref<768xf32, #tpu.memory_space<vmem>>, vector<16xf32>,
      %get3A_179 = vector.shape_cast %get3A_178 : vector<16xf32> to vector<16xf32>
      %swap3A_180 = arith.index_cast %scan3A_50 : i32 to index
      %swap3A_181 = arith.constant 256 : index
      %swap3A_182 = tpu.vector_load %arg11[%swap3A_180, %swap3A_181] {strides = array<i32>} : memref<32x768xf32, #tpu.memory_space<vmem>>, vector<1x16xf32>,
      %swap3A_183 = vector.shape_cast %swap3A_182 : vector<1x16xf32> to vector<16xf32>
      %swap3A_184 = vector.shape_cast %get3A_179 : vector<16xf32> to vector<1x16xf32>
      tpu.vector_store %arg11[%swap3A_180, %swap3A_181], %swap3A_184 {strides = array<i32>} : memref<32x768xf32, #tpu.memory_space<vmem>>, vector<1x16xf32>,
      %get3A_185 = arith.constant 272 : index
      %get3A_186 = tpu.vector_load %arg12[%get3A_185] {strides = array<i32>} : memref<768xf32, #tpu.memory_space<vmem>>, vector<16xf32>,
      %get3A_187 = vector.shape_cast %get3A_186 : vector<16xf32> to vector<16xf32>
      %swap3A_188 = arith.index_cast %scan3A_50 : i32 to index
      %swap3A_189 = arith.constant 272 : index
      %swap3A_190 = tpu.vector_load %arg11[%swap3A_188, %swap3A_189] {strides = array<i32>} : memref<32x768xf32, #tpu.memory_space<vmem>>, vector<1x16xf32>,
      %swap3A_191 = vector.shape_cast %swap3A_190 : vector<1x16xf32> to vector<16xf32>
      %swap3A_192 = vector.shape_cast %get3A_187 : vector<16xf32> to vector<1x16xf32>
      tpu.vector_store %arg11[%swap3A_188, %swap3A_189], %swap3A_192 {strides = array<i32>} : memref<32x768xf32, #tpu.memory_space<vmem>>, vector<1x16xf32>,
      %get3A_193 = arith.constant 288 : index
      %get3A_194 = tpu.vector_load %arg12[%get3A_193] {strides = array<i32>} : memref<768xf32, #tpu.memory_space<vmem>>, vector<16xf32>,
      %get3A_195 = vector.shape_cast %get3A_194 : vector<16xf32> to vector<16xf32>
      %swap3A_196 = arith.index_cast %scan3A_50 : i32 to index
      %swap3A_197 = arith.constant 288 : index
      %swap3A_198 = tpu.vector_load %arg11[%swap3A_196, %swap3A_197] {strides = array<i32>} : memref<32x768xf32, #tpu.memory_space<vmem>>, vector<1x16xf32>,
      %swap3A_199 = vector.shape_cast %swap3A_198 : vector<1x16xf32> to vector<16xf32>
      %swap3A_200 = vector.shape_cast %get3A_195 : vector<16xf32> to vector<1x16xf32>
      tpu.vector_store %arg11[%swap3A_196, %swap3A_197], %swap3A_200 {strides = array<i32>} : memref<32x768xf32, #tpu.memory_space<vmem>>, vector<1x16xf32>,
      %get3A_201 = arith.constant 304 : index
      %get3A_202 = tpu.vector_load %arg12[%get3A_201] {strides = array<i32>} : memref<768xf32, #tpu.memory_space<vmem>>, vector<16xf32>,
      %get3A_203 = vector.shape_cast %get3A_202 : vector<16xf32> to vector<16xf32>
      %swap3A_204 = arith.index_cast %scan3A_50 : i32 to index
      %swap3A_205 = arith.constant 304 : index
      %swap3A_206 = tpu.vector_load %arg11[%swap3A_204, %swap3A_205] {strides = array<i32>} : memref<32x768xf32, #tpu.memory_space<vmem>>, vector<1x16xf32>,
      %swap3A_207 = vector.shape_cast %swap3A_206 : vector<1x16xf32> to vector<16xf32>
      %swap3A_208 = vector.shape_cast %get3A_203 : vector<16xf32> to vector<1x16xf32>
      tpu.vector_store %arg11[%swap3A_204, %swap3A_205], %swap3A_208 {strides = array<i32>} : memref<32x768xf32, #tpu.memory_space<vmem>>, vector<1x16xf32>,
      %get3A_209 = arith.constant 320 : index
      %get3A_210 = tpu.vector_load %arg12[%get3A_209] {strides = array<i32>} : memref<768xf32, #tpu.memory_space<vmem>>, vector<16xf32>,
      %get3A_211 = vector.shape_cast %get3A_210 : vector<16xf32> to vector<16xf32>
      %swap3A_212 = arith.index_cast %scan3A_50 : i32 to index
      %swap3A_213 = arith.constant 320 : index
      %swap3A_214 = tpu.vector_load %arg11[%swap3A_212, %swap3A_213] {strides = array<i32>} : memref<32x768xf32, #tpu.memory_space<vmem>>, vector<1x16xf32>,
      %swap3A_215 = vector.shape_cast %swap3A_214 : vector<1x16xf32> to vector<16xf32>
      %swap3A_216 = vector.shape_cast %get3A_211 : vector<16xf32> to vector<1x16xf32>
      tpu.vector_store %arg11[%swap3A_212, %swap3A_213], %swap3A_216 {strides = array<i32>} : memref<32x768xf32, #tpu.memory_space<vmem>>, vector<1x16xf32>,
      %get3A_217 = arith.constant 336 : index
      %get3A_218 = tpu.vector_load %arg12[%get3A_217] {strides = array<i32>} : memref<768xf32, #tpu.memory_space<vmem>>, vector<16xf32>,
      %get3A_219 = vector.shape_cast %get3A_218 : vector<16xf32> to vector<16xf32>
      %swap3A_220 = arith.index_cast %scan3A_50 : i32 to index
      %swap3A_221 = arith.constant 336 : index
      %swap3A_222 = tpu.vector_load %arg11[%swap3A_220, %swap3A_221] {strides = array<i32>} : memref<32x768xf32, #tpu.memory_space<vmem>>, vector<1x16xf32>,
      %swap3A_223 = vector.shape_cast %swap3A_222 : vector<1x16xf32> to vector<16xf32>
      %swap3A_224 = vector.shape_cast %get3A_219 : vector<16xf32> to vector<1x16xf32>
      tpu.vector_store %arg11[%swap3A_220, %swap3A_221], %swap3A_224 {strides = array<i32>} : memref<32x768xf32, #tpu.memory_space<vmem>>, vector<1x16xf32>,
      %get3A_225 = arith.constant 352 : index
      %get3A_226 = tpu.vector_load %arg12[%get3A_225] {strides = array<i32>} : memref<768xf32, #tpu.memory_space<vmem>>, vector<16xf32>,
      %get3A_227 = vector.shape_cast %get3A_226 : vector<16xf32> to vector<16xf32>
      %swap3A_228 = arith.index_cast %scan3A_50 : i32 to index
      %swap3A_229 = arith.constant 352 : index
      %swap3A_230 = tpu.vector_load %arg11[%swap3A_228, %swap3A_229] {strides = array<i32>} : memref<32x768xf32, #tpu.memory_space<vmem>>, vector<1x16xf32>,
      %swap3A_231 = vector.shape_cast %swap3A_230 : vector<1x16xf32> to vector<16xf32>
      %swap3A_232 = vector.shape_cast %get3A_227 : vector<16xf32> to vector<1x16xf32>
      tpu.vector_store %arg11[%swap3A_228, %swap3A_229], %swap3A_232 {strides = array<i32>} : memref<32x768xf32, #tpu.memory_space<vmem>>, vector<1x16xf32>,
      %get3A_233 = arith.constant 368 : index
      %get3A_234 = tpu.vector_load %arg12[%get3A_233] {strides = array<i32>} : memref<768xf32, #tpu.memory_space<vmem>>, vector<16xf32>,
      %get3A_235 = vector.shape_cast %get3A_234 : vector<16xf32> to vector<16xf32>
      %swap3A_236 = arith.index_cast %scan3A_50 : i32 to index
      %swap3A_237 = arith.constant 368 : index
      %swap3A_238 = tpu.vector_load %arg11[%swap3A_236, %swap3A_237] {strides = array<i32>} : memref<32x768xf32, #tpu.memory_space<vmem>>, vector<1x16xf32>,
      %swap3A_239 = vector.shape_cast %swap3A_238 : vector<1x16xf32> to vector<16xf32>
      %swap3A_240 = vector.shape_cast %get3A_235 : vector<16xf32> to vector<1x16xf32>
      tpu.vector_store %arg11[%swap3A_236, %swap3A_237], %swap3A_240 {strides = array<i32>} : memref<32x768xf32, #tpu.memory_space<vmem>>, vector<1x16xf32>,
      %get3A_241 = arith.constant 384 : index
      %get3A_242 = tpu.vector_load %arg12[%get3A_241] {strides = array<i32>} : memref<768xf32, #tpu.memory_space<vmem>>, vector<16xf32>,
      %get3A_243 = vector.shape_cast %get3A_242 : vector<16xf32> to vector<16xf32>
      %swap3A_244 = arith.index_cast %scan3A_50 : i32 to index
      %swap3A_245 = arith.constant 384 : index
      %swap3A_246 = tpu.vector_load %arg11[%swap3A_244, %swap3A_245] {strides = array<i32>} : memref<32x768xf32, #tpu.memory_space<vmem>>, vector<1x16xf32>,
      %swap3A_247 = vector.shape_cast %swap3A_246 : vector<1x16xf32> to vector<16xf32>
      %swap3A_248 = vector.shape_cast %get3A_243 : vector<16xf32> to vector<1x16xf32>
      tpu.vector_store %arg11[%swap3A_244, %swap3A_245], %swap3A_248 {strides = array<i32>} : memref<32x768xf32, #tpu.memory_space<vmem>>, vector<1x16xf32>,
      %get3A_249 = arith.constant 400 : index
      %get3A_250 = tpu.vector_load %arg12[%get3A_249] {strides = array<i32>} : memref<768xf32, #tpu.memory_space<vmem>>, vector<16xf32>,
      %get3A_251 = vector.shape_cast %get3A_250 : vector<16xf32> to vector<16xf32>
      %swap3A_252 = arith.index_cast %scan3A_50 : i32 to index
      %swap3A_253 = arith.constant 400 : index
      %swap3A_254 = tpu.vector_load %arg11[%swap3A_252, %swap3A_253] {strides = array<i32>} : memref<32x768xf32, #tpu.memory_space<vmem>>, vector<1x16xf32>,
      %swap3A_255 = vector.shape_cast %swap3A_254 : vector<1x16xf32> to vector<16xf32>
      %swap3A_256 = vector.shape_cast %get3A_251 : vector<16xf32> to vector<1x16xf32>
      tpu.vector_store %arg11[%swap3A_252, %swap3A_253], %swap3A_256 {strides = array<i32>} : memref<32x768xf32, #tpu.memory_space<vmem>>, vector<1x16xf32>,
      %get3A_257 = arith.constant 416 : index
      %get3A_258 = tpu.vector_load %arg12[%get3A_257] {strides = array<i32>} : memref<768xf32, #tpu.memory_space<vmem>>, vector<16xf32>,
      %get3A_259 = vector.shape_cast %get3A_258 : vector<16xf32> to vector<16xf32>
      %swap3A_260 = arith.index_cast %scan3A_50 : i32 to index
      %swap3A_261 = arith.constant 416 : index
      %swap3A_262 = tpu.vector_load %arg11[%swap3A_260, %swap3A_261] {strides = array<i32>} : memref<32x768xf32, #tpu.memory_space<vmem>>, vector<1x16xf32>,
      %swap3A_263 = vector.shape_cast %swap3A_262 : vector<1x16xf32> to vector<16xf32>
      %swap3A_264 = vector.shape_cast %get3A_259 : vector<16xf32> to vector<1x16xf32>
      tpu.vector_store %arg11[%swap3A_260, %swap3A_261], %swap3A_264 {strides = array<i32>} : memref<32x768xf32, #tpu.memory_space<vmem>>, vector<1x16xf32>,
      %get3A_265 = arith.constant 432 : index
      %get3A_266 = tpu.vector_load %arg12[%get3A_265] {strides = array<i32>} : memref<768xf32, #tpu.memory_space<vmem>>, vector<16xf32>,
      %get3A_267 = vector.shape_cast %get3A_266 : vector<16xf32> to vector<16xf32>
      %swap3A_268 = arith.index_cast %scan3A_50 : i32 to index
      %swap3A_269 = arith.constant 432 : index
      %swap3A_270 = tpu.vector_load %arg11[%swap3A_268, %swap3A_269] {strides = array<i32>} : memref<32x768xf32, #tpu.memory_space<vmem>>, vector<1x16xf32>,
      %swap3A_271 = vector.shape_cast %swap3A_270 : vector<1x16xf32> to vector<16xf32>
      %swap3A_272 = vector.shape_cast %get3A_267 : vector<16xf32> to vector<1x16xf32>
      tpu.vector_store %arg11[%swap3A_268, %swap3A_269], %swap3A_272 {strides = array<i32>} : memref<32x768xf32, #tpu.memory_space<vmem>>, vector<1x16xf32>,
      %get3A_273 = arith.constant 448 : index
      %get3A_274 = tpu.vector_load %arg12[%get3A_273] {strides = array<i32>} : memref<768xf32, #tpu.memory_space<vmem>>, vector<16xf32>,
      %get3A_275 = vector.shape_cast %get3A_274 : vector<16xf32> to vector<16xf32>
      %swap3A_276 = arith.index_cast %scan3A_50 : i32 to index
      %swap3A_277 = arith.constant 448 : index
      %swap3A_278 = tpu.vector_load %arg11[%swap3A_276, %swap3A_277] {strides = array<i32>} : memref<32x768xf32, #tpu.memory_space<vmem>>, vector<1x16xf32>,
      %swap3A_279 = vector.shape_cast %swap3A_278 : vector<1x16xf32> to vector<16xf32>
      %swap3A_280 = vector.shape_cast %get3A_275 : vector<16xf32> to vector<1x16xf32>
      tpu.vector_store %arg11[%swap3A_276, %swap3A_277], %swap3A_280 {strides = array<i32>} : memref<32x768xf32, #tpu.memory_space<vmem>>, vector<1x16xf32>,
      %get3A_281 = arith.constant 464 : index
      %get3A_282 = tpu.vector_load %arg12[%get3A_281] {strides = array<i32>} : memref<768xf32, #tpu.memory_space<vmem>>, vector<16xf32>,
      %get3A_283 = vector.shape_cast %get3A_282 : vector<16xf32> to vector<16xf32>
      %swap3A_284 = arith.index_cast %scan3A_50 : i32 to index
      %swap3A_285 = arith.constant 464 : index
      %swap3A_286 = tpu.vector_load %arg11[%swap3A_284, %swap3A_285] {strides = array<i32>} : memref<32x768xf32, #tpu.memory_space<vmem>>, vector<1x16xf32>,
      %swap3A_287 = vector.shape_cast %swap3A_286 : vector<1x16xf32> to vector<16xf32>
      %swap3A_288 = vector.shape_cast %get3A_283 : vector<16xf32> to vector<1x16xf32>
      tpu.vector_store %arg11[%swap3A_284, %swap3A_285], %swap3A_288 {strides = array<i32>} : memref<32x768xf32, #tpu.memory_space<vmem>>, vector<1x16xf32>,
      %get3A_289 = arith.constant 480 : index
      %get3A_290 = tpu.vector_load %arg12[%get3A_289] {strides = array<i32>} : memref<768xf32, #tpu.memory_space<vmem>>, vector<16xf32>,
      %get3A_291 = vector.shape_cast %get3A_290 : vector<16xf32> to vector<16xf32>
      %swap3A_292 = arith.index_cast %scan3A_50 : i32 to index
      %swap3A_293 = arith.constant 480 : index
      %swap3A_294 = tpu.vector_load %arg11[%swap3A_292, %swap3A_293] {strides = array<i32>} : memref<32x768xf32, #tpu.memory_space<vmem>>, vector<1x16xf32>,
      %swap3A_295 = vector.shape_cast %swap3A_294 : vector<1x16xf32> to vector<16xf32>
      %swap3A_296 = vector.shape_cast %get3A_291 : vector<16xf32> to vector<1x16xf32>
      tpu.vector_store %arg11[%swap3A_292, %swap3A_293], %swap3A_296 {strides = array<i32>} : memref<32x768xf32, #tpu.memory_space<vmem>>, vector<1x16xf32>,
      %get3A_297 = arith.constant 496 : index
      %get3A_298 = tpu.vector_load %arg12[%get3A_297] {strides = array<i32>} : memref<768xf32, #tpu.memory_space<vmem>>, vector<16xf32>,
      %get3A_299 = vector.shape_cast %get3A_298 : vector<16xf32> to vector<16xf32>
      %swap3A_300 = arith.index_cast %scan3A_50 : i32 to index
      %swap3A_301 = arith.constant 496 : index
      %swap3A_302 = tpu.vector_load %arg11[%swap3A_300, %swap3A_301] {strides = array<i32>} : memref<32x768xf32, #tpu.memory_space<vmem>>, vector<1x16xf32>,
      %swap3A_303 = vector.shape_cast %swap3A_302 : vector<1x16xf32> to vector<16xf32>
      %swap3A_304 = vector.shape_cast %get3A_299 : vector<16xf32> to vector<1x16xf32>
      tpu.vector_store %arg11[%swap3A_300, %swap3A_301], %swap3A_304 {strides = array<i32>} : memref<32x768xf32, #tpu.memory_space<vmem>>, vector<1x16xf32>,
      %get3A_305 = arith.constant 512 : index
      %get3A_306 = tpu.vector_load %arg12[%get3A_305] {strides = array<i32>} : memref<768xf32, #tpu.memory_space<vmem>>, vector<16xf32>,
      %get3A_307 = vector.shape_cast %get3A_306 : vector<16xf32> to vector<16xf32>
      %swap3A_308 = arith.index_cast %scan3A_50 : i32 to index
      %swap3A_309 = arith.constant 512 : index
      %swap3A_310 = tpu.vector_load %arg11[%swap3A_308, %swap3A_309] {strides = array<i32>} : memref<32x768xf32, #tpu.memory_space<vmem>>, vector<1x16xf32>,
      %swap3A_311 = vector.shape_cast %swap3A_310 : vector<1x16xf32> to vector<16xf32>
      %swap3A_312 = vector.shape_cast %get3A_307 : vector<16xf32> to vector<1x16xf32>
      tpu.vector_store %arg11[%swap3A_308, %swap3A_309], %swap3A_312 {strides = array<i32>} : memref<32x768xf32, #tpu.memory_space<vmem>>, vector<1x16xf32>,
      %get3A_313 = arith.constant 528 : index
      %get3A_314 = tpu.vector_load %arg12[%get3A_313] {strides = array<i32>} : memref<768xf32, #tpu.memory_space<vmem>>, vector<16xf32>,
      %get3A_315 = vector.shape_cast %get3A_314 : vector<16xf32> to vector<16xf32>
      %swap3A_316 = arith.index_cast %scan3A_50 : i32 to index
      %swap3A_317 = arith.constant 528 : index
      %swap3A_318 = tpu.vector_load %arg11[%swap3A_316, %swap3A_317] {strides = array<i32>} : memref<32x768xf32, #tpu.memory_space<vmem>>, vector<1x16xf32>,
      %swap3A_319 = vector.shape_cast %swap3A_318 : vector<1x16xf32> to vector<16xf32>
      %swap3A_320 = vector.shape_cast %get3A_315 : vector<16xf32> to vector<1x16xf32>
      tpu.vector_store %arg11[%swap3A_316, %swap3A_317], %swap3A_320 {strides = array<i32>} : memref<32x768xf32, #tpu.memory_space<vmem>>, vector<1x16xf32>,
      %get3A_321 = arith.constant 544 : index
      %get3A_322 = tpu.vector_load %arg12[%get3A_321] {strides = array<i32>} : memref<768xf32, #tpu.memory_space<vmem>>, vector<16xf32>,
      %get3A_323 = vector.shape_cast %get3A_322 : vector<16xf32> to vector<16xf32>
      %swap3A_324 = arith.index_cast %scan3A_50 : i32 to index
      %swap3A_325 = arith.constant 544 : index
      %swap3A_326 = tpu.vector_load %arg11[%swap3A_324, %swap3A_325] {strides = array<i32>} : memref<32x768xf32, #tpu.memory_space<vmem>>, vector<1x16xf32>,
      %swap3A_327 = vector.shape_cast %swap3A_326 : vector<1x16xf32> to vector<16xf32>
      %swap3A_328 = vector.shape_cast %get3A_323 : vector<16xf32> to vector<1x16xf32>
      tpu.vector_store %arg11[%swap3A_324, %swap3A_325], %swap3A_328 {strides = array<i32>} : memref<32x768xf32, #tpu.memory_space<vmem>>, vector<1x16xf32>,
      %get3A_329 = arith.constant 560 : index
      %get3A_330 = tpu.vector_load %arg12[%get3A_329] {strides = array<i32>} : memref<768xf32, #tpu.memory_space<vmem>>, vector<16xf32>,
      %get3A_331 = vector.shape_cast %get3A_330 : vector<16xf32> to vector<16xf32>
      %swap3A_332 = arith.index_cast %scan3A_50 : i32 to index
      %swap3A_333 = arith.constant 560 : index
      %swap3A_334 = tpu.vector_load %arg11[%swap3A_332, %swap3A_333] {strides = array<i32>} : memref<32x768xf32, #tpu.memory_space<vmem>>, vector<1x16xf32>,
      %swap3A_335 = vector.shape_cast %swap3A_334 : vector<1x16xf32> to vector<16xf32>
      %swap3A_336 = vector.shape_cast %get3A_331 : vector<16xf32> to vector<1x16xf32>
      tpu.vector_store %arg11[%swap3A_332, %swap3A_333], %swap3A_336 {strides = array<i32>} : memref<32x768xf32, #tpu.memory_space<vmem>>, vector<1x16xf32>,
      %get3A_337 = arith.constant 576 : index
      %get3A_338 = tpu.vector_load %arg12[%get3A_337] {strides = array<i32>} : memref<768xf32, #tpu.memory_space<vmem>>, vector<16xf32>,
      %get3A_339 = vector.shape_cast %get3A_338 : vector<16xf32> to vector<16xf32>
      %swap3A_340 = arith.index_cast %scan3A_50 : i32 to index
      %swap3A_341 = arith.constant 576 : index
      %swap3A_342 = tpu.vector_load %arg11[%swap3A_340, %swap3A_341] {strides = array<i32>} : memref<32x768xf32, #tpu.memory_space<vmem>>, vector<1x16xf32>,
      %swap3A_343 = vector.shape_cast %swap3A_342 : vector<1x16xf32> to vector<16xf32>
      %swap3A_344 = vector.shape_cast %get3A_339 : vector<16xf32> to vector<1x16xf32>
      tpu.vector_store %arg11[%swap3A_340, %swap3A_341], %swap3A_344 {strides = array<i32>} : memref<32x768xf32, #tpu.memory_space<vmem>>, vector<1x16xf32>,
      %get3A_345 = arith.constant 592 : index
      %get3A_346 = tpu.vector_load %arg12[%get3A_345] {strides = array<i32>} : memref<768xf32, #tpu.memory_space<vmem>>, vector<16xf32>,
      %get3A_347 = vector.shape_cast %get3A_346 : vector<16xf32> to vector<16xf32>
      %swap3A_348 = arith.index_cast %scan3A_50 : i32 to index
      %swap3A_349 = arith.constant 592 : index
      %swap3A_350 = tpu.vector_load %arg11[%swap3A_348, %swap3A_349] {strides = array<i32>} : memref<32x768xf32, #tpu.memory_space<vmem>>, vector<1x16xf32>,
      %swap3A_351 = vector.shape_cast %swap3A_350 : vector<1x16xf32> to vector<16xf32>
      %swap3A_352 = vector.shape_cast %get3A_347 : vector<16xf32> to vector<1x16xf32>
      tpu.vector_store %arg11[%swap3A_348, %swap3A_349], %swap3A_352 {strides = array<i32>} : memref<32x768xf32, #tpu.memory_space<vmem>>, vector<1x16xf32>,
      %get3A_353 = arith.constant 608 : index
      %get3A_354 = tpu.vector_load %arg12[%get3A_353] {strides = array<i32>} : memref<768xf32, #tpu.memory_space<vmem>>, vector<16xf32>,
      %get3A_355 = vector.shape_cast %get3A_354 : vector<16xf32> to vector<16xf32>
      %swap3A_356 = arith.index_cast %scan3A_50 : i32 to index
      %swap3A_357 = arith.constant 608 : index
      %swap3A_358 = tpu.vector_load %arg11[%swap3A_356, %swap3A_357] {strides = array<i32>} : memref<32x768xf32, #tpu.memory_space<vmem>>, vector<1x16xf32>,
      %swap3A_359 = vector.shape_cast %swap3A_358 : vector<1x16xf32> to vector<16xf32>
      %swap3A_360 = vector.shape_cast %get3A_355 : vector<16xf32> to vector<1x16xf32>
      tpu.vector_store %arg11[%swap3A_356, %swap3A_357], %swap3A_360 {strides = array<i32>} : memref<32x768xf32, #tpu.memory_space<vmem>>, vector<1x16xf32>,
      %get3A_361 = arith.constant 624 : index
      %get3A_362 = tpu.vector_load %arg12[%get3A_361] {strides = array<i32>} : memref<768xf32, #tpu.memory_space<vmem>>, vector<16xf32>,
      %get3A_363 = vector.shape_cast %get3A_362 : vector<16xf32> to vector<16xf32>
      %swap3A_364 = arith.index_cast %scan3A_50 : i32 to index
      %swap3A_365 = arith.constant 624 : index
      %swap3A_366 = tpu.vector_load %arg11[%swap3A_364, %swap3A_365] {strides = array<i32>} : memref<32x768xf32, #tpu.memory_space<vmem>>, vector<1x16xf32>,
      %swap3A_367 = vector.shape_cast %swap3A_366 : vector<1x16xf32> to vector<16xf32>
      %swap3A_368 = vector.shape_cast %get3A_363 : vector<16xf32> to vector<1x16xf32>
      tpu.vector_store %arg11[%swap3A_364, %swap3A_365], %swap3A_368 {strides = array<i32>} : memref<32x768xf32, #tpu.memory_space<vmem>>, vector<1x16xf32>,
      %get3A_369 = arith.constant 640 : index
      %get3A_370 = tpu.vector_load %arg12[%get3A_369] {strides = array<i32>} : memref<768xf32, #tpu.memory_space<vmem>>, vector<16xf32>,
      %get3A_371 = vector.shape_cast %get3A_370 : vector<16xf32> to vector<16xf32>
      %swap3A_372 = arith.index_cast %scan3A_50 : i32 to index
      %swap3A_373 = arith.constant 640 : index
      %swap3A_374 = tpu.vector_load %arg11[%swap3A_372, %swap3A_373] {strides = array<i32>} : memref<32x768xf32, #tpu.memory_space<vmem>>, vector<1x16xf32>,
      %swap3A_375 = vector.shape_cast %swap3A_374 : vector<1x16xf32> to vector<16xf32>
      %swap3A_376 = vector.shape_cast %get3A_371 : vector<16xf32> to vector<1x16xf32>
      tpu.vector_store %arg11[%swap3A_372, %swap3A_373], %swap3A_376 {strides = array<i32>} : memref<32x768xf32, #tpu.memory_space<vmem>>, vector<1x16xf32>,
      %get3A_377 = arith.constant 656 : index
      %get3A_378 = tpu.vector_load %arg12[%get3A_377] {strides = array<i32>} : memref<768xf32, #tpu.memory_space<vmem>>, vector<16xf32>,
      %get3A_379 = vector.shape_cast %get3A_378 : vector<16xf32> to vector<16xf32>
      %swap3A_380 = arith.index_cast %scan3A_50 : i32 to index
      %swap3A_381 = arith.constant 656 : index
      %swap3A_382 = tpu.vector_load %arg11[%swap3A_380, %swap3A_381] {strides = array<i32>} : memref<32x768xf32, #tpu.memory_space<vmem>>, vector<1x16xf32>,
      %swap3A_383 = vector.shape_cast %swap3A_382 : vector<1x16xf32> to vector<16xf32>
      %swap3A_384 = vector.shape_cast %get3A_379 : vector<16xf32> to vector<1x16xf32>
      tpu.vector_store %arg11[%swap3A_380, %swap3A_381], %swap3A_384 {strides = array<i32>} : memref<32x768xf32, #tpu.memory_space<vmem>>, vector<1x16xf32>,
      %get3A_385 = arith.constant 672 : index
      %get3A_386 = tpu.vector_load %arg12[%get3A_385] {strides = array<i32>} : memref<768xf32, #tpu.memory_space<vmem>>, vector<16xf32>,
      %get3A_387 = vector.shape_cast %get3A_386 : vector<16xf32> to vector<16xf32>
      %swap3A_388 = arith.index_cast %scan3A_50 : i32 to index
      %swap3A_389 = arith.constant 672 : index
      %swap3A_390 = tpu.vector_load %arg11[%swap3A_388, %swap3A_389] {strides = array<i32>} : memref<32x768xf32, #tpu.memory_space<vmem>>, vector<1x16xf32>,
      %swap3A_391 = vector.shape_cast %swap3A_390 : vector<1x16xf32> to vector<16xf32>
      %swap3A_392 = vector.shape_cast %get3A_387 : vector<16xf32> to vector<1x16xf32>
      tpu.vector_store %arg11[%swap3A_388, %swap3A_389], %swap3A_392 {strides = array<i32>} : memref<32x768xf32, #tpu.memory_space<vmem>>, vector<1x16xf32>,
      %get3A_393 = arith.constant 688 : index
      %get3A_394 = tpu.vector_load %arg12[%get3A_393] {strides = array<i32>} : memref<768xf32, #tpu.memory_space<vmem>>, vector<16xf32>,
      %get3A_395 = vector.shape_cast %get3A_394 : vector<16xf32> to vector<16xf32>
      %swap3A_396 = arith.index_cast %scan3A_50 : i32 to index
      %swap3A_397 = arith.constant 688 : index
      %swap3A_398 = tpu.vector_load %arg11[%swap3A_396, %swap3A_397] {strides = array<i32>} : memref<32x768xf32, #tpu.memory_space<vmem>>, vector<1x16xf32>,
      %swap3A_399 = vector.shape_cast %swap3A_398 : vector<1x16xf32> to vector<16xf32>
      %swap3A_400 = vector.shape_cast %get3A_395 : vector<16xf32> to vector<1x16xf32>
      tpu.vector_store %arg11[%swap3A_396, %swap3A_397], %swap3A_400 {strides = array<i32>} : memref<32x768xf32, #tpu.memory_space<vmem>>, vector<1x16xf32>,
      %get3A_401 = arith.constant 704 : index
      %get3A_402 = tpu.vector_load %arg12[%get3A_401] {strides = array<i32>} : memref<768xf32, #tpu.memory_space<vmem>>, vector<16xf32>,
      %get3A_403 = vector.shape_cast %get3A_402 : vector<16xf32> to vector<16xf32>
      %swap3A_404 = arith.index_cast %scan3A_50 : i32 to index
      %swap3A_405 = arith.constant 704 : index
      %swap3A_406 = tpu.vector_load %arg11[%swap3A_404, %swap3A_405] {strides = array<i32>} : memref<32x768xf32, #tpu.memory_space<vmem>>, vector<1x16xf32>,
      %swap3A_407 = vector.shape_cast %swap3A_406 : vector<1x16xf32> to vector<16xf32>
      %swap3A_408 = vector.shape_cast %get3A_403 : vector<16xf32> to vector<1x16xf32>
      tpu.vector_store %arg11[%swap3A_404, %swap3A_405], %swap3A_408 {strides = array<i32>} : memref<32x768xf32, #tpu.memory_space<vmem>>, vector<1x16xf32>,
      %get3A_409 = arith.constant 720 : index
      %get3A_410 = tpu.vector_load %arg12[%get3A_409] {strides = array<i32>} : memref<768xf32, #tpu.memory_space<vmem>>, vector<16xf32>,
      %get3A_411 = vector.shape_cast %get3A_410 : vector<16xf32> to vector<16xf32>
      %swap3A_412 = arith.index_cast %scan3A_50 : i32 to index
      %swap3A_413 = arith.constant 720 : index
      %swap3A_414 = tpu.vector_load %arg11[%swap3A_412, %swap3A_413] {strides = array<i32>} : memref<32x768xf32, #tpu.memory_space<vmem>>, vector<1x16xf32>,
      %swap3A_415 = vector.shape_cast %swap3A_414 : vector<1x16xf32> to vector<16xf32>
      %swap3A_416 = vector.shape_cast %get3A_411 : vector<16xf32> to vector<1x16xf32>
      tpu.vector_store %arg11[%swap3A_412, %swap3A_413], %swap3A_416 {strides = array<i32>} : memref<32x768xf32, #tpu.memory_space<vmem>>, vector<1x16xf32>,
      %get3A_417 = arith.constant 736 : index
      %get3A_418 = tpu.vector_load %arg12[%get3A_417] {strides = array<i32>} : memref<768xf32, #tpu.memory_space<vmem>>, vector<16xf32>,
      %get3A_419 = vector.shape_cast %get3A_418 : vector<16xf32> to vector<16xf32>
      %swap3A_420 = arith.index_cast %scan3A_50 : i32 to index
      %swap3A_421 = arith.constant 736 : index
      %swap3A_422 = tpu.vector_load %arg11[%swap3A_420, %swap3A_421] {strides = array<i32>} : memref<32x768xf32, #tpu.memory_space<vmem>>, vector<1x16xf32>,
      %swap3A_423 = vector.shape_cast %swap3A_422 : vector<1x16xf32> to vector<16xf32>
      %swap3A_424 = vector.shape_cast %get3A_419 : vector<16xf32> to vector<1x16xf32>
      tpu.vector_store %arg11[%swap3A_420, %swap3A_421], %swap3A_424 {strides = array<i32>} : memref<32x768xf32, #tpu.memory_space<vmem>>, vector<1x16xf32>,
      %get3A_425 = arith.constant 752 : index
      %get3A_426 = tpu.vector_load %arg12[%get3A_425] {strides = array<i32>} : memref<768xf32, #tpu.memory_space<vmem>>, vector<16xf32>,
      %get3A_427 = vector.shape_cast %get3A_426 : vector<16xf32> to vector<16xf32>
      %swap3A_428 = arith.index_cast %scan3A_50 : i32 to index
      %swap3A_429 = arith.constant 752 : index
      %swap3A_430 = tpu.vector_load %arg11[%swap3A_428, %swap3A_429] {strides = array<i32>} : memref<32x768xf32, #tpu.memory_space<vmem>>, vector<1x16xf32>,
      %swap3A_431 = vector.shape_cast %swap3A_430 : vector<1x16xf32> to vector<16xf32>
      %swap3A_432 = vector.shape_cast %get3A_427 : vector<16xf32> to vector<1x16xf32>
      tpu.vector_store %arg11[%swap3A_428, %swap3A_429], %swap3A_432 {strides = array<i32>} : memref<32x768xf32, #tpu.memory_space<vmem>>, vector<1x16xf32>,
    }
    %scan3A_9 = arith.constant 32 : i32
    %dma_start3A = arith.constant 0 : i32
    %dma_start3A_10 = tpu.memref_slice %arg7[%dma_start3A] : memref<6400xi32, #tpu.memory_space<vmem>> -> memref<40xi32, #tpu.memory_space<vmem>>
    %dma_start3A_11 = arith.constant 0 : i32
    %dma_start3A_12 = arith.constant 0 : i32
    %dma_start3A_13 = tpu.memref_slice %arg2[%dma_start3A_11, %dma_start3A_12] : memref<100000x768xf32, #tpu.memory_space<hbm>> -> memref<100000x768xf32, #tpu.memory_space<hbm>>
    tpu.enqueue_indirect_dma source(%dma_start3A_13 : memref<100000x768xf32, #tpu.memory_space<hbm>>) target(%arg8 : memref<40x768xf32, #tpu.memory_space<vmem>>) offsets(%dma_start3A_10 : memref<40xi32, #tpu.memory_space<vmem>>) semaphore(%arg14 : memref<!tpu.dma_semaphore, #tpu.memory_space<semaphore_mem>>)
    %dma_start3A_14 = arith.constant 40 : i32
    %dma_start3A_15 = tpu.memref_slice %arg7[%dma_start3A_14] : memref<6400xi32, #tpu.memory_space<vmem>> -> memref<40xi32, #tpu.memory_space<vmem>>
    %dma_start3A_16 = arith.constant 0 : i32
    %dma_start3A_17 = arith.constant 0 : i32
    %dma_start3A_18 = tpu.memref_slice %arg2[%dma_start3A_16, %dma_start3A_17] : memref<100000x768xf32, #tpu.memory_space<hbm>> -> memref<100000x768xf32, #tpu.memory_space<hbm>>
    tpu.enqueue_indirect_dma source(%dma_start3A_18 : memref<100000x768xf32, #tpu.memory_space<hbm>>) target(%arg9 : memref<40x768xf32, #tpu.memory_space<vmem>>) offsets(%dma_start3A_15 : memref<40xi32, #tpu.memory_space<vmem>>) semaphore(%arg15 : memref<!tpu.dma_semaphore, #tpu.memory_space<semaphore_mem>>)
    %dma_start3A_19 = arith.constant 80 : i32
    %dma_start3A_20 = tpu.memref_slice %arg7[%dma_start3A_19] : memref<6400xi32, #tpu.memory_space<vmem>> -> memref<40xi32, #tpu.memory_space<vmem>>
    %dma_start3A_21 = arith.constant 0 : i32
    %dma_start3A_22 = arith.constant 0 : i32
    %dma_start3A_23 = tpu.memref_slice %arg2[%dma_start3A_21, %dma_start3A_22] : memref<100000x768xf32, #tpu.memory_space<hbm>> -> memref<100000x768xf32, #tpu.memory_space<hbm>>
    tpu.enqueue_indirect_dma source(%dma_start3A_23 : memref<100000x768xf32, #tpu.memory_space<hbm>>) target(%arg10 : memref<40x768xf32, #tpu.memory_space<vmem>>) offsets(%dma_start3A_20 : memref<40xi32, #tpu.memory_space<vmem>>) semaphore(%arg16 : memref<!tpu.dma_semaphore, #tpu.memory_space<semaphore_mem>>)
    %scan3A_24 = arith.constant 0 : i32
    %scan3A_25 = arith.constant 0 : i32
    %scan3A_26 = arith.constant 53 : i32
    %scan3A_27 = arith.addi %scan3A_25, %scan3A_26 : i32
    %scan3A_28 = arith.constant 1 : i32
    scf.for %scan3A_50 = %scan3A_25 to %scan3A_27 step %scan3A_28  : i32 {
      %mul3A_51 = arith.constant 3 : i32
      %mul3A_52 = arith.muli %scan3A_50, %mul3A_51 : i32
      %add3A_53 = arith.constant 0 : i32
      %add3A_54 = arith.addi %mul3A_52, %add3A_53 : i32
      %jit3A = arith.constant 5 : i32
      %div3A = arith.divsi %add3A_54, %jit3A : i32
      %sign3A = arith.constant 0 : i32
      %sign3A_55 = arith.cmpi sgt, %add3A_54, %sign3A : i32
      %sign3A_56 = arith.extui %sign3A_55 : i1 to i32
      %sign3A_57 = arith.constant 0 : i32
      %sign3A_58 = arith.cmpi slt, %add3A_54, %sign3A_57 : i32
      %sign3A_59 = arith.extui %sign3A_58 : i1 to i32
      %sign3A_60 = arith.subi %sign3A_56, %sign3A_59 : i32
      %sign3A_61 = arith.constant 0 : i32
      %sign3A_62 = arith.cmpi sgt, %jit3A, %sign3A_61 : i32
      %sign3A_63 = arith.extui %sign3A_62 : i1 to i32
      %sign3A_64 = arith.constant 0 : i32
      %sign3A_65 = arith.cmpi slt, %jit3A, %sign3A_64 : i32
      %sign3A_66 = arith.extui %sign3A_65 : i1 to i32
      %sign3A_67 = arith.subi %sign3A_63, %sign3A_66 : i32
      %ne3A = arith.cmpi ne, %sign3A_60, %sign3A_67 : i32
      %rem3A = arith.remsi %add3A_54, %jit3A : i32
      %ne3A_68 = arith.constant 0 : i32
      %ne3A_69 = arith.cmpi ne, %rem3A, %ne3A_68 : i32
      %and3A = arith.andi %ne3A, %ne3A_69 : i1
      %sub3A = arith.constant 1 : i32
      %sub3A_70 = arith.subi %div3A, %sub3A : i32
      %select_n3A = arith.select %and3A, %sub3A_70, %div3A : i32
      %mul3A_71 = arith.constant 40 : i32
      %mul3A_72 = arith.muli %add3A_54, %mul3A_71 : i32
      %dma_wait3A_73 = tpu.memref_slice %arg7[%mul3A_72] : memref<6400xi32, #tpu.memory_space<vmem>> -> memref<40xi32, #tpu.memory_space<vmem>>
      %dma_wait3A_74 = arith.constant 0 : i32
      %dma_wait3A_75 = arith.constant 0 : i32
      %dma_wait3A_76 = tpu.memref_slice %arg2[%dma_wait3A_74, %dma_wait3A_75] : memref<100000x768xf32, #tpu.memory_space<hbm>> -> memref<100000x768xf32, #tpu.memory_space<hbm>>
      tpu.wait_indirect_dma semaphore(%arg14 : memref<!tpu.dma_semaphore, #tpu.memory_space<semaphore_mem>>) src(%dma_wait3A_76 : memref<100000x768xf32, #tpu.memory_space<hbm>>) dst(%arg8 : memref<40x768xf32, #tpu.memory_space<vmem>>)
      %scan3A_77 = arith.constant 0 : i32
      %scan3A_78 = arith.constant 0 : i32
      %scan3A_79 = arith.constant 48 : i32
      %scan3A_80 = arith.addi %scan3A_78, %scan3A_79 : i32
      %scan3A_81 = arith.constant 1 : i32
      scf.for %scan3A_181 = %scan3A_78 to %scan3A_80 step %scan3A_81  : i32 {
        %mul3A_182 = arith.constant 16 : i32
        %mul3A_183 = arith.muli %scan3A_181, %mul3A_182 : i32
        %multiple_of3A = tpu.assume_multiple %mul3A_183, 16 : i32
        %get3A = arith.constant 0 : i32
        %get3A_184 = arith.index_cast %get3A : i32 to index
        %get3A_185 = arith.index_cast %multiple_of3A : i32 to index
        %get3A_186 = tpu.vector_load %arg8[%get3A_184, %get3A_185] {strides = array<i32>} : memref<40x768xf32, #tpu.memory_space<vmem>>, vector<1x16xf32>,
        %get3A_187 = vector.shape_cast %get3A_186 : vector<1x16xf32> to vector<16xf32>
        %get3A_188 = arith.constant 1 : i32
        %get3A_189 = arith.index_cast %get3A_188 : i32 to index
        %get3A_190 = arith.index_cast %multiple_of3A : i32 to index
        %get3A_191 = tpu.vector_load %arg8[%get3A_189, %get3A_190] {strides = array<i32>} : memref<40x768xf32, #tpu.memory_space<vmem>>, vector<1x16xf32>,
        %get3A_192 = vector.shape_cast %get3A_191 : vector<1x16xf32> to vector<16xf32>
        %get3A_193 = arith.constant 2 : i32
        %get3A_194 = arith.index_cast %get3A_193 : i32 to index
        %get3A_195 = arith.index_cast %multiple_of3A : i32 to index
        %get3A_196 = tpu.vector_load %arg8[%get3A_194, %get3A_195] {strides = array<i32>} : memref<40x768xf32, #tpu.memory_space<vmem>>, vector<1x16xf32>,
        %get3A_197 = vector.shape_cast %get3A_196 : vector<1x16xf32> to vector<16xf32>
        %get3A_198 = arith.constant 3 : i32
        %get3A_199 = arith.index_cast %get3A_198 : i32 to index
        %get3A_200 = arith.index_cast %multiple_of3A : i32 to index
        %get3A_201 = tpu.vector_load %arg8[%get3A_199, %get3A_200] {strides = array<i32>} : memref<40x768xf32, #tpu.memory_space<vmem>>, vector<1x16xf32>,
        %get3A_202 = vector.shape_cast %get3A_201 : vector<1x16xf32> to vector<16xf32>
        %get3A_203 = arith.constant 4 : i32
        %get3A_204 = arith.index_cast %get3A_203 : i32 to index
        %get3A_205 = arith.index_cast %multiple_of3A : i32 to index
        %get3A_206 = tpu.vector_load %arg8[%get3A_204, %get3A_205] {strides = array<i32>} : memref<40x768xf32, #tpu.memory_space<vmem>>, vector<1x16xf32>,
        %get3A_207 = vector.shape_cast %get3A_206 : vector<1x16xf32> to vector<16xf32>
        %get3A_208 = arith.constant 5 : i32
        %get3A_209 = arith.index_cast %get3A_208 : i32 to index
        %get3A_210 = arith.index_cast %multiple_of3A : i32 to index
        %get3A_211 = tpu.vector_load %arg8[%get3A_209, %get3A_210] {strides = array<i32>} : memref<40x768xf32, #tpu.memory_space<vmem>>, vector<1x16xf32>,
        %get3A_212 = vector.shape_cast %get3A_211 : vector<1x16xf32> to vector<16xf32>
        %get3A_213 = arith.constant 6 : i32
        %get3A_214 = arith.index_cast %get3A_213 : i32 to index
        %get3A_215 = arith.index_cast %multiple_of3A : i32 to index
        %get3A_216 = tpu.vector_load %arg8[%get3A_214, %get3A_215] {strides = array<i32>} : memref<40x768xf32, #tpu.memory_space<vmem>>, vector<1x16xf32>,
        %get3A_217 = vector.shape_cast %get3A_216 : vector<1x16xf32> to vector<16xf32>
        %get3A_218 = arith.constant 7 : i32
        %get3A_219 = arith.index_cast %get3A_218 : i32 to index
        %get3A_220 = arith.index_cast %multiple_of3A : i32 to index
        %get3A_221 = tpu.vector_load %arg8[%get3A_219, %get3A_220] {strides = array<i32>} : memref<40x768xf32, #tpu.memory_space<vmem>>, vector<1x16xf32>,
        %get3A_222 = vector.shape_cast %get3A_221 : vector<1x16xf32> to vector<16xf32>
        %get3A_223 = arith.constant 8 : i32
        %get3A_224 = arith.index_cast %get3A_223 : i32 to index
        %get3A_225 = arith.index_cast %multiple_of3A : i32 to index
        %get3A_226 = tpu.vector_load %arg8[%get3A_224, %get3A_225] {strides = array<i32>} : memref<40x768xf32, #tpu.memory_space<vmem>>, vector<1x16xf32>,
        %get3A_227 = vector.shape_cast %get3A_226 : vector<1x16xf32> to vector<16xf32>
        %get3A_228 = arith.constant 9 : i32
        %get3A_229 = arith.index_cast %get3A_228 : i32 to index
        %get3A_230 = arith.index_cast %multiple_of3A : i32 to index
        %get3A_231 = tpu.vector_load %arg8[%get3A_229, %get3A_230] {strides = array<i32>} : memref<40x768xf32, #tpu.memory_space<vmem>>, vector<1x16xf32>,
        %get3A_232 = vector.shape_cast %get3A_231 : vector<1x16xf32> to vector<16xf32>
        %get3A_233 = arith.constant 10 : i32
        %get3A_234 = arith.index_cast %get3A_233 : i32 to index
        %get3A_235 = arith.index_cast %multiple_of3A : i32 to index
        %get3A_236 = tpu.vector_load %arg8[%get3A_234, %get3A_235] {strides = array<i32>} : memref<40x768xf32, #tpu.memory_space<vmem>>, vector<1x16xf32>,
        %get3A_237 = vector.shape_cast %get3A_236 : vector<1x16xf32> to vector<16xf32>
        %get3A_238 = arith.constant 11 : i32
        %get3A_239 = arith.index_cast %get3A_238 : i32 to index
        %get3A_240 = arith.index_cast %multiple_of3A : i32 to index
        %get3A_241 = tpu.vector_load %arg8[%get3A_239, %get3A_240] {strides = array<i32>} : memref<40x768xf32, #tpu.memory_space<vmem>>, vector<1x16xf32>,
        %get3A_242 = vector.shape_cast %get3A_241 : vector<1x16xf32> to vector<16xf32>
        %get3A_243 = arith.constant 12 : i32
        %get3A_244 = arith.index_cast %get3A_243 : i32 to index
        %get3A_245 = arith.index_cast %multiple_of3A : i32 to index
        %get3A_246 = tpu.vector_load %arg8[%get3A_244, %get3A_245] {strides = array<i32>} : memref<40x768xf32, #tpu.memory_space<vmem>>, vector<1x16xf32>,
        %get3A_247 = vector.shape_cast %get3A_246 : vector<1x16xf32> to vector<16xf32>
        %get3A_248 = arith.constant 13 : i32
        %get3A_249 = arith.index_cast %get3A_248 : i32 to index
        %get3A_250 = arith.index_cast %multiple_of3A : i32 to index
        %get3A_251 = tpu.vector_load %arg8[%get3A_249, %get3A_250] {strides = array<i32>} : memref<40x768xf32, #tpu.memory_space<vmem>>, vector<1x16xf32>,
        %get3A_252 = vector.shape_cast %get3A_251 : vector<1x16xf32> to vector<16xf32>
        %get3A_253 = arith.constant 14 : i32
        %get3A_254 = arith.index_cast %get3A_253 : i32 to index
        %get3A_255 = arith.index_cast %multiple_of3A : i32 to index
        %get3A_256 = tpu.vector_load %arg8[%get3A_254, %get3A_255] {strides = array<i32>} : memref<40x768xf32, #tpu.memory_space<vmem>>, vector<1x16xf32>,
        %get3A_257 = vector.shape_cast %get3A_256 : vector<1x16xf32> to vector<16xf32>
        %get3A_258 = arith.constant 15 : i32
        %get3A_259 = arith.index_cast %get3A_258 : i32 to index
        %get3A_260 = arith.index_cast %multiple_of3A : i32 to index
        %get3A_261 = tpu.vector_load %arg8[%get3A_259, %get3A_260] {strides = array<i32>} : memref<40x768xf32, #tpu.memory_space<vmem>>, vector<1x16xf32>,
        %get3A_262 = vector.shape_cast %get3A_261 : vector<1x16xf32> to vector<16xf32>
        %get3A_263 = arith.constant 16 : i32
        %get3A_264 = arith.index_cast %get3A_263 : i32 to index
        %get3A_265 = arith.index_cast %multiple_of3A : i32 to index
        %get3A_266 = tpu.vector_load %arg8[%get3A_264, %get3A_265] {strides = array<i32>} : memref<40x768xf32, #tpu.memory_space<vmem>>, vector<1x16xf32>,
        %get3A_267 = vector.shape_cast %get3A_266 : vector<1x16xf32> to vector<16xf32>
        %get3A_268 = arith.constant 17 : i32
        %get3A_269 = arith.index_cast %get3A_268 : i32 to index
        %get3A_270 = arith.index_cast %multiple_of3A : i32 to index
        %get3A_271 = tpu.vector_load %arg8[%get3A_269, %get3A_270] {strides = array<i32>} : memref<40x768xf32, #tpu.memory_space<vmem>>, vector<1x16xf32>,
        %get3A_272 = vector.shape_cast %get3A_271 : vector<1x16xf32> to vector<16xf32>
        %get3A_273 = arith.constant 18 : i32
        %get3A_274 = arith.index_cast %get3A_273 : i32 to index
        %get3A_275 = arith.index_cast %multiple_of3A : i32 to index
        %get3A_276 = tpu.vector_load %arg8[%get3A_274, %get3A_275] {strides = array<i32>} : memref<40x768xf32, #tpu.memory_space<vmem>>, vector<1x16xf32>,
        %get3A_277 = vector.shape_cast %get3A_276 : vector<1x16xf32> to vector<16xf32>
        %get3A_278 = arith.constant 19 : i32
        %get3A_279 = arith.index_cast %get3A_278 : i32 to index
        %get3A_280 = arith.index_cast %multiple_of3A : i32 to index
        %get3A_281 = tpu.vector_load %arg8[%get3A_279, %get3A_280] {strides = array<i32>} : memref<40x768xf32, #tpu.memory_space<vmem>>, vector<1x16xf32>,
        %get3A_282 = vector.shape_cast %get3A_281 : vector<1x16xf32> to vector<16xf32>
        %get3A_283 = arith.constant 20 : i32
        %get3A_284 = arith.index_cast %get3A_283 : i32 to index
        %get3A_285 = arith.index_cast %multiple_of3A : i32 to index
        %get3A_286 = tpu.vector_load %arg8[%get3A_284, %get3A_285] {strides = array<i32>} : memref<40x768xf32, #tpu.memory_space<vmem>>, vector<1x16xf32>,
        %get3A_287 = vector.shape_cast %get3A_286 : vector<1x16xf32> to vector<16xf32>
        %get3A_288 = arith.constant 21 : i32
        %get3A_289 = arith.index_cast %get3A_288 : i32 to index
        %get3A_290 = arith.index_cast %multiple_of3A : i32 to index
        %get3A_291 = tpu.vector_load %arg8[%get3A_289, %get3A_290] {strides = array<i32>} : memref<40x768xf32, #tpu.memory_space<vmem>>, vector<1x16xf32>,
        %get3A_292 = vector.shape_cast %get3A_291 : vector<1x16xf32> to vector<16xf32>
        %get3A_293 = arith.constant 22 : i32
        %get3A_294 = arith.index_cast %get3A_293 : i32 to index
        %get3A_295 = arith.index_cast %multiple_of3A : i32 to index
        %get3A_296 = tpu.vector_load %arg8[%get3A_294, %get3A_295] {strides = array<i32>} : memref<40x768xf32, #tpu.memory_space<vmem>>, vector<1x16xf32>,
        %get3A_297 = vector.shape_cast %get3A_296 : vector<1x16xf32> to vector<16xf32>
        %get3A_298 = arith.constant 23 : i32
        %get3A_299 = arith.index_cast %get3A_298 : i32 to index
        %get3A_300 = arith.index_cast %multiple_of3A : i32 to index
        %get3A_301 = tpu.vector_load %arg8[%get3A_299, %get3A_300] {strides = array<i32>} : memref<40x768xf32, #tpu.memory_space<vmem>>, vector<1x16xf32>,
        %get3A_302 = vector.shape_cast %get3A_301 : vector<1x16xf32> to vector<16xf32>
        %get3A_303 = arith.constant 24 : i32
        %get3A_304 = arith.index_cast %get3A_303 : i32 to index
        %get3A_305 = arith.index_cast %multiple_of3A : i32 to index
        %get3A_306 = tpu.vector_load %arg8[%get3A_304, %get3A_305] {strides = array<i32>} : memref<40x768xf32, #tpu.memory_space<vmem>>, vector<1x16xf32>,
        %get3A_307 = vector.shape_cast %get3A_306 : vector<1x16xf32> to vector<16xf32>
        %get3A_308 = arith.constant 25 : i32
        %get3A_309 = arith.index_cast %get3A_308 : i32 to index
        %get3A_310 = arith.index_cast %multiple_of3A : i32 to index
        %get3A_311 = tpu.vector_load %arg8[%get3A_309, %get3A_310] {strides = array<i32>} : memref<40x768xf32, #tpu.memory_space<vmem>>, vector<1x16xf32>,
        %get3A_312 = vector.shape_cast %get3A_311 : vector<1x16xf32> to vector<16xf32>
        %get3A_313 = arith.constant 26 : i32
        %get3A_314 = arith.index_cast %get3A_313 : i32 to index
        %get3A_315 = arith.index_cast %multiple_of3A : i32 to index
        %get3A_316 = tpu.vector_load %arg8[%get3A_314, %get3A_315] {strides = array<i32>} : memref<40x768xf32, #tpu.memory_space<vmem>>, vector<1x16xf32>,
        %get3A_317 = vector.shape_cast %get3A_316 : vector<1x16xf32> to vector<16xf32>
        %get3A_318 = arith.constant 27 : i32
        %get3A_319 = arith.index_cast %get3A_318 : i32 to index
        %get3A_320 = arith.index_cast %multiple_of3A : i32 to index
        %get3A_321 = tpu.vector_load %arg8[%get3A_319, %get3A_320] {strides = array<i32>} : memref<40x768xf32, #tpu.memory_space<vmem>>, vector<1x16xf32>,
        %get3A_322 = vector.shape_cast %get3A_321 : vector<1x16xf32> to vector<16xf32>
        %get3A_323 = arith.constant 28 : i32
        %get3A_324 = arith.index_cast %get3A_323 : i32 to index
        %get3A_325 = arith.index_cast %multiple_of3A : i32 to index
        %get3A_326 = tpu.vector_load %arg8[%get3A_324, %get3A_325] {strides = array<i32>} : memref<40x768xf32, #tpu.memory_space<vmem>>, vector<1x16xf32>,
        %get3A_327 = vector.shape_cast %get3A_326 : vector<1x16xf32> to vector<16xf32>
        %get3A_328 = arith.constant 29 : i32
        %get3A_329 = arith.index_cast %get3A_328 : i32 to index
        %get3A_330 = arith.index_cast %multiple_of3A : i32 to index
        %get3A_331 = tpu.vector_load %arg8[%get3A_329, %get3A_330] {strides = array<i32>} : memref<40x768xf32, #tpu.memory_space<vmem>>, vector<1x16xf32>,
        %get3A_332 = vector.shape_cast %get3A_331 : vector<1x16xf32> to vector<16xf32>
        %get3A_333 = arith.constant 30 : i32
        %get3A_334 = arith.index_cast %get3A_333 : i32 to index
        %get3A_335 = arith.index_cast %multiple_of3A : i32 to index
        %get3A_336 = tpu.vector_load %arg8[%get3A_334, %get3A_335] {strides = array<i32>} : memref<40x768xf32, #tpu.memory_space<vmem>>, vector<1x16xf32>,
        %get3A_337 = vector.shape_cast %get3A_336 : vector<1x16xf32> to vector<16xf32>
        %get3A_338 = arith.constant 31 : i32
        %get3A_339 = arith.index_cast %get3A_338 : i32 to index
        %get3A_340 = arith.index_cast %multiple_of3A : i32 to index
        %get3A_341 = tpu.vector_load %arg8[%get3A_339, %get3A_340] {strides = array<i32>} : memref<40x768xf32, #tpu.memory_space<vmem>>, vector<1x16xf32>,
        %get3A_342 = vector.shape_cast %get3A_341 : vector<1x16xf32> to vector<16xf32>
        %get3A_343 = arith.constant 32 : i32
        %get3A_344 = arith.index_cast %get3A_343 : i32 to index
        %get3A_345 = arith.index_cast %multiple_of3A : i32 to index
        %get3A_346 = tpu.vector_load %arg8[%get3A_344, %get3A_345] {strides = array<i32>} : memref<40x768xf32, #tpu.memory_space<vmem>>, vector<1x16xf32>,
        %get3A_347 = vector.shape_cast %get3A_346 : vector<1x16xf32> to vector<16xf32>
        %get3A_348 = arith.constant 33 : i32
        %get3A_349 = arith.index_cast %get3A_348 : i32 to index
        %get3A_350 = arith.index_cast %multiple_of3A : i32 to index
        %get3A_351 = tpu.vector_load %arg8[%get3A_349, %get3A_350] {strides = array<i32>} : memref<40x768xf32, #tpu.memory_space<vmem>>, vector<1x16xf32>,
        %get3A_352 = vector.shape_cast %get3A_351 : vector<1x16xf32> to vector<16xf32>
        %get3A_353 = arith.constant 34 : i32
        %get3A_354 = arith.index_cast %get3A_353 : i32 to index
        %get3A_355 = arith.index_cast %multiple_of3A : i32 to index
        %get3A_356 = tpu.vector_load %arg8[%get3A_354, %get3A_355] {strides = array<i32>} : memref<40x768xf32, #tpu.memory_space<vmem>>, vector<1x16xf32>,
        %get3A_357 = vector.shape_cast %get3A_356 : vector<1x16xf32> to vector<16xf32>
        %get3A_358 = arith.constant 35 : i32
        %get3A_359 = arith.index_cast %get3A_358 : i32 to index
        %get3A_360 = arith.index_cast %multiple_of3A : i32 to index
        %get3A_361 = tpu.vector_load %arg8[%get3A_359, %get3A_360] {strides = array<i32>} : memref<40x768xf32, #tpu.memory_space<vmem>>, vector<1x16xf32>,
        %get3A_362 = vector.shape_cast %get3A_361 : vector<1x16xf32> to vector<16xf32>
        %get3A_363 = arith.constant 36 : i32
        %get3A_364 = arith.index_cast %get3A_363 : i32 to index
        %get3A_365 = arith.index_cast %multiple_of3A : i32 to index
        %get3A_366 = tpu.vector_load %arg8[%get3A_364, %get3A_365] {strides = array<i32>} : memref<40x768xf32, #tpu.memory_space<vmem>>, vector<1x16xf32>,
        %get3A_367 = vector.shape_cast %get3A_366 : vector<1x16xf32> to vector<16xf32>
        %get3A_368 = arith.constant 37 : i32
        %get3A_369 = arith.index_cast %get3A_368 : i32 to index
        %get3A_370 = arith.index_cast %multiple_of3A : i32 to index
        %get3A_371 = tpu.vector_load %arg8[%get3A_369, %get3A_370] {strides = array<i32>} : memref<40x768xf32, #tpu.memory_space<vmem>>, vector<1x16xf32>,
        %get3A_372 = vector.shape_cast %get3A_371 : vector<1x16xf32> to vector<16xf32>
        %get3A_373 = arith.constant 38 : i32
        %get3A_374 = arith.index_cast %get3A_373 : i32 to index
        %get3A_375 = arith.index_cast %multiple_of3A : i32 to index
        %get3A_376 = tpu.vector_load %arg8[%get3A_374, %get3A_375] {strides = array<i32>} : memref<40x768xf32, #tpu.memory_space<vmem>>, vector<1x16xf32>,
        %get3A_377 = vector.shape_cast %get3A_376 : vector<1x16xf32> to vector<16xf32>
        %get3A_378 = arith.constant 39 : i32
        %get3A_379 = arith.index_cast %get3A_378 : i32 to index
        %get3A_380 = arith.index_cast %multiple_of3A : i32 to index
        %get3A_381 = tpu.vector_load %arg8[%get3A_379, %get3A_380] {strides = array<i32>} : memref<40x768xf32, #tpu.memory_space<vmem>>, vector<1x16xf32>,
        %get3A_382 = vector.shape_cast %get3A_381 : vector<1x16xf32> to vector<16xf32>
        %add3A_383 = arith.addf %get3A_187, %get3A_192 : vector<16xf32>
        %add3A_384 = arith.addf %get3A_197, %get3A_202 : vector<16xf32>
        %add3A_385 = arith.addf %get3A_207, %get3A_212 : vector<16xf32>
        %add3A_386 = arith.addf %get3A_217, %get3A_222 : vector<16xf32>
        %add3A_387 = arith.addf %get3A_227, %get3A_232 : vector<16xf32>
        %add3A_388 = arith.addf %get3A_237, %get3A_242 : vector<16xf32>
        %add3A_389 = arith.addf %get3A_247, %get3A_252 : vector<16xf32>
        %add3A_390 = arith.addf %get3A_257, %get3A_262 : vector<16xf32>
        %add3A_391 = arith.addf %get3A_267, %get3A_272 : vector<16xf32>
        %add3A_392 = arith.addf %get3A_277, %get3A_282 : vector<16xf32>
        %add3A_393 = arith.addf %get3A_287, %get3A_292 : vector<16xf32>
        %add3A_394 = arith.addf %get3A_297, %get3A_302 : vector<16xf32>
        %add3A_395 = arith.addf %get3A_307, %get3A_312 : vector<16xf32>
        %add3A_396 = arith.addf %get3A_317, %get3A_322 : vector<16xf32>
        %add3A_397 = arith.addf %get3A_327, %get3A_332 : vector<16xf32>
        %add3A_398 = arith.addf %get3A_337, %get3A_342 : vector<16xf32>
        %add3A_399 = arith.addf %get3A_347, %get3A_352 : vector<16xf32>
        %add3A_400 = arith.addf %get3A_357, %get3A_362 : vector<16xf32>
        %add3A_401 = arith.addf %get3A_367, %get3A_372 : vector<16xf32>
        %add3A_402 = arith.addf %get3A_377, %get3A_382 : vector<16xf32>
        %add3A_403 = arith.addf %add3A_383, %add3A_384 : vector<16xf32>
        %add3A_404 = arith.addf %add3A_385, %add3A_386 : vector<16xf32>
        %add3A_405 = arith.addf %add3A_387, %add3A_388 : vector<16xf32>
        %add3A_406 = arith.addf %add3A_389, %add3A_390 : vector<16xf32>
        %add3A_407 = arith.addf %add3A_391, %add3A_392 : vector<16xf32>
        %add3A_408 = arith.addf %add3A_393, %add3A_394 : vector<16xf32>
        %add3A_409 = arith.addf %add3A_395, %add3A_396 : vector<16xf32>
        %add3A_410 = arith.addf %add3A_397, %add3A_398 : vector<16xf32>
        %add3A_411 = arith.addf %add3A_399, %add3A_400 : vector<16xf32>
        %add3A_412 = arith.addf %add3A_401, %add3A_402 : vector<16xf32>
        %add3A_413 = arith.addf %add3A_403, %add3A_404 : vector<16xf32>
        %add3A_414 = arith.addf %add3A_405, %add3A_406 : vector<16xf32>
        %add3A_415 = arith.addf %add3A_407, %add3A_408 : vector<16xf32>
        %add3A_416 = arith.addf %add3A_409, %add3A_410 : vector<16xf32>
        %add3A_417 = arith.addf %add3A_411, %add3A_412 : vector<16xf32>
        %add3A_418 = arith.addf %add3A_413, %add3A_414 : vector<16xf32>
        %add3A_419 = arith.addf %add3A_415, %add3A_416 : vector<16xf32>
        %add3A_420 = arith.addf %add3A_418, %add3A_419 : vector<16xf32>
        %add3A_421 = arith.addf %add3A_420, %add3A_417 : vector<16xf32>
        %swap3A = arith.index_cast %select_n3A : i32 to index
        %swap3A_422 = arith.index_cast %multiple_of3A : i32 to index
        %swap3A_423 = tpu.vector_load %arg11[%swap3A, %swap3A_422] {strides = array<i32>} : memref<32x768xf32, #tpu.memory_space<vmem>>, vector<1x16xf32>,
        %swap3A_424 = vector.shape_cast %swap3A_423 : vector<1x16xf32> to vector<16xf32>
        %swap3A_425 = vector.shape_cast %add3A_421 : vector<16xf32> to vector<1x16xf32>
        tpu.vector_store %arg11[%swap3A, %swap3A_422], %swap3A_425 {add = true, strides = array<i32>} : memref<32x768xf32, #tpu.memory_space<vmem>>, vector<1x16xf32>,
      }
      %scan3A_82 = arith.constant 48 : i32
      %add3A_83 = arith.constant 3 : i32
      %add3A_84 = arith.addi %add3A_54, %add3A_83 : i32
      %lt3A = arith.constant 160 : i32
      %lt3A_85 = arith.cmpi slt, %add3A_84, %lt3A : i32
      %convert_element_type3A = arith.extui %lt3A_85 : i1 to i32
      %cond3A = arith.constant 0 : i32
      %cond3A_86 = arith.cmpi ne, %convert_element_type3A, %cond3A : i32
      scf.if %cond3A_86 {
        %add3A_181 = arith.constant 3 : i32
        %add3A_182 = arith.addi %add3A_54, %add3A_181 : i32
        %mul3A_183 = arith.constant 40 : i32
        %mul3A_184 = arith.muli %add3A_182, %mul3A_183 : i32
        %dma_start3A_185 = tpu.memref_slice %arg7[%mul3A_184] : memref<6400xi32, #tpu.memory_space<vmem>> -> memref<40xi32, #tpu.memory_space<vmem>>
        %dma_start3A_186 = arith.constant 0 : i32
        %dma_start3A_187 = arith.constant 0 : i32
        %dma_start3A_188 = tpu.memref_slice %arg2[%dma_start3A_186, %dma_start3A_187] : memref<100000x768xf32, #tpu.memory_space<hbm>> -> memref<100000x768xf32, #tpu.memory_space<hbm>>
        tpu.enqueue_indirect_dma source(%dma_start3A_188 : memref<100000x768xf32, #tpu.memory_space<hbm>>) target(%arg8 : memref<40x768xf32, #tpu.memory_space<vmem>>) offsets(%dma_start3A_185 : memref<40xi32, #tpu.memory_space<vmem>>) semaphore(%arg14 : memref<!tpu.dma_semaphore, #tpu.memory_space<semaphore_mem>>)
      } else {
      }
      %mul3A_87 = arith.constant 3 : i32
      %mul3A_88 = arith.muli %scan3A_50, %mul3A_87 : i32
      %add3A_89 = arith.constant 1 : i32
      %add3A_90 = arith.addi %mul3A_88, %add3A_89 : i32
      %jit3A_91 = arith.constant 5 : i32
      %div3A_92 = arith.divsi %add3A_90, %jit3A_91 : i32
      %sign3A_93 = arith.constant 0 : i32
      %sign3A_94 = arith.cmpi sgt, %add3A_90, %sign3A_93 : i32
      %sign3A_95 = arith.extui %sign3A_94 : i1 to i32
      %sign3A_96 = arith.constant 0 : i32
      %sign3A_97 = arith.cmpi slt, %add3A_90, %sign3A_96 : i32
      %sign3A_98 = arith.extui %sign3A_97 : i1 to i32
      %sign3A_99 = arith.subi %sign3A_95, %sign3A_98 : i32
      %sign3A_100 = arith.constant 0 : i32
      %sign3A_101 = arith.cmpi sgt, %jit3A_91, %sign3A_100 : i32
      %sign3A_102 = arith.extui %sign3A_101 : i1 to i32
      %sign3A_103 = arith.constant 0 : i32
      %sign3A_104 = arith.cmpi slt, %jit3A_91, %sign3A_103 : i32
      %sign3A_105 = arith.extui %sign3A_104 : i1 to i32
      %sign3A_106 = arith.subi %sign3A_102, %sign3A_105 : i32
      %ne3A_107 = arith.cmpi ne, %sign3A_99, %sign3A_106 : i32
      %rem3A_108 = arith.remsi %add3A_90, %jit3A_91 : i32
      %ne3A_109 = arith.constant 0 : i32
      %ne3A_110 = arith.cmpi ne, %rem3A_108, %ne3A_109 : i32
      %and3A_111 = arith.andi %ne3A_107, %ne3A_110 : i1
      %sub3A_112 = arith.constant 1 : i32
      %sub3A_113 = arith.subi %div3A_92, %sub3A_112 : i32
      %select_n3A_114 = arith.select %and3A_111, %sub3A_113, %div3A_92 : i32
      %mul3A_115 = arith.constant 40 : i32
      %mul3A_116 = arith.muli %add3A_90, %mul3A_115 : i32
      %dma_wait3A_117 = tpu.memref_slice %arg7[%mul3A_116] : memref<6400xi32, #tpu.memory_space<vmem>> -> memref<40xi32, #tpu.memory_space<vmem>>
      %dma_wait3A_118 = arith.constant 0 : i32
      %dma_wait3A_119 = arith.constant 0 : i32
      %dma_wait3A_120 = tpu.memref_slice %arg2[%dma_wait3A_118, %dma_wait3A_119] : memref<100000x768xf32, #tpu.memory_space<hbm>> -> memref<100000x768xf32, #tpu.memory_space<hbm>>
      tpu.wait_indirect_dma semaphore(%arg15 : memref<!tpu.dma_semaphore, #tpu.memory_space<semaphore_mem>>) src(%dma_wait3A_120 : memref<100000x768xf32, #tpu.memory_space<hbm>>) dst(%arg9 : memref<40x768xf32, #tpu.memory_space<vmem>>)
      %scan3A_121 = arith.constant 0 : i32
      %scan3A_122 = arith.constant 0 : i32
      %scan3A_123 = arith.constant 48 : i32
      %scan3A_124 = arith.addi %scan3A_122, %scan3A_123 : i32
      %scan3A_125 = arith.constant 1 : i32
      scf.for %scan3A_181 = %scan3A_122 to %scan3A_124 step %scan3A_125  : i32 {
        %mul3A_182 = arith.constant 16 : i32
        %mul3A_183 = arith.muli %scan3A_181, %mul3A_182 : i32
        %multiple_of3A = tpu.assume_multiple %mul3A_183, 16 : i32
        %get3A = arith.constant 0 : i32
        %get3A_184 = arith.index_cast %get3A : i32 to index
        %get3A_185 = arith.index_cast %multiple_of3A : i32 to index
        %get3A_186 = tpu.vector_load %arg9[%get3A_184, %get3A_185] {strides = array<i32>} : memref<40x768xf32, #tpu.memory_space<vmem>>, vector<1x16xf32>,
        %get3A_187 = vector.shape_cast %get3A_186 : vector<1x16xf32> to vector<16xf32>
        %get3A_188 = arith.constant 1 : i32
        %get3A_189 = arith.index_cast %get3A_188 : i32 to index
        %get3A_190 = arith.index_cast %multiple_of3A : i32 to index
        %get3A_191 = tpu.vector_load %arg9[%get3A_189, %get3A_190] {strides = array<i32>} : memref<40x768xf32, #tpu.memory_space<vmem>>, vector<1x16xf32>,
        %get3A_192 = vector.shape_cast %get3A_191 : vector<1x16xf32> to vector<16xf32>
        %get3A_193 = arith.constant 2 : i32
        %get3A_194 = arith.index_cast %get3A_193 : i32 to index
        %get3A_195 = arith.index_cast %multiple_of3A : i32 to index
        %get3A_196 = tpu.vector_load %arg9[%get3A_194, %get3A_195] {strides = array<i32>} : memref<40x768xf32, #tpu.memory_space<vmem>>, vector<1x16xf32>,
        %get3A_197 = vector.shape_cast %get3A_196 : vector<1x16xf32> to vector<16xf32>
        %get3A_198 = arith.constant 3 : i32
        %get3A_199 = arith.index_cast %get3A_198 : i32 to index
        %get3A_200 = arith.index_cast %multiple_of3A : i32 to index
        %get3A_201 = tpu.vector_load %arg9[%get3A_199, %get3A_200] {strides = array<i32>} : memref<40x768xf32, #tpu.memory_space<vmem>>, vector<1x16xf32>,
        %get3A_202 = vector.shape_cast %get3A_201 : vector<1x16xf32> to vector<16xf32>
        %get3A_203 = arith.constant 4 : i32
        %get3A_204 = arith.index_cast %get3A_203 : i32 to index
        %get3A_205 = arith.index_cast %multiple_of3A : i32 to index
        %get3A_206 = tpu.vector_load %arg9[%get3A_204, %get3A_205] {strides = array<i32>} : memref<40x768xf32, #tpu.memory_space<vmem>>, vector<1x16xf32>,
        %get3A_207 = vector.shape_cast %get3A_206 : vector<1x16xf32> to vector<16xf32>
        %get3A_208 = arith.constant 5 : i32
        %get3A_209 = arith.index_cast %get3A_208 : i32 to index
        %get3A_210 = arith.index_cast %multiple_of3A : i32 to index
        %get3A_211 = tpu.vector_load %arg9[%get3A_209, %get3A_210] {strides = array<i32>} : memref<40x768xf32, #tpu.memory_space<vmem>>, vector<1x16xf32>,
        %get3A_212 = vector.shape_cast %get3A_211 : vector<1x16xf32> to vector<16xf32>
        %get3A_213 = arith.constant 6 : i32
        %get3A_214 = arith.index_cast %get3A_213 : i32 to index
        %get3A_215 = arith.index_cast %multiple_of3A : i32 to index
        %get3A_216 = tpu.vector_load %arg9[%get3A_214, %get3A_215] {strides = array<i32>} : memref<40x768xf32, #tpu.memory_space<vmem>>, vector<1x16xf32>,
        %get3A_217 = vector.shape_cast %get3A_216 : vector<1x16xf32> to vector<16xf32>
        %get3A_218 = arith.constant 7 : i32
        %get3A_219 = arith.index_cast %get3A_218 : i32 to index
        %get3A_220 = arith.index_cast %multiple_of3A : i32 to index
        %get3A_221 = tpu.vector_load %arg9[%get3A_219, %get3A_220] {strides = array<i32>} : memref<40x768xf32, #tpu.memory_space<vmem>>, vector<1x16xf32>,
        %get3A_222 = vector.shape_cast %get3A_221 : vector<1x16xf32> to vector<16xf32>
        %get3A_223 = arith.constant 8 : i32
        %get3A_224 = arith.index_cast %get3A_223 : i32 to index
        %get3A_225 = arith.index_cast %multiple_of3A : i32 to index
        %get3A_226 = tpu.vector_load %arg9[%get3A_224, %get3A_225] {strides = array<i32>} : memref<40x768xf32, #tpu.memory_space<vmem>>, vector<1x16xf32>,
        %get3A_227 = vector.shape_cast %get3A_226 : vector<1x16xf32> to vector<16xf32>
        %get3A_228 = arith.constant 9 : i32
        %get3A_229 = arith.index_cast %get3A_228 : i32 to index
        %get3A_230 = arith.index_cast %multiple_of3A : i32 to index
        %get3A_231 = tpu.vector_load %arg9[%get3A_229, %get3A_230] {strides = array<i32>} : memref<40x768xf32, #tpu.memory_space<vmem>>, vector<1x16xf32>,
        %get3A_232 = vector.shape_cast %get3A_231 : vector<1x16xf32> to vector<16xf32>
        %get3A_233 = arith.constant 10 : i32
        %get3A_234 = arith.index_cast %get3A_233 : i32 to index
        %get3A_235 = arith.index_cast %multiple_of3A : i32 to index
        %get3A_236 = tpu.vector_load %arg9[%get3A_234, %get3A_235] {strides = array<i32>} : memref<40x768xf32, #tpu.memory_space<vmem>>, vector<1x16xf32>,
        %get3A_237 = vector.shape_cast %get3A_236 : vector<1x16xf32> to vector<16xf32>
        %get3A_238 = arith.constant 11 : i32
        %get3A_239 = arith.index_cast %get3A_238 : i32 to index
        %get3A_240 = arith.index_cast %multiple_of3A : i32 to index
        %get3A_241 = tpu.vector_load %arg9[%get3A_239, %get3A_240] {strides = array<i32>} : memref<40x768xf32, #tpu.memory_space<vmem>>, vector<1x16xf32>,
        %get3A_242 = vector.shape_cast %get3A_241 : vector<1x16xf32> to vector<16xf32>
        %get3A_243 = arith.constant 12 : i32
        %get3A_244 = arith.index_cast %get3A_243 : i32 to index
        %get3A_245 = arith.index_cast %multiple_of3A : i32 to index
        %get3A_246 = tpu.vector_load %arg9[%get3A_244, %get3A_245] {strides = array<i32>} : memref<40x768xf32, #tpu.memory_space<vmem>>, vector<1x16xf32>,
        %get3A_247 = vector.shape_cast %get3A_246 : vector<1x16xf32> to vector<16xf32>
        %get3A_248 = arith.constant 13 : i32
        %get3A_249 = arith.index_cast %get3A_248 : i32 to index
        %get3A_250 = arith.index_cast %multiple_of3A : i32 to index
        %get3A_251 = tpu.vector_load %arg9[%get3A_249, %get3A_250] {strides = array<i32>} : memref<40x768xf32, #tpu.memory_space<vmem>>, vector<1x16xf32>,
        %get3A_252 = vector.shape_cast %get3A_251 : vector<1x16xf32> to vector<16xf32>
        %get3A_253 = arith.constant 14 : i32
        %get3A_254 = arith.index_cast %get3A_253 : i32 to index
        %get3A_255 = arith.index_cast %multiple_of3A : i32 to index
        %get3A_256 = tpu.vector_load %arg9[%get3A_254, %get3A_255] {strides = array<i32>} : memref<40x768xf32, #tpu.memory_space<vmem>>, vector<1x16xf32>,
        %get3A_257 = vector.shape_cast %get3A_256 : vector<1x16xf32> to vector<16xf32>
        %get3A_258 = arith.constant 15 : i32
        %get3A_259 = arith.index_cast %get3A_258 : i32 to index
        %get3A_260 = arith.index_cast %multiple_of3A : i32 to index
        %get3A_261 = tpu.vector_load %arg9[%get3A_259, %get3A_260] {strides = array<i32>} : memref<40x768xf32, #tpu.memory_space<vmem>>, vector<1x16xf32>,
        %get3A_262 = vector.shape_cast %get3A_261 : vector<1x16xf32> to vector<16xf32>
        %get3A_263 = arith.constant 16 : i32
        %get3A_264 = arith.index_cast %get3A_263 : i32 to index
        %get3A_265 = arith.index_cast %multiple_of3A : i32 to index
        %get3A_266 = tpu.vector_load %arg9[%get3A_264, %get3A_265] {strides = array<i32>} : memref<40x768xf32, #tpu.memory_space<vmem>>, vector<1x16xf32>,
        %get3A_267 = vector.shape_cast %get3A_266 : vector<1x16xf32> to vector<16xf32>
        %get3A_268 = arith.constant 17 : i32
        %get3A_269 = arith.index_cast %get3A_268 : i32 to index
        %get3A_270 = arith.index_cast %multiple_of3A : i32 to index
        %get3A_271 = tpu.vector_load %arg9[%get3A_269, %get3A_270] {strides = array<i32>} : memref<40x768xf32, #tpu.memory_space<vmem>>, vector<1x16xf32>,
        %get3A_272 = vector.shape_cast %get3A_271 : vector<1x16xf32> to vector<16xf32>
        %get3A_273 = arith.constant 18 : i32
        %get3A_274 = arith.index_cast %get3A_273 : i32 to index
        %get3A_275 = arith.index_cast %multiple_of3A : i32 to index
        %get3A_276 = tpu.vector_load %arg9[%get3A_274, %get3A_275] {strides = array<i32>} : memref<40x768xf32, #tpu.memory_space<vmem>>, vector<1x16xf32>,
        %get3A_277 = vector.shape_cast %get3A_276 : vector<1x16xf32> to vector<16xf32>
        %get3A_278 = arith.constant 19 : i32
        %get3A_279 = arith.index_cast %get3A_278 : i32 to index
        %get3A_280 = arith.index_cast %multiple_of3A : i32 to index
        %get3A_281 = tpu.vector_load %arg9[%get3A_279, %get3A_280] {strides = array<i32>} : memref<40x768xf32, #tpu.memory_space<vmem>>, vector<1x16xf32>,
        %get3A_282 = vector.shape_cast %get3A_281 : vector<1x16xf32> to vector<16xf32>
        %get3A_283 = arith.constant 20 : i32
        %get3A_284 = arith.index_cast %get3A_283 : i32 to index
        %get3A_285 = arith.index_cast %multiple_of3A : i32 to index
        %get3A_286 = tpu.vector_load %arg9[%get3A_284, %get3A_285] {strides = array<i32>} : memref<40x768xf32, #tpu.memory_space<vmem>>, vector<1x16xf32>,
        %get3A_287 = vector.shape_cast %get3A_286 : vector<1x16xf32> to vector<16xf32>
        %get3A_288 = arith.constant 21 : i32
        %get3A_289 = arith.index_cast %get3A_288 : i32 to index
        %get3A_290 = arith.index_cast %multiple_of3A : i32 to index
        %get3A_291 = tpu.vector_load %arg9[%get3A_289, %get3A_290] {strides = array<i32>} : memref<40x768xf32, #tpu.memory_space<vmem>>, vector<1x16xf32>,
        %get3A_292 = vector.shape_cast %get3A_291 : vector<1x16xf32> to vector<16xf32>
        %get3A_293 = arith.constant 22 : i32
        %get3A_294 = arith.index_cast %get3A_293 : i32 to index
        %get3A_295 = arith.index_cast %multiple_of3A : i32 to index
        %get3A_296 = tpu.vector_load %arg9[%get3A_294, %get3A_295] {strides = array<i32>} : memref<40x768xf32, #tpu.memory_space<vmem>>, vector<1x16xf32>,
        %get3A_297 = vector.shape_cast %get3A_296 : vector<1x16xf32> to vector<16xf32>
        %get3A_298 = arith.constant 23 : i32
        %get3A_299 = arith.index_cast %get3A_298 : i32 to index
        %get3A_300 = arith.index_cast %multiple_of3A : i32 to index
        %get3A_301 = tpu.vector_load %arg9[%get3A_299, %get3A_300] {strides = array<i32>} : memref<40x768xf32, #tpu.memory_space<vmem>>, vector<1x16xf32>,
        %get3A_302 = vector.shape_cast %get3A_301 : vector<1x16xf32> to vector<16xf32>
        %get3A_303 = arith.constant 24 : i32
        %get3A_304 = arith.index_cast %get3A_303 : i32 to index
        %get3A_305 = arith.index_cast %multiple_of3A : i32 to index
        %get3A_306 = tpu.vector_load %arg9[%get3A_304, %get3A_305] {strides = array<i32>} : memref<40x768xf32, #tpu.memory_space<vmem>>, vector<1x16xf32>,
        %get3A_307 = vector.shape_cast %get3A_306 : vector<1x16xf32> to vector<16xf32>
        %get3A_308 = arith.constant 25 : i32
        %get3A_309 = arith.index_cast %get3A_308 : i32 to index
        %get3A_310 = arith.index_cast %multiple_of3A : i32 to index
        %get3A_311 = tpu.vector_load %arg9[%get3A_309, %get3A_310] {strides = array<i32>} : memref<40x768xf32, #tpu.memory_space<vmem>>, vector<1x16xf32>,
        %get3A_312 = vector.shape_cast %get3A_311 : vector<1x16xf32> to vector<16xf32>
        %get3A_313 = arith.constant 26 : i32
        %get3A_314 = arith.index_cast %get3A_313 : i32 to index
        %get3A_315 = arith.index_cast %multiple_of3A : i32 to index
        %get3A_316 = tpu.vector_load %arg9[%get3A_314, %get3A_315] {strides = array<i32>} : memref<40x768xf32, #tpu.memory_space<vmem>>, vector<1x16xf32>,
        %get3A_317 = vector.shape_cast %get3A_316 : vector<1x16xf32> to vector<16xf32>
        %get3A_318 = arith.constant 27 : i32
        %get3A_319 = arith.index_cast %get3A_318 : i32 to index
        %get3A_320 = arith.index_cast %multiple_of3A : i32 to index
        %get3A_321 = tpu.vector_load %arg9[%get3A_319, %get3A_320] {strides = array<i32>} : memref<40x768xf32, #tpu.memory_space<vmem>>, vector<1x16xf32>,
        %get3A_322 = vector.shape_cast %get3A_321 : vector<1x16xf32> to vector<16xf32>
        %get3A_323 = arith.constant 28 : i32
        %get3A_324 = arith.index_cast %get3A_323 : i32 to index
        %get3A_325 = arith.index_cast %multiple_of3A : i32 to index
        %get3A_326 = tpu.vector_load %arg9[%get3A_324, %get3A_325] {strides = array<i32>} : memref<40x768xf32, #tpu.memory_space<vmem>>, vector<1x16xf32>,
        %get3A_327 = vector.shape_cast %get3A_326 : vector<1x16xf32> to vector<16xf32>
        %get3A_328 = arith.constant 29 : i32
        %get3A_329 = arith.index_cast %get3A_328 : i32 to index
        %get3A_330 = arith.index_cast %multiple_of3A : i32 to index
        %get3A_331 = tpu.vector_load %arg9[%get3A_329, %get3A_330] {strides = array<i32>} : memref<40x768xf32, #tpu.memory_space<vmem>>, vector<1x16xf32>,
        %get3A_332 = vector.shape_cast %get3A_331 : vector<1x16xf32> to vector<16xf32>
        %get3A_333 = arith.constant 30 : i32
        %get3A_334 = arith.index_cast %get3A_333 : i32 to index
        %get3A_335 = arith.index_cast %multiple_of3A : i32 to index
        %get3A_336 = tpu.vector_load %arg9[%get3A_334, %get3A_335] {strides = array<i32>} : memref<40x768xf32, #tpu.memory_space<vmem>>, vector<1x16xf32>,
        %get3A_337 = vector.shape_cast %get3A_336 : vector<1x16xf32> to vector<16xf32>
        %get3A_338 = arith.constant 31 : i32
        %get3A_339 = arith.index_cast %get3A_338 : i32 to index
        %get3A_340 = arith.index_cast %multiple_of3A : i32 to index
        %get3A_341 = tpu.vector_load %arg9[%get3A_339, %get3A_340] {strides = array<i32>} : memref<40x768xf32, #tpu.memory_space<vmem>>, vector<1x16xf32>,
        %get3A_342 = vector.shape_cast %get3A_341 : vector<1x16xf32> to vector<16xf32>
        %get3A_343 = arith.constant 32 : i32
        %get3A_344 = arith.index_cast %get3A_343 : i32 to index
        %get3A_345 = arith.index_cast %multiple_of3A : i32 to index
        %get3A_346 = tpu.vector_load %arg9[%get3A_344, %get3A_345] {strides = array<i32>} : memref<40x768xf32, #tpu.memory_space<vmem>>, vector<1x16xf32>,
        %get3A_347 = vector.shape_cast %get3A_346 : vector<1x16xf32> to vector<16xf32>
        %get3A_348 = arith.constant 33 : i32
        %get3A_349 = arith.index_cast %get3A_348 : i32 to index
        %get3A_350 = arith.index_cast %multiple_of3A : i32 to index
        %get3A_351 = tpu.vector_load %arg9[%get3A_349, %get3A_350] {strides = array<i32>} : memref<40x768xf32, #tpu.memory_space<vmem>>, vector<1x16xf32>,
        %get3A_352 = vector.shape_cast %get3A_351 : vector<1x16xf32> to vector<16xf32>
        %get3A_353 = arith.constant 34 : i32
        %get3A_354 = arith.index_cast %get3A_353 : i32 to index
        %get3A_355 = arith.index_cast %multiple_of3A : i32 to index
        %get3A_356 = tpu.vector_load %arg9[%get3A_354, %get3A_355] {strides = array<i32>} : memref<40x768xf32, #tpu.memory_space<vmem>>, vector<1x16xf32>,
        %get3A_357 = vector.shape_cast %get3A_356 : vector<1x16xf32> to vector<16xf32>
        %get3A_358 = arith.constant 35 : i32
        %get3A_359 = arith.index_cast %get3A_358 : i32 to index
        %get3A_360 = arith.index_cast %multiple_of3A : i32 to index
        %get3A_361 = tpu.vector_load %arg9[%get3A_359, %get3A_360] {strides = array<i32>} : memref<40x768xf32, #tpu.memory_space<vmem>>, vector<1x16xf32>,
        %get3A_362 = vector.shape_cast %get3A_361 : vector<1x16xf32> to vector<16xf32>
        %get3A_363 = arith.constant 36 : i32
        %get3A_364 = arith.index_cast %get3A_363 : i32 to index
        %get3A_365 = arith.index_cast %multiple_of3A : i32 to index
        %get3A_366 = tpu.vector_load %arg9[%get3A_364, %get3A_365] {strides = array<i32>} : memref<40x768xf32, #tpu.memory_space<vmem>>, vector<1x16xf32>,
        %get3A_367 = vector.shape_cast %get3A_366 : vector<1x16xf32> to vector<16xf32>
        %get3A_368 = arith.constant 37 : i32
        %get3A_369 = arith.index_cast %get3A_368 : i32 to index
        %get3A_370 = arith.index_cast %multiple_of3A : i32 to index
        %get3A_371 = tpu.vector_load %arg9[%get3A_369, %get3A_370] {strides = array<i32>} : memref<40x768xf32, #tpu.memory_space<vmem>>, vector<1x16xf32>,
        %get3A_372 = vector.shape_cast %get3A_371 : vector<1x16xf32> to vector<16xf32>
        %get3A_373 = arith.constant 38 : i32
        %get3A_374 = arith.index_cast %get3A_373 : i32 to index
        %get3A_375 = arith.index_cast %multiple_of3A : i32 to index
        %get3A_376 = tpu.vector_load %arg9[%get3A_374, %get3A_375] {strides = array<i32>} : memref<40x768xf32, #tpu.memory_space<vmem>>, vector<1x16xf32>,
        %get3A_377 = vector.shape_cast %get3A_376 : vector<1x16xf32> to vector<16xf32>
        %get3A_378 = arith.constant 39 : i32
        %get3A_379 = arith.index_cast %get3A_378 : i32 to index
        %get3A_380 = arith.index_cast %multiple_of3A : i32 to index
        %get3A_381 = tpu.vector_load %arg9[%get3A_379, %get3A_380] {strides = array<i32>} : memref<40x768xf32, #tpu.memory_space<vmem>>, vector<1x16xf32>,
        %get3A_382 = vector.shape_cast %get3A_381 : vector<1x16xf32> to vector<16xf32>
        %add3A_383 = arith.addf %get3A_187, %get3A_192 : vector<16xf32>
        %add3A_384 = arith.addf %get3A_197, %get3A_202 : vector<16xf32>
        %add3A_385 = arith.addf %get3A_207, %get3A_212 : vector<16xf32>
        %add3A_386 = arith.addf %get3A_217, %get3A_222 : vector<16xf32>
        %add3A_387 = arith.addf %get3A_227, %get3A_232 : vector<16xf32>
        %add3A_388 = arith.addf %get3A_237, %get3A_242 : vector<16xf32>
        %add3A_389 = arith.addf %get3A_247, %get3A_252 : vector<16xf32>
        %add3A_390 = arith.addf %get3A_257, %get3A_262 : vector<16xf32>
        %add3A_391 = arith.addf %get3A_267, %get3A_272 : vector<16xf32>
        %add3A_392 = arith.addf %get3A_277, %get3A_282 : vector<16xf32>
        %add3A_393 = arith.addf %get3A_287, %get3A_292 : vector<16xf32>
        %add3A_394 = arith.addf %get3A_297, %get3A_302 : vector<16xf32>
        %add3A_395 = arith.addf %get3A_307, %get3A_312 : vector<16xf32>
        %add3A_396 = arith.addf %get3A_317, %get3A_322 : vector<16xf32>
        %add3A_397 = arith.addf %get3A_327, %get3A_332 : vector<16xf32>
        %add3A_398 = arith.addf %get3A_337, %get3A_342 : vector<16xf32>
        %add3A_399 = arith.addf %get3A_347, %get3A_352 : vector<16xf32>
        %add3A_400 = arith.addf %get3A_357, %get3A_362 : vector<16xf32>
        %add3A_401 = arith.addf %get3A_367, %get3A_372 : vector<16xf32>
        %add3A_402 = arith.addf %get3A_377, %get3A_382 : vector<16xf32>
        %add3A_403 = arith.addf %add3A_383, %add3A_384 : vector<16xf32>
        %add3A_404 = arith.addf %add3A_385, %add3A_386 : vector<16xf32>
        %add3A_405 = arith.addf %add3A_387, %add3A_388 : vector<16xf32>
        %add3A_406 = arith.addf %add3A_389, %add3A_390 : vector<16xf32>
        %add3A_407 = arith.addf %add3A_391, %add3A_392 : vector<16xf32>
        %add3A_408 = arith.addf %add3A_393, %add3A_394 : vector<16xf32>
        %add3A_409 = arith.addf %add3A_395, %add3A_396 : vector<16xf32>
        %add3A_410 = arith.addf %add3A_397, %add3A_398 : vector<16xf32>
        %add3A_411 = arith.addf %add3A_399, %add3A_400 : vector<16xf32>
        %add3A_412 = arith.addf %add3A_401, %add3A_402 : vector<16xf32>
        %add3A_413 = arith.addf %add3A_403, %add3A_404 : vector<16xf32>
        %add3A_414 = arith.addf %add3A_405, %add3A_406 : vector<16xf32>
        %add3A_415 = arith.addf %add3A_407, %add3A_408 : vector<16xf32>
        %add3A_416 = arith.addf %add3A_409, %add3A_410 : vector<16xf32>
        %add3A_417 = arith.addf %add3A_411, %add3A_412 : vector<16xf32>
        %add3A_418 = arith.addf %add3A_413, %add3A_414 : vector<16xf32>
        %add3A_419 = arith.addf %add3A_415, %add3A_416 : vector<16xf32>
        %add3A_420 = arith.addf %add3A_418, %add3A_419 : vector<16xf32>
        %add3A_421 = arith.addf %add3A_420, %add3A_417 : vector<16xf32>
        %swap3A = arith.index_cast %select_n3A_114 : i32 to index
        %swap3A_422 = arith.index_cast %multiple_of3A : i32 to index
        %swap3A_423 = tpu.vector_load %arg11[%swap3A, %swap3A_422] {strides = array<i32>} : memref<32x768xf32, #tpu.memory_space<vmem>>, vector<1x16xf32>,
        %swap3A_424 = vector.shape_cast %swap3A_423 : vector<1x16xf32> to vector<16xf32>
        %swap3A_425 = vector.shape_cast %add3A_421 : vector<16xf32> to vector<1x16xf32>
        tpu.vector_store %arg11[%swap3A, %swap3A_422], %swap3A_425 {add = true, strides = array<i32>} : memref<32x768xf32, #tpu.memory_space<vmem>>, vector<1x16xf32>,
      }
      %scan3A_126 = arith.constant 48 : i32
      %add3A_127 = arith.constant 3 : i32
      %add3A_128 = arith.addi %add3A_90, %add3A_127 : i32
      %lt3A_129 = arith.constant 160 : i32
      %lt3A_130 = arith.cmpi slt, %add3A_128, %lt3A_129 : i32
      %convert_element_type3A_131 = arith.extui %lt3A_130 : i1 to i32
      %cond3A_132 = arith.constant 0 : i32
      %cond3A_133 = arith.cmpi ne, %convert_element_type3A_131, %cond3A_132 : i32
      scf.if %cond3A_133 {
        %add3A_181 = arith.constant 3 : i32
        %add3A_182 = arith.addi %add3A_90, %add3A_181 : i32
        %mul3A_183 = arith.constant 40 : i32
        %mul3A_184 = arith.muli %add3A_182, %mul3A_183 : i32
        %dma_start3A_185 = tpu.memref_slice %arg7[%mul3A_184] : memref<6400xi32, #tpu.memory_space<vmem>> -> memref<40xi32, #tpu.memory_space<vmem>>
        %dma_start3A_186 = arith.constant 0 : i32
        %dma_start3A_187 = arith.constant 0 : i32
        %dma_start3A_188 = tpu.memref_slice %arg2[%dma_start3A_186, %dma_start3A_187] : memref<100000x768xf32, #tpu.memory_space<hbm>> -> memref<100000x768xf32, #tpu.memory_space<hbm>>
        tpu.enqueue_indirect_dma source(%dma_start3A_188 : memref<100000x768xf32, #tpu.memory_space<hbm>>) target(%arg9 : memref<40x768xf32, #tpu.memory_space<vmem>>) offsets(%dma_start3A_185 : memref<40xi32, #tpu.memory_space<vmem>>) semaphore(%arg15 : memref<!tpu.dma_semaphore, #tpu.memory_space<semaphore_mem>>)
      } else {
      }
      %mul3A_134 = arith.constant 3 : i32
      %mul3A_135 = arith.muli %scan3A_50, %mul3A_134 : i32
      %add3A_136 = arith.constant 2 : i32
      %add3A_137 = arith.addi %mul3A_135, %add3A_136 : i32
      %jit3A_138 = arith.constant 5 : i32
      %div3A_139 = arith.divsi %add3A_137, %jit3A_138 : i32
      %sign3A_140 = arith.constant 0 : i32
      %sign3A_141 = arith.cmpi sgt, %add3A_137, %sign3A_140 : i32
      %sign3A_142 = arith.extui %sign3A_141 : i1 to i32
      %sign3A_143 = arith.constant 0 : i32
      %sign3A_144 = arith.cmpi slt, %add3A_137, %sign3A_143 : i32
      %sign3A_145 = arith.extui %sign3A_144 : i1 to i32
      %sign3A_146 = arith.subi %sign3A_142, %sign3A_145 : i32
      %sign3A_147 = arith.constant 0 : i32
      %sign3A_148 = arith.cmpi sgt, %jit3A_138, %sign3A_147 : i32
      %sign3A_149 = arith.extui %sign3A_148 : i1 to i32
      %sign3A_150 = arith.constant 0 : i32
      %sign3A_151 = arith.cmpi slt, %jit3A_138, %sign3A_150 : i32
      %sign3A_152 = arith.extui %sign3A_151 : i1 to i32
      %sign3A_153 = arith.subi %sign3A_149, %sign3A_152 : i32
      %ne3A_154 = arith.cmpi ne, %sign3A_146, %sign3A_153 : i32
      %rem3A_155 = arith.remsi %add3A_137, %jit3A_138 : i32
      %ne3A_156 = arith.constant 0 : i32
      %ne3A_157 = arith.cmpi ne, %rem3A_155, %ne3A_156 : i32
      %and3A_158 = arith.andi %ne3A_154, %ne3A_157 : i1
      %sub3A_159 = arith.constant 1 : i32
      %sub3A_160 = arith.subi %div3A_139, %sub3A_159 : i32
      %select_n3A_161 = arith.select %and3A_158, %sub3A_160, %div3A_139 : i32
      %mul3A_162 = arith.constant 40 : i32
      %mul3A_163 = arith.muli %add3A_137, %mul3A_162 : i32
      %dma_wait3A_164 = tpu.memref_slice %arg7[%mul3A_163] : memref<6400xi32, #tpu.memory_space<vmem>> -> memref<40xi32, #tpu.memory_space<vmem>>
      %dma_wait3A_165 = arith.constant 0 : i32
      %dma_wait3A_166 = arith.constant 0 : i32
      %dma_wait3A_167 = tpu.memref_slice %arg2[%dma_wait3A_165, %dma_wait3A_166] : memref<100000x768xf32, #tpu.memory_space<hbm>> -> memref<100000x768xf32, #tpu.memory_space<hbm>>
      tpu.wait_indirect_dma semaphore(%arg16 : memref<!tpu.dma_semaphore, #tpu.memory_space<semaphore_mem>>) src(%dma_wait3A_167 : memref<100000x768xf32, #tpu.memory_space<hbm>>) dst(%arg10 : memref<40x768xf32, #tpu.memory_space<vmem>>)
      %scan3A_168 = arith.constant 0 : i32
      %scan3A_169 = arith.constant 0 : i32
      %scan3A_170 = arith.constant 48 : i32
      %scan3A_171 = arith.addi %scan3A_169, %scan3A_170 : i32
      %scan3A_172 = arith.constant 1 : i32
      scf.for %scan3A_181 = %scan3A_169 to %scan3A_171 step %scan3A_172  : i32 {
        %mul3A_182 = arith.constant 16 : i32
        %mul3A_183 = arith.muli %scan3A_181, %mul3A_182 : i32
        %multiple_of3A = tpu.assume_multiple %mul3A_183, 16 : i32
        %get3A = arith.constant 0 : i32
        %get3A_184 = arith.index_cast %get3A : i32 to index
        %get3A_185 = arith.index_cast %multiple_of3A : i32 to index
        %get3A_186 = tpu.vector_load %arg10[%get3A_184, %get3A_185] {strides = array<i32>} : memref<40x768xf32, #tpu.memory_space<vmem>>, vector<1x16xf32>,
        %get3A_187 = vector.shape_cast %get3A_186 : vector<1x16xf32> to vector<16xf32>
        %get3A_188 = arith.constant 1 : i32
        %get3A_189 = arith.index_cast %get3A_188 : i32 to index
        %get3A_190 = arith.index_cast %multiple_of3A : i32 to index
        %get3A_191 = tpu.vector_load %arg10[%get3A_189, %get3A_190] {strides = array<i32>} : memref<40x768xf32, #tpu.memory_space<vmem>>, vector<1x16xf32>,
        %get3A_192 = vector.shape_cast %get3A_191 : vector<1x16xf32> to vector<16xf32>
        %get3A_193 = arith.constant 2 : i32
        %get3A_194 = arith.index_cast %get3A_193 : i32 to index
        %get3A_195 = arith.index_cast %multiple_of3A : i32 to index
        %get3A_196 = tpu.vector_load %arg10[%get3A_194, %get3A_195] {strides = array<i32>} : memref<40x768xf32, #tpu.memory_space<vmem>>, vector<1x16xf32>,
        %get3A_197 = vector.shape_cast %get3A_196 : vector<1x16xf32> to vector<16xf32>
        %get3A_198 = arith.constant 3 : i32
        %get3A_199 = arith.index_cast %get3A_198 : i32 to index
        %get3A_200 = arith.index_cast %multiple_of3A : i32 to index
        %get3A_201 = tpu.vector_load %arg10[%get3A_199, %get3A_200] {strides = array<i32>} : memref<40x768xf32, #tpu.memory_space<vmem>>, vector<1x16xf32>,
        %get3A_202 = vector.shape_cast %get3A_201 : vector<1x16xf32> to vector<16xf32>
        %get3A_203 = arith.constant 4 : i32
        %get3A_204 = arith.index_cast %get3A_203 : i32 to index
        %get3A_205 = arith.index_cast %multiple_of3A : i32 to index
        %get3A_206 = tpu.vector_load %arg10[%get3A_204, %get3A_205] {strides = array<i32>} : memref<40x768xf32, #tpu.memory_space<vmem>>, vector<1x16xf32>,
        %get3A_207 = vector.shape_cast %get3A_206 : vector<1x16xf32> to vector<16xf32>
        %get3A_208 = arith.constant 5 : i32
        %get3A_209 = arith.index_cast %get3A_208 : i32 to index
        %get3A_210 = arith.index_cast %multiple_of3A : i32 to index
        %get3A_211 = tpu.vector_load %arg10[%get3A_209, %get3A_210] {strides = array<i32>} : memref<40x768xf32, #tpu.memory_space<vmem>>, vector<1x16xf32>,
        %get3A_212 = vector.shape_cast %get3A_211 : vector<1x16xf32> to vector<16xf32>
        %get3A_213 = arith.constant 6 : i32
        %get3A_214 = arith.index_cast %get3A_213 : i32 to index
        %get3A_215 = arith.index_cast %multiple_of3A : i32 to index
        %get3A_216 = tpu.vector_load %arg10[%get3A_214, %get3A_215] {strides = array<i32>} : memref<40x768xf32, #tpu.memory_space<vmem>>, vector<1x16xf32>,
        %get3A_217 = vector.shape_cast %get3A_216 : vector<1x16xf32> to vector<16xf32>
        %get3A_218 = arith.constant 7 : i32
        %get3A_219 = arith.index_cast %get3A_218 : i32 to index
        %get3A_220 = arith.index_cast %multiple_of3A : i32 to index
        %get3A_221 = tpu.vector_load %arg10[%get3A_219, %get3A_220] {strides = array<i32>} : memref<40x768xf32, #tpu.memory_space<vmem>>, vector<1x16xf32>,
        %get3A_222 = vector.shape_cast %get3A_221 : vector<1x16xf32> to vector<16xf32>
        %get3A_223 = arith.constant 8 : i32
        %get3A_224 = arith.index_cast %get3A_223 : i32 to index
        %get3A_225 = arith.index_cast %multiple_of3A : i32 to index
        %get3A_226 = tpu.vector_load %arg10[%get3A_224, %get3A_225] {strides = array<i32>} : memref<40x768xf32, #tpu.memory_space<vmem>>, vector<1x16xf32>,
        %get3A_227 = vector.shape_cast %get3A_226 : vector<1x16xf32> to vector<16xf32>
        %get3A_228 = arith.constant 9 : i32
        %get3A_229 = arith.index_cast %get3A_228 : i32 to index
        %get3A_230 = arith.index_cast %multiple_of3A : i32 to index
        %get3A_231 = tpu.vector_load %arg10[%get3A_229, %get3A_230] {strides = array<i32>} : memref<40x768xf32, #tpu.memory_space<vmem>>, vector<1x16xf32>,
        %get3A_232 = vector.shape_cast %get3A_231 : vector<1x16xf32> to vector<16xf32>
        %get3A_233 = arith.constant 10 : i32
        %get3A_234 = arith.index_cast %get3A_233 : i32 to index
        %get3A_235 = arith.index_cast %multiple_of3A : i32 to index
        %get3A_236 = tpu.vector_load %arg10[%get3A_234, %get3A_235] {strides = array<i32>} : memref<40x768xf32, #tpu.memory_space<vmem>>, vector<1x16xf32>,
        %get3A_237 = vector.shape_cast %get3A_236 : vector<1x16xf32> to vector<16xf32>
        %get3A_238 = arith.constant 11 : i32
        %get3A_239 = arith.index_cast %get3A_238 : i32 to index
        %get3A_240 = arith.index_cast %multiple_of3A : i32 to index
        %get3A_241 = tpu.vector_load %arg10[%get3A_239, %get3A_240] {strides = array<i32>} : memref<40x768xf32, #tpu.memory_space<vmem>>, vector<1x16xf32>,
        %get3A_242 = vector.shape_cast %get3A_241 : vector<1x16xf32> to vector<16xf32>
        %get3A_243 = arith.constant 12 : i32
        %get3A_244 = arith.index_cast %get3A_243 : i32 to index
        %get3A_245 = arith.index_cast %multiple_of3A : i32 to index
        %get3A_246 = tpu.vector_load %arg10[%get3A_244, %get3A_245] {strides = array<i32>} : memref<40x768xf32, #tpu.memory_space<vmem>>, vector<1x16xf32>,
        %get3A_247 = vector.shape_cast %get3A_246 : vector<1x16xf32> to vector<16xf32>
        %get3A_248 = arith.constant 13 : i32
        %get3A_249 = arith.index_cast %get3A_248 : i32 to index
        %get3A_250 = arith.index_cast %multiple_of3A : i32 to index
        %get3A_251 = tpu.vector_load %arg10[%get3A_249, %get3A_250] {strides = array<i32>} : memref<40x768xf32, #tpu.memory_space<vmem>>, vector<1x16xf32>,
        %get3A_252 = vector.shape_cast %get3A_251 : vector<1x16xf32> to vector<16xf32>
        %get3A_253 = arith.constant 14 : i32
        %get3A_254 = arith.index_cast %get3A_253 : i32 to index
        %get3A_255 = arith.index_cast %multiple_of3A : i32 to index
        %get3A_256 = tpu.vector_load %arg10[%get3A_254, %get3A_255] {strides = array<i32>} : memref<40x768xf32, #tpu.memory_space<vmem>>, vector<1x16xf32>,
        %get3A_257 = vector.shape_cast %get3A_256 : vector<1x16xf32> to vector<16xf32>
        %get3A_258 = arith.constant 15 : i32
        %get3A_259 = arith.index_cast %get3A_258 : i32 to index
        %get3A_260 = arith.index_cast %multiple_of3A : i32 to index
        %get3A_261 = tpu.vector_load %arg10[%get3A_259, %get3A_260] {strides = array<i32>} : memref<40x768xf32, #tpu.memory_space<vmem>>, vector<1x16xf32>,
        %get3A_262 = vector.shape_cast %get3A_261 : vector<1x16xf32> to vector<16xf32>
        %get3A_263 = arith.constant 16 : i32
        %get3A_264 = arith.index_cast %get3A_263 : i32 to index
        %get3A_265 = arith.index_cast %multiple_of3A : i32 to index
        %get3A_266 = tpu.vector_load %arg10[%get3A_264, %get3A_265] {strides = array<i32>} : memref<40x768xf32, #tpu.memory_space<vmem>>, vector<1x16xf32>,
        %get3A_267 = vector.shape_cast %get3A_266 : vector<1x16xf32> to vector<16xf32>
        %get3A_268 = arith.constant 17 : i32
        %get3A_269 = arith.index_cast %get3A_268 : i32 to index
        %get3A_270 = arith.index_cast %multiple_of3A : i32 to index
        %get3A_271 = tpu.vector_load %arg10[%get3A_269, %get3A_270] {strides = array<i32>} : memref<40x768xf32, #tpu.memory_space<vmem>>, vector<1x16xf32>,
        %get3A_272 = vector.shape_cast %get3A_271 : vector<1x16xf32> to vector<16xf32>
        %get3A_273 = arith.constant 18 : i32
        %get3A_274 = arith.index_cast %get3A_273 : i32 to index
        %get3A_275 = arith.index_cast %multiple_of3A : i32 to index
        %get3A_276 = tpu.vector_load %arg10[%get3A_274, %get3A_275] {strides = array<i32>} : memref<40x768xf32, #tpu.memory_space<vmem>>, vector<1x16xf32>,
        %get3A_277 = vector.shape_cast %get3A_276 : vector<1x16xf32> to vector<16xf32>
        %get3A_278 = arith.constant 19 : i32
        %get3A_279 = arith.index_cast %get3A_278 : i32 to index
        %get3A_280 = arith.index_cast %multiple_of3A : i32 to index
        %get3A_281 = tpu.vector_load %arg10[%get3A_279, %get3A_280] {strides = array<i32>} : memref<40x768xf32, #tpu.memory_space<vmem>>, vector<1x16xf32>,
        %get3A_282 = vector.shape_cast %get3A_281 : vector<1x16xf32> to vector<16xf32>
        %get3A_283 = arith.constant 20 : i32
        %get3A_284 = arith.index_cast %get3A_283 : i32 to index
        %get3A_285 = arith.index_cast %multiple_of3A : i32 to index
        %get3A_286 = tpu.vector_load %arg10[%get3A_284, %get3A_285] {strides = array<i32>} : memref<40x768xf32, #tpu.memory_space<vmem>>, vector<1x16xf32>,
        %get3A_287 = vector.shape_cast %get3A_286 : vector<1x16xf32> to vector<16xf32>
        %get3A_288 = arith.constant 21 : i32
        %get3A_289 = arith.index_cast %get3A_288 : i32 to index
        %get3A_290 = arith.index_cast %multiple_of3A : i32 to index
        %get3A_291 = tpu.vector_load %arg10[%get3A_289, %get3A_290] {strides = array<i32>} : memref<40x768xf32, #tpu.memory_space<vmem>>, vector<1x16xf32>,
        %get3A_292 = vector.shape_cast %get3A_291 : vector<1x16xf32> to vector<16xf32>
        %get3A_293 = arith.constant 22 : i32
        %get3A_294 = arith.index_cast %get3A_293 : i32 to index
        %get3A_295 = arith.index_cast %multiple_of3A : i32 to index
        %get3A_296 = tpu.vector_load %arg10[%get3A_294, %get3A_295] {strides = array<i32>} : memref<40x768xf32, #tpu.memory_space<vmem>>, vector<1x16xf32>,
        %get3A_297 = vector.shape_cast %get3A_296 : vector<1x16xf32> to vector<16xf32>
        %get3A_298 = arith.constant 23 : i32
        %get3A_299 = arith.index_cast %get3A_298 : i32 to index
        %get3A_300 = arith.index_cast %multiple_of3A : i32 to index
        %get3A_301 = tpu.vector_load %arg10[%get3A_299, %get3A_300] {strides = array<i32>} : memref<40x768xf32, #tpu.memory_space<vmem>>, vector<1x16xf32>,
        %get3A_302 = vector.shape_cast %get3A_301 : vector<1x16xf32> to vector<16xf32>
        %get3A_303 = arith.constant 24 : i32
        %get3A_304 = arith.index_cast %get3A_303 : i32 to index
        %get3A_305 = arith.index_cast %multiple_of3A : i32 to index
        %get3A_306 = tpu.vector_load %arg10[%get3A_304, %get3A_305] {strides = array<i32>} : memref<40x768xf32, #tpu.memory_space<vmem>>, vector<1x16xf32>,
        %get3A_307 = vector.shape_cast %get3A_306 : vector<1x16xf32> to vector<16xf32>
        %get3A_308 = arith.constant 25 : i32
        %get3A_309 = arith.index_cast %get3A_308 : i32 to index
        %get3A_310 = arith.index_cast %multiple_of3A : i32 to index
        %get3A_311 = tpu.vector_load %arg10[%get3A_309, %get3A_310] {strides = array<i32>} : memref<40x768xf32, #tpu.memory_space<vmem>>, vector<1x16xf32>,
        %get3A_312 = vector.shape_cast %get3A_311 : vector<1x16xf32> to vector<16xf32>
        %get3A_313 = arith.constant 26 : i32
        %get3A_314 = arith.index_cast %get3A_313 : i32 to index
        %get3A_315 = arith.index_cast %multiple_of3A : i32 to index
        %get3A_316 = tpu.vector_load %arg10[%get3A_314, %get3A_315] {strides = array<i32>} : memref<40x768xf32, #tpu.memory_space<vmem>>, vector<1x16xf32>,
        %get3A_317 = vector.shape_cast %get3A_316 : vector<1x16xf32> to vector<16xf32>
        %get3A_318 = arith.constant 27 : i32
        %get3A_319 = arith.index_cast %get3A_318 : i32 to index
        %get3A_320 = arith.index_cast %multiple_of3A : i32 to index
        %get3A_321 = tpu.vector_load %arg10[%get3A_319, %get3A_320] {strides = array<i32>} : memref<40x768xf32, #tpu.memory_space<vmem>>, vector<1x16xf32>,
        %get3A_322 = vector.shape_cast %get3A_321 : vector<1x16xf32> to vector<16xf32>
        %get3A_323 = arith.constant 28 : i32
        %get3A_324 = arith.index_cast %get3A_323 : i32 to index
        %get3A_325 = arith.index_cast %multiple_of3A : i32 to index
        %get3A_326 = tpu.vector_load %arg10[%get3A_324, %get3A_325] {strides = array<i32>} : memref<40x768xf32, #tpu.memory_space<vmem>>, vector<1x16xf32>,
        %get3A_327 = vector.shape_cast %get3A_326 : vector<1x16xf32> to vector<16xf32>
        %get3A_328 = arith.constant 29 : i32
        %get3A_329 = arith.index_cast %get3A_328 : i32 to index
        %get3A_330 = arith.index_cast %multiple_of3A : i32 to index
        %get3A_331 = tpu.vector_load %arg10[%get3A_329, %get3A_330] {strides = array<i32>} : memref<40x768xf32, #tpu.memory_space<vmem>>, vector<1x16xf32>,
        %get3A_332 = vector.shape_cast %get3A_331 : vector<1x16xf32> to vector<16xf32>
        %get3A_333 = arith.constant 30 : i32
        %get3A_334 = arith.index_cast %get3A_333 : i32 to index
        %get3A_335 = arith.index_cast %multiple_of3A : i32 to index
        %get3A_336 = tpu.vector_load %arg10[%get3A_334, %get3A_335] {strides = array<i32>} : memref<40x768xf32, #tpu.memory_space<vmem>>, vector<1x16xf32>,
        %get3A_337 = vector.shape_cast %get3A_336 : vector<1x16xf32> to vector<16xf32>
        %get3A_338 = arith.constant 31 : i32
        %get3A_339 = arith.index_cast %get3A_338 : i32 to index
        %get3A_340 = arith.index_cast %multiple_of3A : i32 to index
        %get3A_341 = tpu.vector_load %arg10[%get3A_339, %get3A_340] {strides = array<i32>} : memref<40x768xf32, #tpu.memory_space<vmem>>, vector<1x16xf32>,
        %get3A_342 = vector.shape_cast %get3A_341 : vector<1x16xf32> to vector<16xf32>
        %get3A_343 = arith.constant 32 : i32
        %get3A_344 = arith.index_cast %get3A_343 : i32 to index
        %get3A_345 = arith.index_cast %multiple_of3A : i32 to index
        %get3A_346 = tpu.vector_load %arg10[%get3A_344, %get3A_345] {strides = array<i32>} : memref<40x768xf32, #tpu.memory_space<vmem>>, vector<1x16xf32>,
        %get3A_347 = vector.shape_cast %get3A_346 : vector<1x16xf32> to vector<16xf32>
        %get3A_348 = arith.constant 33 : i32
        %get3A_349 = arith.index_cast %get3A_348 : i32 to index
        %get3A_350 = arith.index_cast %multiple_of3A : i32 to index
        %get3A_351 = tpu.vector_load %arg10[%get3A_349, %get3A_350] {strides = array<i32>} : memref<40x768xf32, #tpu.memory_space<vmem>>, vector<1x16xf32>,
        %get3A_352 = vector.shape_cast %get3A_351 : vector<1x16xf32> to vector<16xf32>
        %get3A_353 = arith.constant 34 : i32
        %get3A_354 = arith.index_cast %get3A_353 : i32 to index
        %get3A_355 = arith.index_cast %multiple_of3A : i32 to index
        %get3A_356 = tpu.vector_load %arg10[%get3A_354, %get3A_355] {strides = array<i32>} : memref<40x768xf32, #tpu.memory_space<vmem>>, vector<1x16xf32>,
        %get3A_357 = vector.shape_cast %get3A_356 : vector<1x16xf32> to vector<16xf32>
        %get3A_358 = arith.constant 35 : i32
        %get3A_359 = arith.index_cast %get3A_358 : i32 to index
        %get3A_360 = arith.index_cast %multiple_of3A : i32 to index
        %get3A_361 = tpu.vector_load %arg10[%get3A_359, %get3A_360] {strides = array<i32>} : memref<40x768xf32, #tpu.memory_space<vmem>>, vector<1x16xf32>,
        %get3A_362 = vector.shape_cast %get3A_361 : vector<1x16xf32> to vector<16xf32>
        %get3A_363 = arith.constant 36 : i32
        %get3A_364 = arith.index_cast %get3A_363 : i32 to index
        %get3A_365 = arith.index_cast %multiple_of3A : i32 to index
        %get3A_366 = tpu.vector_load %arg10[%get3A_364, %get3A_365] {strides = array<i32>} : memref<40x768xf32, #tpu.memory_space<vmem>>, vector<1x16xf32>,
        %get3A_367 = vector.shape_cast %get3A_366 : vector<1x16xf32> to vector<16xf32>
        %get3A_368 = arith.constant 37 : i32
        %get3A_369 = arith.index_cast %get3A_368 : i32 to index
        %get3A_370 = arith.index_cast %multiple_of3A : i32 to index
        %get3A_371 = tpu.vector_load %arg10[%get3A_369, %get3A_370] {strides = array<i32>} : memref<40x768xf32, #tpu.memory_space<vmem>>, vector<1x16xf32>,
        %get3A_372 = vector.shape_cast %get3A_371 : vector<1x16xf32> to vector<16xf32>
        %get3A_373 = arith.constant 38 : i32
        %get3A_374 = arith.index_cast %get3A_373 : i32 to index
        %get3A_375 = arith.index_cast %multiple_of3A : i32 to index
        %get3A_376 = tpu.vector_load %arg10[%get3A_374, %get3A_375] {strides = array<i32>} : memref<40x768xf32, #tpu.memory_space<vmem>>, vector<1x16xf32>,
        %get3A_377 = vector.shape_cast %get3A_376 : vector<1x16xf32> to vector<16xf32>
        %get3A_378 = arith.constant 39 : i32
        %get3A_379 = arith.index_cast %get3A_378 : i32 to index
        %get3A_380 = arith.index_cast %multiple_of3A : i32 to index
        %get3A_381 = tpu.vector_load %arg10[%get3A_379, %get3A_380] {strides = array<i32>} : memref<40x768xf32, #tpu.memory_space<vmem>>, vector<1x16xf32>,
        %get3A_382 = vector.shape_cast %get3A_381 : vector<1x16xf32> to vector<16xf32>
        %add3A_383 = arith.addf %get3A_187, %get3A_192 : vector<16xf32>
        %add3A_384 = arith.addf %get3A_197, %get3A_202 : vector<16xf32>
        %add3A_385 = arith.addf %get3A_207, %get3A_212 : vector<16xf32>
        %add3A_386 = arith.addf %get3A_217, %get3A_222 : vector<16xf32>
        %add3A_387 = arith.addf %get3A_227, %get3A_232 : vector<16xf32>
        %add3A_388 = arith.addf %get3A_237, %get3A_242 : vector<16xf32>
        %add3A_389 = arith.addf %get3A_247, %get3A_252 : vector<16xf32>
        %add3A_390 = arith.addf %get3A_257, %get3A_262 : vector<16xf32>
        %add3A_391 = arith.addf %get3A_267, %get3A_272 : vector<16xf32>
        %add3A_392 = arith.addf %get3A_277, %get3A_282 : vector<16xf32>
        %add3A_393 = arith.addf %get3A_287, %get3A_292 : vector<16xf32>
        %add3A_394 = arith.addf %get3A_297, %get3A_302 : vector<16xf32>
        %add3A_395 = arith.addf %get3A_307, %get3A_312 : vector<16xf32>
        %add3A_396 = arith.addf %get3A_317, %get3A_322 : vector<16xf32>
        %add3A_397 = arith.addf %get3A_327, %get3A_332 : vector<16xf32>
        %add3A_398 = arith.addf %get3A_337, %get3A_342 : vector<16xf32>
        %add3A_399 = arith.addf %get3A_347, %get3A_352 : vector<16xf32>
        %add3A_400 = arith.addf %get3A_357, %get3A_362 : vector<16xf32>
        %add3A_401 = arith.addf %get3A_367, %get3A_372 : vector<16xf32>
        %add3A_402 = arith.addf %get3A_377, %get3A_382 : vector<16xf32>
        %add3A_403 = arith.addf %add3A_383, %add3A_384 : vector<16xf32>
        %add3A_404 = arith.addf %add3A_385, %add3A_386 : vector<16xf32>
        %add3A_405 = arith.addf %add3A_387, %add3A_388 : vector<16xf32>
        %add3A_406 = arith.addf %add3A_389, %add3A_390 : vector<16xf32>
        %add3A_407 = arith.addf %add3A_391, %add3A_392 : vector<16xf32>
        %add3A_408 = arith.addf %add3A_393, %add3A_394 : vector<16xf32>
        %add3A_409 = arith.addf %add3A_395, %add3A_396 : vector<16xf32>
        %add3A_410 = arith.addf %add3A_397, %add3A_398 : vector<16xf32>
        %add3A_411 = arith.addf %add3A_399, %add3A_400 : vector<16xf32>
        %add3A_412 = arith.addf %add3A_401, %add3A_402 : vector<16xf32>
        %add3A_413 = arith.addf %add3A_403, %add3A_404 : vector<16xf32>
        %add3A_414 = arith.addf %add3A_405, %add3A_406 : vector<16xf32>
        %add3A_415 = arith.addf %add3A_407, %add3A_408 : vector<16xf32>
        %add3A_416 = arith.addf %add3A_409, %add3A_410 : vector<16xf32>
        %add3A_417 = arith.addf %add3A_411, %add3A_412 : vector<16xf32>
        %add3A_418 = arith.addf %add3A_413, %add3A_414 : vector<16xf32>
        %add3A_419 = arith.addf %add3A_415, %add3A_416 : vector<16xf32>
        %add3A_420 = arith.addf %add3A_418, %add3A_419 : vector<16xf32>
        %add3A_421 = arith.addf %add3A_420, %add3A_417 : vector<16xf32>
        %swap3A = arith.index_cast %select_n3A_161 : i32 to index
        %swap3A_422 = arith.index_cast %multiple_of3A : i32 to index
        %swap3A_423 = tpu.vector_load %arg11[%swap3A, %swap3A_422] {strides = array<i32>} : memref<32x768xf32, #tpu.memory_space<vmem>>, vector<1x16xf32>,
        %swap3A_424 = vector.shape_cast %swap3A_423 : vector<1x16xf32> to vector<16xf32>
        %swap3A_425 = vector.shape_cast %add3A_421 : vector<16xf32> to vector<1x16xf32>
        tpu.vector_store %arg11[%swap3A, %swap3A_422], %swap3A_425 {add = true, strides = array<i32>} : memref<32x768xf32, #tpu.memory_space<vmem>>, vector<1x16xf32>,
      }
      %scan3A_173 = arith.constant 48 : i32
      %add3A_174 = arith.constant 3 : i32
      %add3A_175 = arith.addi %add3A_137, %add3A_174 : i32
      %lt3A_176 = arith.constant 160 : i32
      %lt3A_177 = arith.cmpi slt, %add3A_175, %lt3A_176 : i32
      %convert_element_type3A_178 = arith.extui %lt3A_177 : i1 to i32
      %cond3A_179 = arith.constant 0 : i32
      %cond3A_180 = arith.cmpi ne, %convert_element_type3A_178, %cond3A_179 : i32
      scf.if %cond3A_180 {
        %add3A_181 = arith.constant 3 : i32
        %add3A_182 = arith.addi %add3A_137, %add3A_181 : i32
        %mul3A_183 = arith.constant 40 : i32
        %mul3A_184 = arith.muli %add3A_182, %mul3A_183 : i32
        %dma_start3A_185 = tpu.memref_slice %arg7[%mul3A_184] : memref<6400xi32, #tpu.memory_space<vmem>> -> memref<40xi32, #tpu.memory_space<vmem>>
        %dma_start3A_186 = arith.constant 0 : i32
        %dma_start3A_187 = arith.constant 0 : i32
        %dma_start3A_188 = tpu.memref_slice %arg2[%dma_start3A_186, %dma_start3A_187] : memref<100000x768xf32, #tpu.memory_space<hbm>> -> memref<100000x768xf32, #tpu.memory_space<hbm>>
        tpu.enqueue_indirect_dma source(%dma_start3A_188 : memref<100000x768xf32, #tpu.memory_space<hbm>>) target(%arg10 : memref<40x768xf32, #tpu.memory_space<vmem>>) offsets(%dma_start3A_185 : memref<40xi32, #tpu.memory_space<vmem>>) semaphore(%arg16 : memref<!tpu.dma_semaphore, #tpu.memory_space<semaphore_mem>>)
      } else {
      }
    }
    %scan3A_29 = arith.constant 53 : i32
    %dma_wait3A = arith.constant 6360 : i32
    %dma_wait3A_30 = tpu.memref_slice %arg7[%dma_wait3A] : memref<6400xi32, #tpu.memory_space<vmem>> -> memref<40xi32, #tpu.memory_space<vmem>>
    %dma_wait3A_31 = arith.constant 0 : i32
    %dma_wait3A_32 = arith.constant 0 : i32
    %dma_wait3A_33 = tpu.memref_slice %arg2[%dma_wait3A_31, %dma_wait3A_32] : memref<100000x768xf32, #tpu.memory_space<hbm>> -> memref<100000x768xf32, #tpu.memory_space<hbm>>
    tpu.wait_indirect_dma semaphore(%arg14 : memref<!tpu.dma_semaphore, #tpu.memory_space<semaphore_mem>>) src(%dma_wait3A_33 : memref<100000x768xf32, #tpu.memory_space<hbm>>) dst(%arg8 : memref<40x768xf32, #tpu.memory_space<vmem>>)
    %scan3A_34 = arith.constant 0 : i32
    %scan3A_35 = arith.constant 0 : i32
    %scan3A_36 = arith.constant 48 : i32
    %scan3A_37 = arith.addi %scan3A_35, %scan3A_36 : i32
    %scan3A_38 = arith.constant 1 : i32
    scf.for %scan3A_50 = %scan3A_35 to %scan3A_37 step %scan3A_38  : i32 {
      %mul3A_51 = arith.constant 16 : i32
      %mul3A_52 = arith.muli %scan3A_50, %mul3A_51 : i32
      %multiple_of3A = tpu.assume_multiple %mul3A_52, 16 : i32
      %get3A = arith.constant 0 : i32
      %get3A_53 = arith.index_cast %get3A : i32 to index
      %get3A_54 = arith.index_cast %multiple_of3A : i32 to index
      %get3A_55 = tpu.vector_load %arg8[%get3A_53, %get3A_54] {strides = array<i32>} : memref<40x768xf32, #tpu.memory_space<vmem>>, vector<1x16xf32>,
      %get3A_56 = vector.shape_cast %get3A_55 : vector<1x16xf32> to vector<16xf32>
      %get3A_57 = arith.constant 1 : i32
      %get3A_58 = arith.index_cast %get3A_57 : i32 to index
      %get3A_59 = arith.index_cast %multiple_of3A : i32 to index
      %get3A_60 = tpu.vector_load %arg8[%get3A_58, %get3A_59] {strides = array<i32>} : memref<40x768xf32, #tpu.memory_space<vmem>>, vector<1x16xf32>,
      %get3A_61 = vector.shape_cast %get3A_60 : vector<1x16xf32> to vector<16xf32>
      %get3A_62 = arith.constant 2 : i32
      %get3A_63 = arith.index_cast %get3A_62 : i32 to index
      %get3A_64 = arith.index_cast %multiple_of3A : i32 to index
      %get3A_65 = tpu.vector_load %arg8[%get3A_63, %get3A_64] {strides = array<i32>} : memref<40x768xf32, #tpu.memory_space<vmem>>, vector<1x16xf32>,
      %get3A_66 = vector.shape_cast %get3A_65 : vector<1x16xf32> to vector<16xf32>
      %get3A_67 = arith.constant 3 : i32
      %get3A_68 = arith.index_cast %get3A_67 : i32 to index
      %get3A_69 = arith.index_cast %multiple_of3A : i32 to index
      %get3A_70 = tpu.vector_load %arg8[%get3A_68, %get3A_69] {strides = array<i32>} : memref<40x768xf32, #tpu.memory_space<vmem>>, vector<1x16xf32>,
      %get3A_71 = vector.shape_cast %get3A_70 : vector<1x16xf32> to vector<16xf32>
      %get3A_72 = arith.constant 4 : i32
      %get3A_73 = arith.index_cast %get3A_72 : i32 to index
      %get3A_74 = arith.index_cast %multiple_of3A : i32 to index
      %get3A_75 = tpu.vector_load %arg8[%get3A_73, %get3A_74] {strides = array<i32>} : memref<40x768xf32, #tpu.memory_space<vmem>>, vector<1x16xf32>,
      %get3A_76 = vector.shape_cast %get3A_75 : vector<1x16xf32> to vector<16xf32>
      %get3A_77 = arith.constant 5 : i32
      %get3A_78 = arith.index_cast %get3A_77 : i32 to index
      %get3A_79 = arith.index_cast %multiple_of3A : i32 to index
      %get3A_80 = tpu.vector_load %arg8[%get3A_78, %get3A_79] {strides = array<i32>} : memref<40x768xf32, #tpu.memory_space<vmem>>, vector<1x16xf32>,
      %get3A_81 = vector.shape_cast %get3A_80 : vector<1x16xf32> to vector<16xf32>
      %get3A_82 = arith.constant 6 : i32
      %get3A_83 = arith.index_cast %get3A_82 : i32 to index
      %get3A_84 = arith.index_cast %multiple_of3A : i32 to index
      %get3A_85 = tpu.vector_load %arg8[%get3A_83, %get3A_84] {strides = array<i32>} : memref<40x768xf32, #tpu.memory_space<vmem>>, vector<1x16xf32>,
      %get3A_86 = vector.shape_cast %get3A_85 : vector<1x16xf32> to vector<16xf32>
      %get3A_87 = arith.constant 7 : i32
      %get3A_88 = arith.index_cast %get3A_87 : i32 to index
      %get3A_89 = arith.index_cast %multiple_of3A : i32 to index
      %get3A_90 = tpu.vector_load %arg8[%get3A_88, %get3A_89] {strides = array<i32>} : memref<40x768xf32, #tpu.memory_space<vmem>>, vector<1x16xf32>,
      %get3A_91 = vector.shape_cast %get3A_90 : vector<1x16xf32> to vector<16xf32>
      %get3A_92 = arith.constant 8 : i32
      %get3A_93 = arith.index_cast %get3A_92 : i32 to index
      %get3A_94 = arith.index_cast %multiple_of3A : i32 to index
      %get3A_95 = tpu.vector_load %arg8[%get3A_93, %get3A_94] {strides = array<i32>} : memref<40x768xf32, #tpu.memory_space<vmem>>, vector<1x16xf32>,
      %get3A_96 = vector.shape_cast %get3A_95 : vector<1x16xf32> to vector<16xf32>
      %get3A_97 = arith.constant 9 : i32
      %get3A_98 = arith.index_cast %get3A_97 : i32 to index
      %get3A_99 = arith.index_cast %multiple_of3A : i32 to index
      %get3A_100 = tpu.vector_load %arg8[%get3A_98, %get3A_99] {strides = array<i32>} : memref<40x768xf32, #tpu.memory_space<vmem>>, vector<1x16xf32>,
      %get3A_101 = vector.shape_cast %get3A_100 : vector<1x16xf32> to vector<16xf32>
      %get3A_102 = arith.constant 10 : i32
      %get3A_103 = arith.index_cast %get3A_102 : i32 to index
      %get3A_104 = arith.index_cast %multiple_of3A : i32 to index
      %get3A_105 = tpu.vector_load %arg8[%get3A_103, %get3A_104] {strides = array<i32>} : memref<40x768xf32, #tpu.memory_space<vmem>>, vector<1x16xf32>,
      %get3A_106 = vector.shape_cast %get3A_105 : vector<1x16xf32> to vector<16xf32>
      %get3A_107 = arith.constant 11 : i32
      %get3A_108 = arith.index_cast %get3A_107 : i32 to index
      %get3A_109 = arith.index_cast %multiple_of3A : i32 to index
      %get3A_110 = tpu.vector_load %arg8[%get3A_108, %get3A_109] {strides = array<i32>} : memref<40x768xf32, #tpu.memory_space<vmem>>, vector<1x16xf32>,
      %get3A_111 = vector.shape_cast %get3A_110 : vector<1x16xf32> to vector<16xf32>
      %get3A_112 = arith.constant 12 : i32
      %get3A_113 = arith.index_cast %get3A_112 : i32 to index
      %get3A_114 = arith.index_cast %multiple_of3A : i32 to index
      %get3A_115 = tpu.vector_load %arg8[%get3A_113, %get3A_114] {strides = array<i32>} : memref<40x768xf32, #tpu.memory_space<vmem>>, vector<1x16xf32>,
      %get3A_116 = vector.shape_cast %get3A_115 : vector<1x16xf32> to vector<16xf32>
      %get3A_117 = arith.constant 13 : i32
      %get3A_118 = arith.index_cast %get3A_117 : i32 to index
      %get3A_119 = arith.index_cast %multiple_of3A : i32 to index
      %get3A_120 = tpu.vector_load %arg8[%get3A_118, %get3A_119] {strides = array<i32>} : memref<40x768xf32, #tpu.memory_space<vmem>>, vector<1x16xf32>,
      %get3A_121 = vector.shape_cast %get3A_120 : vector<1x16xf32> to vector<16xf32>
      %get3A_122 = arith.constant 14 : i32
      %get3A_123 = arith.index_cast %get3A_122 : i32 to index
      %get3A_124 = arith.index_cast %multiple_of3A : i32 to index
      %get3A_125 = tpu.vector_load %arg8[%get3A_123, %get3A_124] {strides = array<i32>} : memref<40x768xf32, #tpu.memory_space<vmem>>, vector<1x16xf32>,
      %get3A_126 = vector.shape_cast %get3A_125 : vector<1x16xf32> to vector<16xf32>
      %get3A_127 = arith.constant 15 : i32
      %get3A_128 = arith.index_cast %get3A_127 : i32 to index
      %get3A_129 = arith.index_cast %multiple_of3A : i32 to index
      %get3A_130 = tpu.vector_load %arg8[%get3A_128, %get3A_129] {strides = array<i32>} : memref<40x768xf32, #tpu.memory_space<vmem>>, vector<1x16xf32>,
      %get3A_131 = vector.shape_cast %get3A_130 : vector<1x16xf32> to vector<16xf32>
      %get3A_132 = arith.constant 16 : i32
      %get3A_133 = arith.index_cast %get3A_132 : i32 to index
      %get3A_134 = arith.index_cast %multiple_of3A : i32 to index
      %get3A_135 = tpu.vector_load %arg8[%get3A_133, %get3A_134] {strides = array<i32>} : memref<40x768xf32, #tpu.memory_space<vmem>>, vector<1x16xf32>,
      %get3A_136 = vector.shape_cast %get3A_135 : vector<1x16xf32> to vector<16xf32>
      %get3A_137 = arith.constant 17 : i32
      %get3A_138 = arith.index_cast %get3A_137 : i32 to index
      %get3A_139 = arith.index_cast %multiple_of3A : i32 to index
      %get3A_140 = tpu.vector_load %arg8[%get3A_138, %get3A_139] {strides = array<i32>} : memref<40x768xf32, #tpu.memory_space<vmem>>, vector<1x16xf32>,
      %get3A_141 = vector.shape_cast %get3A_140 : vector<1x16xf32> to vector<16xf32>
      %get3A_142 = arith.constant 18 : i32
      %get3A_143 = arith.index_cast %get3A_142 : i32 to index
      %get3A_144 = arith.index_cast %multiple_of3A : i32 to index
      %get3A_145 = tpu.vector_load %arg8[%get3A_143, %get3A_144] {strides = array<i32>} : memref<40x768xf32, #tpu.memory_space<vmem>>, vector<1x16xf32>,
      %get3A_146 = vector.shape_cast %get3A_145 : vector<1x16xf32> to vector<16xf32>
      %get3A_147 = arith.constant 19 : i32
      %get3A_148 = arith.index_cast %get3A_147 : i32 to index
      %get3A_149 = arith.index_cast %multiple_of3A : i32 to index
      %get3A_150 = tpu.vector_load %arg8[%get3A_148, %get3A_149] {strides = array<i32>} : memref<40x768xf32, #tpu.memory_space<vmem>>, vector<1x16xf32>,
      %get3A_151 = vector.shape_cast %get3A_150 : vector<1x16xf32> to vector<16xf32>
      %get3A_152 = arith.constant 20 : i32
      %get3A_153 = arith.index_cast %get3A_152 : i32 to index
      %get3A_154 = arith.index_cast %multiple_of3A : i32 to index
      %get3A_155 = tpu.vector_load %arg8[%get3A_153, %get3A_154] {strides = array<i32>} : memref<40x768xf32, #tpu.memory_space<vmem>>, vector<1x16xf32>,
      %get3A_156 = vector.shape_cast %get3A_155 : vector<1x16xf32> to vector<16xf32>
      %get3A_157 = arith.constant 21 : i32
      %get3A_158 = arith.index_cast %get3A_157 : i32 to index
      %get3A_159 = arith.index_cast %multiple_of3A : i32 to index
      %get3A_160 = tpu.vector_load %arg8[%get3A_158, %get3A_159] {strides = array<i32>} : memref<40x768xf32, #tpu.memory_space<vmem>>, vector<1x16xf32>,
      %get3A_161 = vector.shape_cast %get3A_160 : vector<1x16xf32> to vector<16xf32>
      %get3A_162 = arith.constant 22 : i32
      %get3A_163 = arith.index_cast %get3A_162 : i32 to index
      %get3A_164 = arith.index_cast %multiple_of3A : i32 to index
      %get3A_165 = tpu.vector_load %arg8[%get3A_163, %get3A_164] {strides = array<i32>} : memref<40x768xf32, #tpu.memory_space<vmem>>, vector<1x16xf32>,
      %get3A_166 = vector.shape_cast %get3A_165 : vector<1x16xf32> to vector<16xf32>
      %get3A_167 = arith.constant 23 : i32
      %get3A_168 = arith.index_cast %get3A_167 : i32 to index
      %get3A_169 = arith.index_cast %multiple_of3A : i32 to index
      %get3A_170 = tpu.vector_load %arg8[%get3A_168, %get3A_169] {strides = array<i32>} : memref<40x768xf32, #tpu.memory_space<vmem>>, vector<1x16xf32>,
      %get3A_171 = vector.shape_cast %get3A_170 : vector<1x16xf32> to vector<16xf32>
      %get3A_172 = arith.constant 24 : i32
      %get3A_173 = arith.index_cast %get3A_172 : i32 to index
      %get3A_174 = arith.index_cast %multiple_of3A : i32 to index
      %get3A_175 = tpu.vector_load %arg8[%get3A_173, %get3A_174] {strides = array<i32>} : memref<40x768xf32, #tpu.memory_space<vmem>>, vector<1x16xf32>,
      %get3A_176 = vector.shape_cast %get3A_175 : vector<1x16xf32> to vector<16xf32>
      %get3A_177 = arith.constant 25 : i32
      %get3A_178 = arith.index_cast %get3A_177 : i32 to index
      %get3A_179 = arith.index_cast %multiple_of3A : i32 to index
      %get3A_180 = tpu.vector_load %arg8[%get3A_178, %get3A_179] {strides = array<i32>} : memref<40x768xf32, #tpu.memory_space<vmem>>, vector<1x16xf32>,
      %get3A_181 = vector.shape_cast %get3A_180 : vector<1x16xf32> to vector<16xf32>
      %get3A_182 = arith.constant 26 : i32
      %get3A_183 = arith.index_cast %get3A_182 : i32 to index
      %get3A_184 = arith.index_cast %multiple_of3A : i32 to index
      %get3A_185 = tpu.vector_load %arg8[%get3A_183, %get3A_184] {strides = array<i32>} : memref<40x768xf32, #tpu.memory_space<vmem>>, vector<1x16xf32>,
      %get3A_186 = vector.shape_cast %get3A_185 : vector<1x16xf32> to vector<16xf32>
      %get3A_187 = arith.constant 27 : i32
      %get3A_188 = arith.index_cast %get3A_187 : i32 to index
      %get3A_189 = arith.index_cast %multiple_of3A : i32 to index
      %get3A_190 = tpu.vector_load %arg8[%get3A_188, %get3A_189] {strides = array<i32>} : memref<40x768xf32, #tpu.memory_space<vmem>>, vector<1x16xf32>,
      %get3A_191 = vector.shape_cast %get3A_190 : vector<1x16xf32> to vector<16xf32>
      %get3A_192 = arith.constant 28 : i32
      %get3A_193 = arith.index_cast %get3A_192 : i32 to index
      %get3A_194 = arith.index_cast %multiple_of3A : i32 to index
      %get3A_195 = tpu.vector_load %arg8[%get3A_193, %get3A_194] {strides = array<i32>} : memref<40x768xf32, #tpu.memory_space<vmem>>, vector<1x16xf32>,
      %get3A_196 = vector.shape_cast %get3A_195 : vector<1x16xf32> to vector<16xf32>
      %get3A_197 = arith.constant 29 : i32
      %get3A_198 = arith.index_cast %get3A_197 : i32 to index
      %get3A_199 = arith.index_cast %multiple_of3A : i32 to index
      %get3A_200 = tpu.vector_load %arg8[%get3A_198, %get3A_199] {strides = array<i32>} : memref<40x768xf32, #tpu.memory_space<vmem>>, vector<1x16xf32>,
      %get3A_201 = vector.shape_cast %get3A_200 : vector<1x16xf32> to vector<16xf32>
      %get3A_202 = arith.constant 30 : i32
      %get3A_203 = arith.index_cast %get3A_202 : i32 to index
      %get3A_204 = arith.index_cast %multiple_of3A : i32 to index
      %get3A_205 = tpu.vector_load %arg8[%get3A_203, %get3A_204] {strides = array<i32>} : memref<40x768xf32, #tpu.memory_space<vmem>>, vector<1x16xf32>,
      %get3A_206 = vector.shape_cast %get3A_205 : vector<1x16xf32> to vector<16xf32>
      %get3A_207 = arith.constant 31 : i32
      %get3A_208 = arith.index_cast %get3A_207 : i32 to index
      %get3A_209 = arith.index_cast %multiple_of3A : i32 to index
      %get3A_210 = tpu.vector_load %arg8[%get3A_208, %get3A_209] {strides = array<i32>} : memref<40x768xf32, #tpu.memory_space<vmem>>, vector<1x16xf32>,
      %get3A_211 = vector.shape_cast %get3A_210 : vector<1x16xf32> to vector<16xf32>
      %get3A_212 = arith.constant 32 : i32
      %get3A_213 = arith.index_cast %get3A_212 : i32 to index
      %get3A_214 = arith.index_cast %multiple_of3A : i32 to index
      %get3A_215 = tpu.vector_load %arg8[%get3A_213, %get3A_214] {strides = array<i32>} : memref<40x768xf32, #tpu.memory_space<vmem>>, vector<1x16xf32>,
      %get3A_216 = vector.shape_cast %get3A_215 : vector<1x16xf32> to vector<16xf32>
      %get3A_217 = arith.constant 33 : i32
      %get3A_218 = arith.index_cast %get3A_217 : i32 to index
      %get3A_219 = arith.index_cast %multiple_of3A : i32 to index
      %get3A_220 = tpu.vector_load %arg8[%get3A_218, %get3A_219] {strides = array<i32>} : memref<40x768xf32, #tpu.memory_space<vmem>>, vector<1x16xf32>,
      %get3A_221 = vector.shape_cast %get3A_220 : vector<1x16xf32> to vector<16xf32>
      %get3A_222 = arith.constant 34 : i32
      %get3A_223 = arith.index_cast %get3A_222 : i32 to index
      %get3A_224 = arith.index_cast %multiple_of3A : i32 to index
      %get3A_225 = tpu.vector_load %arg8[%get3A_223, %get3A_224] {strides = array<i32>} : memref<40x768xf32, #tpu.memory_space<vmem>>, vector<1x16xf32>,
      %get3A_226 = vector.shape_cast %get3A_225 : vector<1x16xf32> to vector<16xf32>
      %get3A_227 = arith.constant 35 : i32
      %get3A_228 = arith.index_cast %get3A_227 : i32 to index
      %get3A_229 = arith.index_cast %multiple_of3A : i32 to index
      %get3A_230 = tpu.vector_load %arg8[%get3A_228, %get3A_229] {strides = array<i32>} : memref<40x768xf32, #tpu.memory_space<vmem>>, vector<1x16xf32>,
      %get3A_231 = vector.shape_cast %get3A_230 : vector<1x16xf32> to vector<16xf32>
      %get3A_232 = arith.constant 36 : i32
      %get3A_233 = arith.index_cast %get3A_232 : i32 to index
      %get3A_234 = arith.index_cast %multiple_of3A : i32 to index
      %get3A_235 = tpu.vector_load %arg8[%get3A_233, %get3A_234] {strides = array<i32>} : memref<40x768xf32, #tpu.memory_space<vmem>>, vector<1x16xf32>,
      %get3A_236 = vector.shape_cast %get3A_235 : vector<1x16xf32> to vector<16xf32>
      %get3A_237 = arith.constant 37 : i32
      %get3A_238 = arith.index_cast %get3A_237 : i32 to index
      %get3A_239 = arith.index_cast %multiple_of3A : i32 to index
      %get3A_240 = tpu.vector_load %arg8[%get3A_238, %get3A_239] {strides = array<i32>} : memref<40x768xf32, #tpu.memory_space<vmem>>, vector<1x16xf32>,
      %get3A_241 = vector.shape_cast %get3A_240 : vector<1x16xf32> to vector<16xf32>
      %get3A_242 = arith.constant 38 : i32
      %get3A_243 = arith.index_cast %get3A_242 : i32 to index
      %get3A_244 = arith.index_cast %multiple_of3A : i32 to index
      %get3A_245 = tpu.vector_load %arg8[%get3A_243, %get3A_244] {strides = array<i32>} : memref<40x768xf32, #tpu.memory_space<vmem>>, vector<1x16xf32>,
      %get3A_246 = vector.shape_cast %get3A_245 : vector<1x16xf32> to vector<16xf32>
      %get3A_247 = arith.constant 39 : i32
      %get3A_248 = arith.index_cast %get3A_247 : i32 to index
      %get3A_249 = arith.index_cast %multiple_of3A : i32 to index
      %get3A_250 = tpu.vector_load %arg8[%get3A_248, %get3A_249] {strides = array<i32>} : memref<40x768xf32, #tpu.memory_space<vmem>>, vector<1x16xf32>,
      %get3A_251 = vector.shape_cast %get3A_250 : vector<1x16xf32> to vector<16xf32>
      %add3A_252 = arith.addf %get3A_56, %get3A_61 : vector<16xf32>
      %add3A_253 = arith.addf %get3A_66, %get3A_71 : vector<16xf32>
      %add3A_254 = arith.addf %get3A_76, %get3A_81 : vector<16xf32>
      %add3A_255 = arith.addf %get3A_86, %get3A_91 : vector<16xf32>
      %add3A_256 = arith.addf %get3A_96, %get3A_101 : vector<16xf32>
      %add3A_257 = arith.addf %get3A_106, %get3A_111 : vector<16xf32>
      %add3A_258 = arith.addf %get3A_116, %get3A_121 : vector<16xf32>
      %add3A_259 = arith.addf %get3A_126, %get3A_131 : vector<16xf32>
      %add3A_260 = arith.addf %get3A_136, %get3A_141 : vector<16xf32>
      %add3A_261 = arith.addf %get3A_146, %get3A_151 : vector<16xf32>
      %add3A_262 = arith.addf %get3A_156, %get3A_161 : vector<16xf32>
      %add3A_263 = arith.addf %get3A_166, %get3A_171 : vector<16xf32>
      %add3A_264 = arith.addf %get3A_176, %get3A_181 : vector<16xf32>
      %add3A_265 = arith.addf %get3A_186, %get3A_191 : vector<16xf32>
      %add3A_266 = arith.addf %get3A_196, %get3A_201 : vector<16xf32>
      %add3A_267 = arith.addf %get3A_206, %get3A_211 : vector<16xf32>
      %add3A_268 = arith.addf %get3A_216, %get3A_221 : vector<16xf32>
      %add3A_269 = arith.addf %get3A_226, %get3A_231 : vector<16xf32>
      %add3A_270 = arith.addf %get3A_236, %get3A_241 : vector<16xf32>
      %add3A_271 = arith.addf %get3A_246, %get3A_251 : vector<16xf32>
      %add3A_272 = arith.addf %add3A_252, %add3A_253 : vector<16xf32>
      %add3A_273 = arith.addf %add3A_254, %add3A_255 : vector<16xf32>
      %add3A_274 = arith.addf %add3A_256, %add3A_257 : vector<16xf32>
      %add3A_275 = arith.addf %add3A_258, %add3A_259 : vector<16xf32>
      %add3A_276 = arith.addf %add3A_260, %add3A_261 : vector<16xf32>
      %add3A_277 = arith.addf %add3A_262, %add3A_263 : vector<16xf32>
      %add3A_278 = arith.addf %add3A_264, %add3A_265 : vector<16xf32>
      %add3A_279 = arith.addf %add3A_266, %add3A_267 : vector<16xf32>
      %add3A_280 = arith.addf %add3A_268, %add3A_269 : vector<16xf32>
      %add3A_281 = arith.addf %add3A_270, %add3A_271 : vector<16xf32>
      %add3A_282 = arith.addf %add3A_272, %add3A_273 : vector<16xf32>
      %add3A_283 = arith.addf %add3A_274, %add3A_275 : vector<16xf32>
      %add3A_284 = arith.addf %add3A_276, %add3A_277 : vector<16xf32>
      %add3A_285 = arith.addf %add3A_278, %add3A_279 : vector<16xf32>
      %add3A_286 = arith.addf %add3A_280, %add3A_281 : vector<16xf32>
      %add3A_287 = arith.addf %add3A_282, %add3A_283 : vector<16xf32>
      %add3A_288 = arith.addf %add3A_284, %add3A_285 : vector<16xf32>
      %add3A_289 = arith.addf %add3A_287, %add3A_288 : vector<16xf32>
      %add3A_290 = arith.addf %add3A_289, %add3A_286 : vector<16xf32>
      %swap3A = arith.constant 31 : i32
      %swap3A_291 = arith.index_cast %swap3A : i32 to index
      %swap3A_292 = arith.index_cast %multiple_of3A : i32 to index
      %swap3A_293 = tpu.vector_load %arg11[%swap3A_291, %swap3A_292] {strides = array<i32>} : memref<32x768xf32, #tpu.memory_space<vmem>>, vector<1x16xf32>,
      %swap3A_294 = vector.shape_cast %swap3A_293 : vector<1x16xf32> to vector<16xf32>
      %swap3A_295 = vector.shape_cast %add3A_290 : vector<16xf32> to vector<1x16xf32>
      tpu.vector_store %arg11[%swap3A_291, %swap3A_292], %swap3A_295 {add = true, strides = array<i32>} : memref<32x768xf32, #tpu.memory_space<vmem>>, vector<1x16xf32>,
    }
    %scan3A_39 = arith.constant 48 : i32
    %scan3A_40 = arith.constant 0 : i32
    %scan3A_41 = arith.constant 0 : i32
    %scan3A_42 = arith.constant 32 : i32
    %scan3A_43 = arith.addi %scan3A_41, %scan3A_42 : i32
    %scan3A_44 = arith.constant 1 : i32
    scf.for %scan3A_50 = %scan3A_41 to %scan3A_43 step %scan3A_44  : i32 {
      %get3A = arith.index_cast %scan3A_50 : i32 to index
      %get3A_51 = arith.constant 0 : index
      %get3A_52 = tpu.vector_load %arg11[%get3A, %get3A_51] {strides = array<i32>} : memref<32x768xf32, #tpu.memory_space<vmem>>, vector<1x16xf32>,
      %get3A_53 = vector.shape_cast %get3A_52 : vector<1x16xf32> to vector<16xf32>
      %get3A_54 = arith.index_cast %scan3A_50 : i32 to index
      %get3A_55 = arith.constant 16 : index
      %get3A_56 = tpu.vector_load %arg11[%get3A_54, %get3A_55] {strides = array<i32>} : memref<32x768xf32, #tpu.memory_space<vmem>>, vector<1x16xf32>,
      %get3A_57 = vector.shape_cast %get3A_56 : vector<1x16xf32> to vector<16xf32>
      %add3A_58 = arith.addf %get3A_53, %get3A_57 : vector<16xf32>
      %get3A_59 = arith.index_cast %scan3A_50 : i32 to index
      %get3A_60 = arith.constant 32 : index
      %get3A_61 = tpu.vector_load %arg11[%get3A_59, %get3A_60] {strides = array<i32>} : memref<32x768xf32, #tpu.memory_space<vmem>>, vector<1x16xf32>,
      %get3A_62 = vector.shape_cast %get3A_61 : vector<1x16xf32> to vector<16xf32>
      %add3A_63 = arith.addf %add3A_58, %get3A_62 : vector<16xf32>
      %get3A_64 = arith.index_cast %scan3A_50 : i32 to index
      %get3A_65 = arith.constant 48 : index
      %get3A_66 = tpu.vector_load %arg11[%get3A_64, %get3A_65] {strides = array<i32>} : memref<32x768xf32, #tpu.memory_space<vmem>>, vector<1x16xf32>,
      %get3A_67 = vector.shape_cast %get3A_66 : vector<1x16xf32> to vector<16xf32>
      %add3A_68 = arith.addf %add3A_63, %get3A_67 : vector<16xf32>
      %get3A_69 = arith.index_cast %scan3A_50 : i32 to index
      %get3A_70 = arith.constant 64 : index
      %get3A_71 = tpu.vector_load %arg11[%get3A_69, %get3A_70] {strides = array<i32>} : memref<32x768xf32, #tpu.memory_space<vmem>>, vector<1x16xf32>,
      %get3A_72 = vector.shape_cast %get3A_71 : vector<1x16xf32> to vector<16xf32>
      %add3A_73 = arith.addf %add3A_68, %get3A_72 : vector<16xf32>
      %get3A_74 = arith.index_cast %scan3A_50 : i32 to index
      %get3A_75 = arith.constant 80 : index
      %get3A_76 = tpu.vector_load %arg11[%get3A_74, %get3A_75] {strides = array<i32>} : memref<32x768xf32, #tpu.memory_space<vmem>>, vector<1x16xf32>,
      %get3A_77 = vector.shape_cast %get3A_76 : vector<1x16xf32> to vector<16xf32>
      %add3A_78 = arith.addf %add3A_73, %get3A_77 : vector<16xf32>
      %get3A_79 = arith.index_cast %scan3A_50 : i32 to index
      %get3A_80 = arith.constant 96 : index
      %get3A_81 = tpu.vector_load %arg11[%get3A_79, %get3A_80] {strides = array<i32>} : memref<32x768xf32, #tpu.memory_space<vmem>>, vector<1x16xf32>,
      %get3A_82 = vector.shape_cast %get3A_81 : vector<1x16xf32> to vector<16xf32>
      %add3A_83 = arith.addf %add3A_78, %get3A_82 : vector<16xf32>
      %get3A_84 = arith.index_cast %scan3A_50 : i32 to index
      %get3A_85 = arith.constant 112 : index
      %get3A_86 = tpu.vector_load %arg11[%get3A_84, %get3A_85] {strides = array<i32>} : memref<32x768xf32, #tpu.memory_space<vmem>>, vector<1x16xf32>,
      %get3A_87 = vector.shape_cast %get3A_86 : vector<1x16xf32> to vector<16xf32>
      %add3A_88 = arith.addf %add3A_83, %get3A_87 : vector<16xf32>
      %get3A_89 = arith.index_cast %scan3A_50 : i32 to index
      %get3A_90 = arith.constant 128 : index
      %get3A_91 = tpu.vector_load %arg11[%get3A_89, %get3A_90] {strides = array<i32>} : memref<32x768xf32, #tpu.memory_space<vmem>>, vector<1x16xf32>,
      %get3A_92 = vector.shape_cast %get3A_91 : vector<1x16xf32> to vector<16xf32>
      %add3A_93 = arith.addf %add3A_88, %get3A_92 : vector<16xf32>
      %get3A_94 = arith.index_cast %scan3A_50 : i32 to index
      %get3A_95 = arith.constant 144 : index
      %get3A_96 = tpu.vector_load %arg11[%get3A_94, %get3A_95] {strides = array<i32>} : memref<32x768xf32, #tpu.memory_space<vmem>>, vector<1x16xf32>,
      %get3A_97 = vector.shape_cast %get3A_96 : vector<1x16xf32> to vector<16xf32>
      %add3A_98 = arith.addf %add3A_93, %get3A_97 : vector<16xf32>
      %get3A_99 = arith.index_cast %scan3A_50 : i32 to index
      %get3A_100 = arith.constant 160 : index
      %get3A_101 = tpu.vector_load %arg11[%get3A_99, %get3A_100] {strides = array<i32>} : memref<32x768xf32, #tpu.memory_space<vmem>>, vector<1x16xf32>,
      %get3A_102 = vector.shape_cast %get3A_101 : vector<1x16xf32> to vector<16xf32>
      %add3A_103 = arith.addf %add3A_98, %get3A_102 : vector<16xf32>
      %get3A_104 = arith.index_cast %scan3A_50 : i32 to index
      %get3A_105 = arith.constant 176 : index
      %get3A_106 = tpu.vector_load %arg11[%get3A_104, %get3A_105] {strides = array<i32>} : memref<32x768xf32, #tpu.memory_space<vmem>>, vector<1x16xf32>,
      %get3A_107 = vector.shape_cast %get3A_106 : vector<1x16xf32> to vector<16xf32>
      %add3A_108 = arith.addf %add3A_103, %get3A_107 : vector<16xf32>
      %get3A_109 = arith.index_cast %scan3A_50 : i32 to index
      %get3A_110 = arith.constant 192 : index
      %get3A_111 = tpu.vector_load %arg11[%get3A_109, %get3A_110] {strides = array<i32>} : memref<32x768xf32, #tpu.memory_space<vmem>>, vector<1x16xf32>,
      %get3A_112 = vector.shape_cast %get3A_111 : vector<1x16xf32> to vector<16xf32>
      %add3A_113 = arith.addf %add3A_108, %get3A_112 : vector<16xf32>
      %get3A_114 = arith.index_cast %scan3A_50 : i32 to index
      %get3A_115 = arith.constant 208 : index
      %get3A_116 = tpu.vector_load %arg11[%get3A_114, %get3A_115] {strides = array<i32>} : memref<32x768xf32, #tpu.memory_space<vmem>>, vector<1x16xf32>,
      %get3A_117 = vector.shape_cast %get3A_116 : vector<1x16xf32> to vector<16xf32>
      %add3A_118 = arith.addf %add3A_113, %get3A_117 : vector<16xf32>
      %get3A_119 = arith.index_cast %scan3A_50 : i32 to index
      %get3A_120 = arith.constant 224 : index
      %get3A_121 = tpu.vector_load %arg11[%get3A_119, %get3A_120] {strides = array<i32>} : memref<32x768xf32, #tpu.memory_space<vmem>>, vector<1x16xf32>,
      %get3A_122 = vector.shape_cast %get3A_121 : vector<1x16xf32> to vector<16xf32>
      %add3A_123 = arith.addf %add3A_118, %get3A_122 : vector<16xf32>
      %get3A_124 = arith.index_cast %scan3A_50 : i32 to index
      %get3A_125 = arith.constant 240 : index
      %get3A_126 = tpu.vector_load %arg11[%get3A_124, %get3A_125] {strides = array<i32>} : memref<32x768xf32, #tpu.memory_space<vmem>>, vector<1x16xf32>,
      %get3A_127 = vector.shape_cast %get3A_126 : vector<1x16xf32> to vector<16xf32>
      %add3A_128 = arith.addf %add3A_123, %get3A_127 : vector<16xf32>
      %get3A_129 = arith.index_cast %scan3A_50 : i32 to index
      %get3A_130 = arith.constant 256 : index
      %get3A_131 = tpu.vector_load %arg11[%get3A_129, %get3A_130] {strides = array<i32>} : memref<32x768xf32, #tpu.memory_space<vmem>>, vector<1x16xf32>,
      %get3A_132 = vector.shape_cast %get3A_131 : vector<1x16xf32> to vector<16xf32>
      %add3A_133 = arith.addf %add3A_128, %get3A_132 : vector<16xf32>
      %get3A_134 = arith.index_cast %scan3A_50 : i32 to index
      %get3A_135 = arith.constant 272 : index
      %get3A_136 = tpu.vector_load %arg11[%get3A_134, %get3A_135] {strides = array<i32>} : memref<32x768xf32, #tpu.memory_space<vmem>>, vector<1x16xf32>,
      %get3A_137 = vector.shape_cast %get3A_136 : vector<1x16xf32> to vector<16xf32>
      %add3A_138 = arith.addf %add3A_133, %get3A_137 : vector<16xf32>
      %get3A_139 = arith.index_cast %scan3A_50 : i32 to index
      %get3A_140 = arith.constant 288 : index
      %get3A_141 = tpu.vector_load %arg11[%get3A_139, %get3A_140] {strides = array<i32>} : memref<32x768xf32, #tpu.memory_space<vmem>>, vector<1x16xf32>,
      %get3A_142 = vector.shape_cast %get3A_141 : vector<1x16xf32> to vector<16xf32>
      %add3A_143 = arith.addf %add3A_138, %get3A_142 : vector<16xf32>
      %get3A_144 = arith.index_cast %scan3A_50 : i32 to index
      %get3A_145 = arith.constant 304 : index
      %get3A_146 = tpu.vector_load %arg11[%get3A_144, %get3A_145] {strides = array<i32>} : memref<32x768xf32, #tpu.memory_space<vmem>>, vector<1x16xf32>,
      %get3A_147 = vector.shape_cast %get3A_146 : vector<1x16xf32> to vector<16xf32>
      %add3A_148 = arith.addf %add3A_143, %get3A_147 : vector<16xf32>
      %get3A_149 = arith.index_cast %scan3A_50 : i32 to index
      %get3A_150 = arith.constant 320 : index
      %get3A_151 = tpu.vector_load %arg11[%get3A_149, %get3A_150] {strides = array<i32>} : memref<32x768xf32, #tpu.memory_space<vmem>>, vector<1x16xf32>,
      %get3A_152 = vector.shape_cast %get3A_151 : vector<1x16xf32> to vector<16xf32>
      %add3A_153 = arith.addf %add3A_148, %get3A_152 : vector<16xf32>
      %get3A_154 = arith.index_cast %scan3A_50 : i32 to index
      %get3A_155 = arith.constant 336 : index
      %get3A_156 = tpu.vector_load %arg11[%get3A_154, %get3A_155] {strides = array<i32>} : memref<32x768xf32, #tpu.memory_space<vmem>>, vector<1x16xf32>,
      %get3A_157 = vector.shape_cast %get3A_156 : vector<1x16xf32> to vector<16xf32>
      %add3A_158 = arith.addf %add3A_153, %get3A_157 : vector<16xf32>
      %get3A_159 = arith.index_cast %scan3A_50 : i32 to index
      %get3A_160 = arith.constant 352 : index
      %get3A_161 = tpu.vector_load %arg11[%get3A_159, %get3A_160] {strides = array<i32>} : memref<32x768xf32, #tpu.memory_space<vmem>>, vector<1x16xf32>,
      %get3A_162 = vector.shape_cast %get3A_161 : vector<1x16xf32> to vector<16xf32>
      %add3A_163 = arith.addf %add3A_158, %get3A_162 : vector<16xf32>
      %get3A_164 = arith.index_cast %scan3A_50 : i32 to index
      %get3A_165 = arith.constant 368 : index
      %get3A_166 = tpu.vector_load %arg11[%get3A_164, %get3A_165] {strides = array<i32>} : memref<32x768xf32, #tpu.memory_space<vmem>>, vector<1x16xf32>,
      %get3A_167 = vector.shape_cast %get3A_166 : vector<1x16xf32> to vector<16xf32>
      %add3A_168 = arith.addf %add3A_163, %get3A_167 : vector<16xf32>
      %get3A_169 = arith.index_cast %scan3A_50 : i32 to index
      %get3A_170 = arith.constant 384 : index
      %get3A_171 = tpu.vector_load %arg11[%get3A_169, %get3A_170] {strides = array<i32>} : memref<32x768xf32, #tpu.memory_space<vmem>>, vector<1x16xf32>,
      %get3A_172 = vector.shape_cast %get3A_171 : vector<1x16xf32> to vector<16xf32>
      %add3A_173 = arith.addf %add3A_168, %get3A_172 : vector<16xf32>
      %get3A_174 = arith.index_cast %scan3A_50 : i32 to index
      %get3A_175 = arith.constant 400 : index
      %get3A_176 = tpu.vector_load %arg11[%get3A_174, %get3A_175] {strides = array<i32>} : memref<32x768xf32, #tpu.memory_space<vmem>>, vector<1x16xf32>,
      %get3A_177 = vector.shape_cast %get3A_176 : vector<1x16xf32> to vector<16xf32>
      %add3A_178 = arith.addf %add3A_173, %get3A_177 : vector<16xf32>
      %get3A_179 = arith.index_cast %scan3A_50 : i32 to index
      %get3A_180 = arith.constant 416 : index
      %get3A_181 = tpu.vector_load %arg11[%get3A_179, %get3A_180] {strides = array<i32>} : memref<32x768xf32, #tpu.memory_space<vmem>>, vector<1x16xf32>,
      %get3A_182 = vector.shape_cast %get3A_181 : vector<1x16xf32> to vector<16xf32>
      %add3A_183 = arith.addf %add3A_178, %get3A_182 : vector<16xf32>
      %get3A_184 = arith.index_cast %scan3A_50 : i32 to index
      %get3A_185 = arith.constant 432 : index
      %get3A_186 = tpu.vector_load %arg11[%get3A_184, %get3A_185] {strides = array<i32>} : memref<32x768xf32, #tpu.memory_space<vmem>>, vector<1x16xf32>,
      %get3A_187 = vector.shape_cast %get3A_186 : vector<1x16xf32> to vector<16xf32>
      %add3A_188 = arith.addf %add3A_183, %get3A_187 : vector<16xf32>
      %get3A_189 = arith.index_cast %scan3A_50 : i32 to index
      %get3A_190 = arith.constant 448 : index
      %get3A_191 = tpu.vector_load %arg11[%get3A_189, %get3A_190] {strides = array<i32>} : memref<32x768xf32, #tpu.memory_space<vmem>>, vector<1x16xf32>,
      %get3A_192 = vector.shape_cast %get3A_191 : vector<1x16xf32> to vector<16xf32>
      %add3A_193 = arith.addf %add3A_188, %get3A_192 : vector<16xf32>
      %get3A_194 = arith.index_cast %scan3A_50 : i32 to index
      %get3A_195 = arith.constant 464 : index
      %get3A_196 = tpu.vector_load %arg11[%get3A_194, %get3A_195] {strides = array<i32>} : memref<32x768xf32, #tpu.memory_space<vmem>>, vector<1x16xf32>,
      %get3A_197 = vector.shape_cast %get3A_196 : vector<1x16xf32> to vector<16xf32>
      %add3A_198 = arith.addf %add3A_193, %get3A_197 : vector<16xf32>
      %get3A_199 = arith.index_cast %scan3A_50 : i32 to index
      %get3A_200 = arith.constant 480 : index
      %get3A_201 = tpu.vector_load %arg11[%get3A_199, %get3A_200] {strides = array<i32>} : memref<32x768xf32, #tpu.memory_space<vmem>>, vector<1x16xf32>,
      %get3A_202 = vector.shape_cast %get3A_201 : vector<1x16xf32> to vector<16xf32>
      %add3A_203 = arith.addf %add3A_198, %get3A_202 : vector<16xf32>
      %get3A_204 = arith.index_cast %scan3A_50 : i32 to index
      %get3A_205 = arith.constant 496 : index
      %get3A_206 = tpu.vector_load %arg11[%get3A_204, %get3A_205] {strides = array<i32>} : memref<32x768xf32, #tpu.memory_space<vmem>>, vector<1x16xf32>,
      %get3A_207 = vector.shape_cast %get3A_206 : vector<1x16xf32> to vector<16xf32>
      %add3A_208 = arith.addf %add3A_203, %get3A_207 : vector<16xf32>
      %get3A_209 = arith.index_cast %scan3A_50 : i32 to index
      %get3A_210 = arith.constant 512 : index
      %get3A_211 = tpu.vector_load %arg11[%get3A_209, %get3A_210] {strides = array<i32>} : memref<32x768xf32, #tpu.memory_space<vmem>>, vector<1x16xf32>,
      %get3A_212 = vector.shape_cast %get3A_211 : vector<1x16xf32> to vector<16xf32>
      %add3A_213 = arith.addf %add3A_208, %get3A_212 : vector<16xf32>
      %get3A_214 = arith.index_cast %scan3A_50 : i32 to index
      %get3A_215 = arith.constant 528 : index
      %get3A_216 = tpu.vector_load %arg11[%get3A_214, %get3A_215] {strides = array<i32>} : memref<32x768xf32, #tpu.memory_space<vmem>>, vector<1x16xf32>,
      %get3A_217 = vector.shape_cast %get3A_216 : vector<1x16xf32> to vector<16xf32>
      %add3A_218 = arith.addf %add3A_213, %get3A_217 : vector<16xf32>
      %get3A_219 = arith.index_cast %scan3A_50 : i32 to index
      %get3A_220 = arith.constant 544 : index
      %get3A_221 = tpu.vector_load %arg11[%get3A_219, %get3A_220] {strides = array<i32>} : memref<32x768xf32, #tpu.memory_space<vmem>>, vector<1x16xf32>,
      %get3A_222 = vector.shape_cast %get3A_221 : vector<1x16xf32> to vector<16xf32>
      %add3A_223 = arith.addf %add3A_218, %get3A_222 : vector<16xf32>
      %get3A_224 = arith.index_cast %scan3A_50 : i32 to index
      %get3A_225 = arith.constant 560 : index
      %get3A_226 = tpu.vector_load %arg11[%get3A_224, %get3A_225] {strides = array<i32>} : memref<32x768xf32, #tpu.memory_space<vmem>>, vector<1x16xf32>,
      %get3A_227 = vector.shape_cast %get3A_226 : vector<1x16xf32> to vector<16xf32>
      %add3A_228 = arith.addf %add3A_223, %get3A_227 : vector<16xf32>
      %get3A_229 = arith.index_cast %scan3A_50 : i32 to index
      %get3A_230 = arith.constant 576 : index
      %get3A_231 = tpu.vector_load %arg11[%get3A_229, %get3A_230] {strides = array<i32>} : memref<32x768xf32, #tpu.memory_space<vmem>>, vector<1x16xf32>,
      %get3A_232 = vector.shape_cast %get3A_231 : vector<1x16xf32> to vector<16xf32>
      %add3A_233 = arith.addf %add3A_228, %get3A_232 : vector<16xf32>
      %get3A_234 = arith.index_cast %scan3A_50 : i32 to index
      %get3A_235 = arith.constant 592 : index
      %get3A_236 = tpu.vector_load %arg11[%get3A_234, %get3A_235] {strides = array<i32>} : memref<32x768xf32, #tpu.memory_space<vmem>>, vector<1x16xf32>,
      %get3A_237 = vector.shape_cast %get3A_236 : vector<1x16xf32> to vector<16xf32>
      %add3A_238 = arith.addf %add3A_233, %get3A_237 : vector<16xf32>
      %get3A_239 = arith.index_cast %scan3A_50 : i32 to index
      %get3A_240 = arith.constant 608 : index
      %get3A_241 = tpu.vector_load %arg11[%get3A_239, %get3A_240] {strides = array<i32>} : memref<32x768xf32, #tpu.memory_space<vmem>>, vector<1x16xf32>,
      %get3A_242 = vector.shape_cast %get3A_241 : vector<1x16xf32> to vector<16xf32>
      %add3A_243 = arith.addf %add3A_238, %get3A_242 : vector<16xf32>
      %get3A_244 = arith.index_cast %scan3A_50 : i32 to index
      %get3A_245 = arith.constant 624 : index
      %get3A_246 = tpu.vector_load %arg11[%get3A_244, %get3A_245] {strides = array<i32>} : memref<32x768xf32, #tpu.memory_space<vmem>>, vector<1x16xf32>,
      %get3A_247 = vector.shape_cast %get3A_246 : vector<1x16xf32> to vector<16xf32>
      %add3A_248 = arith.addf %add3A_243, %get3A_247 : vector<16xf32>
      %get3A_249 = arith.index_cast %scan3A_50 : i32 to index
      %get3A_250 = arith.constant 640 : index
      %get3A_251 = tpu.vector_load %arg11[%get3A_249, %get3A_250] {strides = array<i32>} : memref<32x768xf32, #tpu.memory_space<vmem>>, vector<1x16xf32>,
      %get3A_252 = vector.shape_cast %get3A_251 : vector<1x16xf32> to vector<16xf32>
      %add3A_253 = arith.addf %add3A_248, %get3A_252 : vector<16xf32>
      %get3A_254 = arith.index_cast %scan3A_50 : i32 to index
      %get3A_255 = arith.constant 656 : index
      %get3A_256 = tpu.vector_load %arg11[%get3A_254, %get3A_255] {strides = array<i32>} : memref<32x768xf32, #tpu.memory_space<vmem>>, vector<1x16xf32>,
      %get3A_257 = vector.shape_cast %get3A_256 : vector<1x16xf32> to vector<16xf32>
      %add3A_258 = arith.addf %add3A_253, %get3A_257 : vector<16xf32>
      %get3A_259 = arith.index_cast %scan3A_50 : i32 to index
      %get3A_260 = arith.constant 672 : index
      %get3A_261 = tpu.vector_load %arg11[%get3A_259, %get3A_260] {strides = array<i32>} : memref<32x768xf32, #tpu.memory_space<vmem>>, vector<1x16xf32>,
      %get3A_262 = vector.shape_cast %get3A_261 : vector<1x16xf32> to vector<16xf32>
      %add3A_263 = arith.addf %add3A_258, %get3A_262 : vector<16xf32>
      %get3A_264 = arith.index_cast %scan3A_50 : i32 to index
      %get3A_265 = arith.constant 688 : index
      %get3A_266 = tpu.vector_load %arg11[%get3A_264, %get3A_265] {strides = array<i32>} : memref<32x768xf32, #tpu.memory_space<vmem>>, vector<1x16xf32>,
      %get3A_267 = vector.shape_cast %get3A_266 : vector<1x16xf32> to vector<16xf32>
      %add3A_268 = arith.addf %add3A_263, %get3A_267 : vector<16xf32>
      %get3A_269 = arith.index_cast %scan3A_50 : i32 to index
      %get3A_270 = arith.constant 704 : index
      %get3A_271 = tpu.vector_load %arg11[%get3A_269, %get3A_270] {strides = array<i32>} : memref<32x768xf32, #tpu.memory_space<vmem>>, vector<1x16xf32>,
      %get3A_272 = vector.shape_cast %get3A_271 : vector<1x16xf32> to vector<16xf32>
      %add3A_273 = arith.addf %add3A_268, %get3A_272 : vector<16xf32>
      %get3A_274 = arith.index_cast %scan3A_50 : i32 to index
      %get3A_275 = arith.constant 720 : index
      %get3A_276 = tpu.vector_load %arg11[%get3A_274, %get3A_275] {strides = array<i32>} : memref<32x768xf32, #tpu.memory_space<vmem>>, vector<1x16xf32>,
      %get3A_277 = vector.shape_cast %get3A_276 : vector<1x16xf32> to vector<16xf32>
      %add3A_278 = arith.addf %add3A_273, %get3A_277 : vector<16xf32>
      %get3A_279 = arith.index_cast %scan3A_50 : i32 to index
      %get3A_280 = arith.constant 736 : index
      %get3A_281 = tpu.vector_load %arg11[%get3A_279, %get3A_280] {strides = array<i32>} : memref<32x768xf32, #tpu.memory_space<vmem>>, vector<1x16xf32>,
      %get3A_282 = vector.shape_cast %get3A_281 : vector<1x16xf32> to vector<16xf32>
      %add3A_283 = arith.addf %add3A_278, %get3A_282 : vector<16xf32>
      %get3A_284 = arith.index_cast %scan3A_50 : i32 to index
      %get3A_285 = arith.constant 752 : index
      %get3A_286 = tpu.vector_load %arg11[%get3A_284, %get3A_285] {strides = array<i32>} : memref<32x768xf32, #tpu.memory_space<vmem>>, vector<1x16xf32>,
      %get3A_287 = vector.shape_cast %get3A_286 : vector<1x16xf32> to vector<16xf32>
      %add3A_288 = arith.addf %add3A_283, %get3A_287 : vector<16xf32>
      %mul3A_289 = arith.constant 16 : i32
      %mul3A_290 = arith.muli %scan3A_50, %mul3A_289 : i32
      %swap3A = arith.index_cast %mul3A_290 : i32 to index
      %swap3A_291 = tpu.vector_load %arg13[%swap3A] {strides = array<i32>} : memref<512xf32, #tpu.memory_space<vmem>>, vector<16xf32>,
      %swap3A_292 = vector.shape_cast %swap3A_291 : vector<16xf32> to vector<16xf32>
      %swap3A_293 = vector.shape_cast %add3A_288 : vector<16xf32> to vector<16xf32>
      tpu.vector_store %arg13[%swap3A], %swap3A_293 {strides = array<i32>} : memref<512xf32, #tpu.memory_space<vmem>>, vector<16xf32>,
    }
    %scan3A_45 = arith.constant 32 : i32
    "tpu.region"() ({
      %run_scoped3A = tpu.sem_alloc : memref<!tpu.dma_semaphore, #tpu.memory_space<semaphore_mem>>
      %dma_start3A_50 = arith.constant 0 : i32
      %dma_start3A_51 = tpu.memref_slice %arg5[%mul3A_2, %dma_start3A_50] : memref<1024x768xf32, #tpu.memory_space<hbm>> -> memref<32x768xf32, #tpu.memory_space<hbm>>
      %dma_start3A_52 = arith.constant 0 : i32
      %dma_start3A_53 = tpu.memref_slice %arg5[%mul3A_2, %dma_start3A_52] : memref<1024x768xf32, #tpu.memory_space<hbm>> -> memref<32x768xf32, #tpu.memory_space<hbm>>
      tpu.enqueue_dma source(%arg11 : memref<32x768xf32, #tpu.memory_space<vmem>>) target(%dma_start3A_53 : memref<32x768xf32, #tpu.memory_space<hbm>>) target_semaphore(%run_scoped3A : memref<!tpu.dma_semaphore, #tpu.memory_space<semaphore_mem>>)
      %dma_wait3A_54 = arith.constant 0 : i32
      %dma_wait3A_55 = tpu.memref_slice %arg5[%mul3A_2, %dma_wait3A_54] : memref<1024x768xf32, #tpu.memory_space<hbm>> -> memref<32x768xf32, #tpu.memory_space<hbm>>
      %dma_wait3A_56 = arith.constant 0 : i32
      %dma_wait3A_57 = tpu.memref_slice %arg5[%mul3A_2, %dma_wait3A_56] : memref<1024x768xf32, #tpu.memory_space<hbm>> -> memref<32x768xf32, #tpu.memory_space<hbm>>
      tpu.wait_dma2 semaphore(%run_scoped3A : memref<!tpu.dma_semaphore, #tpu.memory_space<semaphore_mem>>) src(%arg11 : memref<32x768xf32, #tpu.memory_space<vmem>>) dst(%dma_wait3A_57 : memref<32x768xf32, #tpu.memory_space<hbm>>)
      tpu.yield
    }) : () -> ()
    %mul3A_46 = arith.constant 32 : i32
    %mul3A_47 = arith.muli %add3A, %mul3A_46 : i32
    %mul3A_48 = arith.constant 16 : i32
    %mul3A_49 = arith.muli %mul3A_47, %mul3A_48 : i32
    "tpu.region"() ({
      %run_scoped3A = tpu.sem_alloc : memref<!tpu.dma_semaphore, #tpu.memory_space<semaphore_mem>>
      %dma_start3A_50 = tpu.memref_slice %arg6[%mul3A_49] : memref<16384xf32, #tpu.memory_space<hbm>> -> memref<512xf32, #tpu.memory_space<hbm>>
      %dma_start3A_51 = tpu.memref_slice %arg6[%mul3A_49] : memref<16384xf32, #tpu.memory_space<hbm>> -> memref<512xf32, #tpu.memory_space<hbm>>
      tpu.enqueue_dma source(%arg13 : memref<512xf32, #tpu.memory_space<vmem>>) target(%dma_start3A_51 : memref<512xf32, #tpu.memory_space<hbm>>) target_semaphore(%run_scoped3A : memref<!tpu.dma_semaphore, #tpu.memory_space<semaphore_mem>>)
      %dma_wait3A_52 = tpu.memref_slice %arg6[%mul3A_49] : memref<16384xf32, #tpu.memory_space<hbm>> -> memref<512xf32, #tpu.memory_space<hbm>>
      %dma_wait3A_53 = tpu.memref_slice %arg6[%mul3A_49] : memref<16384xf32, #tpu.memory_space<hbm>> -> memref<512xf32, #tpu.memory_space<hbm>>
      tpu.wait_dma2 semaphore(%run_scoped3A : memref<!tpu.dma_semaphore, #tpu.memory_space<semaphore_mem>>) src(%arg13 : memref<512xf32, #tpu.memory_space<vmem>>) dst(%dma_wait3A_53 : memref<512xf32, #tpu.memory_space<hbm>>)
      tpu.yield
    }) : () -> ()
    return
  }
}

</mosaic_0001>

<sc_bundles>
// kernel: kernel.3.cloned.1.call-start
scs
__scs_entry_jumppad:
0x0: {  	(pc) =	sbr.rel $0x88, $3  }
0x1: {  	(tag) =	ssettag $0x0;
	lr =	simm.s32 $0x1  }
0x2: {  	[smem:$0x3F9E] =	sst lr;
	_ =	strace $0xD0000000  }
0x3: {  	_ = 	snop  }
0x4: {  	_ = 	snop  }
0x5: {  	_ = 	snop  }
0x6: {  	_ = 	snop  }
0x7: {  	_ = 	snop  }
__scs_overlays_trampoline_lowered:
0x8: {  	[smem:$0x3FAD] =	sst s0  }
0x9: {  	[smem:$0x3FAE] =	sst s1  }
0xa: {  	[smem:$0x3FAF] =	sst s2  }
0xb: {  	[smem:$0x3FB0] =	sst s3  }
0xc: {  	[smem:$0x3FB1] =	sst s4  }
0xd: {  	[smem:$0x3FB2] =	sst s5  }
0xe: {  	[smem:$0x3FB3] =	sst s6  }
0xf: {  	[smem:$0x3FB4] =	sst s7  }
0x10: {  	[smem:$0x3FB5] =	sst s8  }
0x11: {  	[smem:$0x3FB6] =	sst s9;
	s0 =	simm.s32 @!p0 $0x0  }
0x12: {  	s1 =	sld [smem:$0x3F9C];
	s0 =	simm.s32 @p0 $0x1  }
0x13: {  	[smem:$0x3FB7] =	sst s0;
	s0 =	simm.s32 @!p1 $0x0  }
0x14: {  	s2 =	sld [smem:$0x3F9B];
	s0 =	simm.s32 @p1 $0x1  }
0x15: {  	[smem:$0x3FB8] =	sst s0;
	s0 =	simm.s32 @!p2 $0x0  }
0x16: {  	s3 =	sld [smem:$0x3FDB];
	s0 =	simm.s32 @p2 $0x1  }
0x17: {  	s4 =	simm.s32 $0x1BF5;
	[smem:$0x3FBA] =	sst s0  }
0x18: {  	s0 =	sld [smem:$0x3F9D];
	_ =	swait.ge [sflag:s4], $0x0  }
0x19: {  	s7 =	sld [smem:$0x3F9E]  }
0x1a: {  	s8 =	sadd.s32 $0xFFFFE003, lr  }
0x1b: {  	s9 =	sadd.s32 $0xFFFFFEF7, lr;
	s5 =	simm.s32 $0xFFFFFFFF;
	p2 =	slt.u32 s8, $0xFFFFF086  }
0x1c: {  	p1 =	slt.u32 s9, $0xF7A;
	s5 =	simm.s32 @!p2 $0x0  }
0x1d: {  	s5 =	simm.s32 @p1 $0x1;
	p0 =	seq.s32 s7, s2  }
0x1e: {  	s7 =	smul.u32 @!p0 $0xF7A, s2;
	p2 =	seq.s32 @!p0 s5, $0x0  }
0x1f: {  	s9 =	smul.u32 $0xF7A, s1;
	s8 =	simm.s32 @!p0 $0x1BF5;
	p2 =	por !p2, p0  }
0x20: {  	[sflag:s8] =	ssyncset.s32 @!p0 $0xFFFFF086;
	s6 =	sadd.s32 @!p0 s3, s7;
	s7 =	simm.s32 @!p0 $0x108  }
0x21: {  	s3 =	sadd.s32 s3, s9;
	s6 =	sadd.s32 @!p0 $0x88, s6;
	s7 =	simm.s32 @p2 $0x1082  }
0x22: {  	[simem:s7], [sflag:s8] =	dma.local @!p0 [hbm:s6], $0xF7A  }
0x23: {  	s9 =	sor.u32 $0xD0000000, s2;
	s6 =	simm.s32 $0x108;
	_ =	swait.ge @!p0 [sflag:s8], $0x0  }
0x24: {  	s3 =	sadd.s32 $0x88, s3;
	s6 =	simm.s32 @!p1 $0x1082;
	[sflag:s4] =	ssyncset.s32 $0xFFFFF086  }
0x25: {  	[simem:s6], [sflag:s4] =	dma.local [hbm:s3], $0xF7A  }
0x26: {  	[smem:$0x3F9E] =	sst s1;
	(tag) =	ssettag s2;
	_ =	strace s9  }
0x27: {  	s1 =	sld [smem:$0x3FAE]  }
0x28: {  	s2 =	sld [smem:$0x3FAF]  }
0x29: {  	s4 =	sld [smem:$0x3FB1]  }
0x2a: {  	p0 =	seq.s32 s5, $0x0;
	s5 =	sld [smem:$0x3FB2]  }
0x2b: {  	s6 =	sld [smem:$0x3FB3]  }
0x2c: {  	s7 =	sld [smem:$0x3FB4]  }
0x2d: {  	s3 =	simm.s32 $0x108;
	s8 =	sld [smem:$0x3FB5]  }
0x2e: {  	s3 =	simm.s32 @!p0 $0x1082;
	s9 =	sld [smem:$0x3FB6]  }
0x2f: {  	lr =	sadd.s32 s0, s3;
	s0 =	sld [smem:$0x3FAD]  }
0x30: {  	s3 =	sld [smem:$0x3FB0]  }
0x31: {  	[smem:$0x3FB9] =	sst s10  }
0x32: {  	s10 =	sld [smem:$0x3FB7];
	_ =	sdelay $0x3  }
0x33: {  	p0 =	seq.s32 s10, $0x1;
	s10 =	sld [smem:$0x3FB9];
	_ =	sdelay $0x3  }
0x34: {  	[smem:$0x3FB9] =	sst s10  }
0x35: {  	s10 =	sld [smem:$0x3FB8];
	_ =	sdelay $0x3  }
0x36: {  	p1 =	seq.s32 s10, $0x1;
	s10 =	sld [smem:$0x3FB9];
	_ =	sdelay $0x3  }
0x37: {  	[smem:$0x3FB9] =	sst s10  }
0x38: {  	s10 =	sld [smem:$0x3FBA]  }
0x39: {  	_ = 	snop;
	(pc) =	sbr.ind lr, $3  }
0x3a: {  	_ = 	snop  }
0x3b: {  	_ = 	snop  }
0x3c: {  	p2 =	seq.s32 s10, $0x1;
	s10 =	sld [smem:$0x3FB9]  }
0x3d: {  	_ =	shalt  }
0x3e: {  	_ =	shalt  }
0x3f: {  	_ =	shalt  }
0x40: {  	_ =	shalt  }
0x41: {  	_ =	shalt  }
0x42: {  	_ =	shalt  }
0x43: {  	_ =	shalt  }
0x44: {  	_ =	shalt  }
0x45: {  	_ =	shalt  }
0x46: {  	_ =	shalt  }
0x47: {  	_ =	shalt  }
0x48: {  	_ =	shalt  }
0x49: {  	_ =	shalt  }
0x4a: {  	_ =	shalt  }
0x4b: {  	_ =	shalt  }
0x4c: {  	_ =	shalt  }
0x4d: {  	_ =	shalt  }
0x4e: {  	_ =	shalt  }
0x4f: {  	_ =	shalt  }
0x50: {  	_ =	shalt  }
0x51: {  	_ =	shalt  }
0x52: {  	_ =	shalt  }
0x53: {  	_ =	shalt  }
0x54: {  	_ =	shalt  }
0x55: {  	_ =	shalt  }
0x56: {  	_ =	shalt  }
0x57: {  	_ =	shalt  }
0x58: {  	_ =	shalt  }
0x59: {  	_ =	shalt  }
0x5a: {  	_ =	shalt  }
0x5b: {  	_ =	shalt  }
0x5c: {  	_ =	shalt  }
0x5d: {  	_ =	shalt  }
0x5e: {  	_ =	shalt  }
0x5f: {  	_ =	shalt  }
0x60: {  	_ =	shalt  }
0x61: {  	_ =	shalt  }
0x62: {  	_ =	shalt  }
0x63: {  	_ =	shalt  }
0x64: {  	_ =	shalt  }
0x65: {  	_ =	shalt  }
0x66: {  	_ =	shalt  }
0x67: {  	_ =	shalt  }
0x68: {  	_ =	shalt  }
0x69: {  	_ =	shalt  }
0x6a: {  	_ =	shalt  }
0x6b: {  	_ =	shalt  }
0x6c: {  	_ =	shalt  }
0x6d: {  	_ =	shalt  }
0x6e: {  	_ =	shalt  }
0x6f: {  	_ =	shalt  }
0x70: {  	_ =	shalt  }
0x71: {  	_ =	shalt  }
0x72: {  	_ =	shalt  }
0x73: {  	_ =	shalt  }
0x74: {  	_ =	shalt  }
0x75: {  	_ =	shalt  }
0x76: {  	_ =	shalt  }
0x77: {  	_ =	shalt  }
0x78: {  	_ =	shalt  }
0x79: {  	_ =	shalt  }
0x7a: {  	_ =	shalt  }
0x7b: {  	_ =	shalt  }
0x7c: {  	_ =	shalt  }
0x7d: {  	_ =	shalt  }
0x7e: {  	_ =	shalt  }
0x7f: {  	_ =	shalt  }
0x80: {  	_ =	shalt  }
0x81: {  	_ =	shalt  }
0x82: {  	_ =	shalt  }
0x83: {  	_ =	shalt  }
0x84: {  	_ =	shalt  }
0x85: {  	_ =	shalt  }
0x86: {  	_ =	shalt  }
0x87: {  	_ =	shalt  }
.Lfunc_end0:
.L_simem_size_0:
called_computation_lowered:
.L_overlay_start_0:
0x88: {  	s2 =	sld [smem:$0x3FD9]  }
0x89: {  	s3 =	sld [smem:$0x3FFE];
	_ =	sdelay $0x1  }
0x8a: {  	s1 =	srdreg.scid  }
0x8b: {  	s0 =	sand.u32 $0x1, s1  }
0x8c: {  	s14 =	sshll.u32 s0, $0xA;
	s2 =	sadd.s32 s3, s2  }
0x8d: {  	s2 =	sadd.s32 s2, s14  }
0x8e: {  	[smem:$0x3FC5] =	sst s2  }
0x8f: {  	_ = 	snop  }
0x90: {  	s2 =	sld [smem:$0x3FD0];
	_ =	sdelay $0x1  }
0x91: {  	s15 =	sld [smem:$0x3FC8]  }
0x92: {  	s5 =	simm.s32 $0xA;
	s6 =	simm.s32 $0x10;
	s4 =	sld [smem:$0x3FC7]  }
0x93: {  	[smem:s6], [sflag:s5] =	dma.local [hbm:s2], $0x1  }
0x94: {  	_ =	swait.eq [sflag:s5], $0x1  }
0x95: {  	[sflag:s5] =	ssyncset.done $0x0  }
0x96: {  	[sflag:s5] =	ssyncadd.s32 $0xFFFFFFFF  }
0x97: {  	s16 =	sld [smem:$0x10];
	(tm) =	ssettm $0x1  }
0x98: {  	s17 =	sld [smem:$0x3FFB];
	_ =	sdelay $0x3  }
0x99: {  	_ =	strace s17  }
0x9a: {  	s5 =	sld [smem:$0x3FFC];
	_ =	sdelay $0x3  }
0x9b: {  	_ =	strace s5  }
0x9c: {  	s5 =	sld [smem:$0x3FFD];
	_ =	sdelay $0x3  }
0x9d: {  	_ =	strace s5  }
0x9e: {  	_ =	strace $0x8FFFFFFF  }
0x9f: {  	s18 =	sld [smem:$0x3FDB];
	_ =	sdelay $0x1  }
0xa0: {  	s19 =	simm.s32 $_scs_section_size  }
0xa1: {  	s7 =	simm.s32 $_size__tile_overlayer_lowered;
	s8 =	simm.s32 $_tile_overlayer_lowered  }
0xa2: {  	s22 =	simm.s32 $0x1BFF;
	s21 =	sshll.u32 s8, $0x1;
	s5 =	sadd.s32 s19, s18  }
0xa3: {  	s9 =	simm.s32 $0x0;
	s20 =	sshll.u32 s7, $0x1;
	s7 =	sadd.s32 s21, s5  }
0xa4: {  	[timem:s9], [sflag:s22] =	dma.local [hbm:s7], s20  }
0xa5: {  	_ =	swait.ge [sflag:s22], s20  }
0xa6: {  	s6 =	ssub.s32 $0x0, s20;
	[sflag:s22] =	ssyncset.done $0x0  }
0xa7: {  	[sflag:s22] =	ssyncadd.s32 s6;
	_ =	sdelay $0x1  }
0xa8: {  	s23 =	simm.s32 $0x1B8B  }
0xa9: {  	_ =	swait.ge [sflag:s23], $0x1  }
0xaa: {  	[sflag:s23] =	ssyncset.done $0x0  }
0xab: {  	s25 =	simm.s32 $0x1B8E;
	s24 =	sld [smem:$0x3FFE];
	[sflag:s23] =	ssyncadd.s32 $0xFFFFFFFF  }
0xac: {  	s26 =	simm.s32 $execute0_lowered;
	[smem:$0x3FD2] =	sst s25  }
0xad: {  	s7 =	sshll.u32 s26, $0x1;
	_ =	strace $0x80000046;
	[dreg:$0x1] =	wrdreg $0xFFFFFFFF  }
0xae: {  	s28 =	simm.s32 $_size_execute0_lowered;
	s5 =	sadd.s32 s5, s7;
	[dreg:$0x0] =	wrdreg $0x0  }
0xaf: {  	s7 =	sshll.u32 s28, $0x1;
	[dreg:$0x2] =	wrdreg s5  }
0xb0: {  	[dreg:$0x3] =	wrdreg s7  }
0xb1: {  	[dreg:$0x4] =	wrdreg $0xC0  }
0xb2: {  	_ =	task [dreg:s9], $0x5FFFF  }
0xb3: {  	[dreg:$0x1] =	wrdreg $0xFFFFFFFF  }
0xb4: {  	[dreg:$0x0] =	wrdreg $0x60  }
0xb5: {  	[dreg:$0x2] =	wrdreg s15  }
0xb6: {  	[dreg:$0x3] =	wrdreg s16  }
0xb7: {  	[dreg:$0x4] =	wrdreg s4  }
0xb8: {  	[dreg:$0x5] =	wrdreg s24  }
0xb9: {  	[dreg:$0x6] =	wrdreg $0x9  }
0xba: {  	_ =	task.clear_ibuf [dreg:s9], $0x7FFFF;
	_ =	strace $0x90000046  }
0xbb: {  	s29 =	simm.s32 $0x9;
	_ =	strace $0x80000048  }
0xbc: {  	_ =	swait.ge [sflag:s29], $0x1  }
0xbd: {  	[sflag:s29] =	ssyncadd.s32 $0xFFFFFFFF  }
0xbe: {  	_ =	strace $0x90000048  }
0xbf: {  	_ =	sfence  }
0xc0: {  	s30 =	sld [smem:$0x0];
	_ =	sdelay $0x2  }
0xc1: {  	s31 =	sshll.u32 s1, $0xD;
	s1 =	sshrl.u32 s1, $0x2  }
0xc2: {  	s3 =	sand.u32 $0x4000, s31;
	s1 =	sadd.s32 s1, s30  }
0xc3: {  	s0 =	sor.u32 s3, s0;
	s1 =	sshll.u32 s1, $0x11  }
0xc4: {  	s0 =	sor.u32 s1, s0  }
0xc5: {  	s0 =	sadd.s32 $0x8F2B, s0  }
0xc6: {  	[sflag:s0] =	ssyncadd.remote.s32 $0x1  }
0xc7: {  	_ =	sfence.sel $0xFFFF  }
0xc8: {  	[dreg:$0x0] =	wrdreg $0xFFFFFFFF;
	(pc) =	sbr.abs _section_cstart, $3  }
0xc9: {  	[dreg:$0x1] =	wrdreg $0xFFFFFFFF  }
0xca: {  	_ =	task.clear_ibuf [dreg:s9], $0x2FFFF;
	_ =	strace $0x9FFFFFFF  }
0xcb: {  	(tm) =	ssettm $0x7FFFFFFF  }
tec
execute0_lowered:
.L_overlay_start_1:
0x0: {  	(tag) =	ssettag $0x1  }
0x1: {  	s1 =	rddreg [dreg:$0x0]  }
0x2: {  	s0 =	rddreg [dreg:$0x1]  }
0x3: {  	s2 =	rddreg [dreg:$0x3];
	s3 =	srdreg.scid;
	s4 =	simm.s32 $0x0  }
0x4: {  	s6 =	stileid.u32;
	s16 =	simm.s32 $0x3100;
	s17 =	simm.s32 $0x3900  }
0x5: {  	s18 =	simm.s32 $0x4100;
	s19 =	simm.s32 $0x4900;
	s20 =	simm.s32 $0x5100  }
0x6: {  	s21 =	simm.s32 $0x5900;
	s22 =	simm.s32 $0x6100;
	s23 =	simm.s32 $0x6900  }
0x7: {  	s24 =	simm.s32 $0x7100;
	s28 =	simm.s32 $0x8900;
	s3 =	sand.u32 $0x1, s3  }
0x8: {  	s12 =	simm.s32 $0x3;
	s29 =	simm.s32 $0x0;
	s5 =	sshll.u32 s3, $0x4  }
0x9: {  	[smem:$0x7FF] =	sst s4;
	s3 =	ssub.s32 $0x2, s3;
	s5 =	sor.u32 s6, s5  }
0xa: {  	_ =	strace $0x80000047;
	s25 =	sshrl.u32 s3, $0x1;
	s6 =	smul.u32 $0xC00, s5  }
0xb: {  	s7 =	sshll.u32 s5, $0x6;
	s5 =	smul.u32 $0x320, s5;
	s3 =	ssub.s32 s3, s25  }
0xc: {  	s25 =	simm.s32 $0x7900;
	s31 =	smax.u32 s3, $0x1;
	s3 =	simm.s32 $0x1  }
0xd: {  	s8 =	sadd.s32 s6, s2;
	s2 =	sadd.s32 s7, s2;
	s0 =	sadd.s32 s0, s5  }
0xe: {  	s6 =	sadd.s32 $0x100, s1;
	s7 =	sadd.s32 $0x200, s1;
	[dreg:$0x8] =	wrdreg s31  }
0xf: {  	v2 =	vlaneseq.u32;
	s5 =	simm.s32 $0x4;
	[dreg:$0x5] =	wrdreg s0;
	s26 =	sadd.s32 $0x600, s8  }
0x10: {  	vm0 =	vmmov $0xffff;
	v1 =	vshrl.u32 v2, $0x3;
	s30 =	sadd.s32 $0x18600, s2;
	s2 =	simm.s32 $0x2;
	[dreg:$0x6] =	wrdreg s26  }
0x11: {  	v0 =	vand.u32 $0x7, v2;
	v2 =	vor.u32 $0x8, v2;
	v1 =	vmul.u32 $0x8, v1;
	s8 =	simm.s32 $0x0;
	[dreg:$0x7] =	wrdreg s30;
	s26 =	simm.s32 $0x8100  }
.LBB2_1:
0x12: {  	[dreg:$0x9] =	wrdreg s8  }
0x13: {  	s0 =	rddreg [dreg:$0x5]  }
0x14: {  	[tilespmem:s4], [sflag:$0x4] =	stream.linear.gather [hbm4b:s0+s4], $0x1900, $0x38;
	[tilespmem:$0x1E600] =	vst v63  }
0x15: {  	_ =	swait.ge [sflag:s5], $0x1900  }
0x16: {  	[sflag:s5] =	ssyncset.done $0x0  }
0x17: {  	[sflag:s5] =	ssyncadd.s32 $0xFFFFE700  }
0x18: {  	s11 =	simm.s32 $0x1E100;
	s10 =	rddreg [dreg:$0x2]  }
0x19: {  	[tilespmem:s11], [sflag:$0x4] =	stream.linear.gather [hbm4b:s10+s4], $0x300, $0x38;
	[tilespmem:$0x1E600] =	vst v63  }
0x1a: {  	_ =	swait.ge [sflag:s5], $0x300  }
0x1b: {  	[sflag:s5] =	ssyncset.done $0x0  }
0x1c: {  	[sflag:s5] =	ssyncadd.s32 $0xFFFFFD00  }
0x1d: {  	s13 =	simm.s32 $0x0;
	v3 =	vld [tilespmem:$0x1E100]  }
0x1e: {  	s0 =	smul.u32 $0x6000, s13;
	_ =	sdelay $0x1  }
0x1f: {  	s14 =	sand.u32 $0x380, s4;
	s0 =	sshra.s32 s0, $0x2  }
0x20: {  	s0 =	sor.u32 s14, s0  }
0x21: {  	[tilespmem:s0+$0x18100] =	vst v3  }
0x22: {  	v3 =	vld [tilespmem:$0x1E110];
	_ =	sdelay $0x3  }
0x23: {  	s5 =	sadd.s32 $0x18100, s0  }
0x24: {  	[tilespmem:s5+$0x10] =	vst v3  }
0x25: {  	v3 =	vld [tilespmem:$0x1E120];
	_ =	sdelay $0x4  }
0x26: {  	[tilespmem:s5+$0x20] =	vst v3  }
0x27: {  	v3 =	vld [tilespmem:$0x1E130];
	_ =	sdelay $0x4  }
0x28: {  	[tilespmem:s5+$0x30] =	vst v3  }
0x29: {  	v3 =	vld [tilespmem:$0x1E140];
	_ =	sdelay $0x4  }
0x2a: {  	[tilespmem:s5+$0x40] =	vst v3  }
0x2b: {  	v3 =	vld [tilespmem:$0x1E150];
	_ =	sdelay $0x4  }
0x2c: {  	[tilespmem:s5+$0x50] =	vst v3  }
0x2d: {  	v3 =	vld [tilespmem:$0x1E160];
	_ =	sdelay $0x4  }
0x2e: {  	[tilespmem:s5+$0x60] =	vst v3  }
0x2f: {  	v3 =	vld [tilespmem:$0x1E170];
	_ =	sdelay $0x4  }
0x30: {  	[tilespmem:s5+$0x70] =	vst v3  }
0x31: {  	v3 =	vld [tilespmem:$0x1E180];
	_ =	sdelay $0x4  }
0x32: {  	[tilespmem:s5+$0x400] =	vst v3  }
0x33: {  	v3 =	vld [tilespmem:$0x1E190];
	_ =	sdelay $0x4  }
0x34: {  	[tilespmem:s5+$0x410] =	vst v3  }
0x35: {  	v3 =	vld [tilespmem:$0x1E1A0];
	_ =	sdelay $0x4  }
0x36: {  	[tilespmem:s5+$0x420] =	vst v3  }
0x37: {  	v3 =	vld [tilespmem:$0x1E1B0];
	_ =	sdelay $0x4  }
0x38: {  	[tilespmem:s5+$0x430] =	vst v3  }
0x39: {  	v3 =	vld [tilespmem:$0x1E1C0];
	_ =	sdelay $0x4  }
0x3a: {  	[tilespmem:s5+$0x440] =	vst v3  }
0x3b: {  	v3 =	vld [tilespmem:$0x1E1D0];
	_ =	sdelay $0x4  }
0x3c: {  	[tilespmem:s5+$0x450] =	vst v3  }
0x3d: {  	v3 =	vld [tilespmem:$0x1E1E0];
	_ =	sdelay $0x4  }
0x3e: {  	[tilespmem:s5+$0x460] =	vst v3  }
0x3f: {  	v3 =	vld [tilespmem:$0x1E1F0];
	_ =	sdelay $0x4  }
0x40: {  	[tilespmem:s5+$0x470] =	vst v3  }
0x41: {  	v3 =	vld [tilespmem:$0x1E200];
	_ =	sdelay $0x4  }
0x42: {  	[tilespmem:s0+$0x18900] =	vst v3  }
0x43: {  	v3 =	vld [tilespmem:$0x1E210];
	_ =	sdelay $0x3  }
0x44: {  	s15 =	sadd.s32 $0x18900, s0  }
0x45: {  	[tilespmem:s15+$0x10] =	vst v3  }
0x46: {  	v3 =	vld [tilespmem:$0x1E220];
	_ =	sdelay $0x4  }
0x47: {  	[tilespmem:s15+$0x20] =	vst v3  }
0x48: {  	v3 =	vld [tilespmem:$0x1E230];
	_ =	sdelay $0x4  }
0x49: {  	[tilespmem:s15+$0x30] =	vst v3  }
0x4a: {  	v3 =	vld [tilespmem:$0x1E240];
	_ =	sdelay $0x4  }
0x4b: {  	[tilespmem:s15+$0x40] =	vst v3  }
0x4c: {  	v3 =	vld [tilespmem:$0x1E250];
	_ =	sdelay $0x4  }
0x4d: {  	[tilespmem:s15+$0x50] =	vst v3  }
0x4e: {  	v3 =	vld [tilespmem:$0x1E260];
	_ =	sdelay $0x4  }
0x4f: {  	[tilespmem:s15+$0x60] =	vst v3  }
0x50: {  	v3 =	vld [tilespmem:$0x1E270];
	_ =	sdelay $0x4  }
0x51: {  	[tilespmem:s15+$0x70] =	vst v3  }
0x52: {  	v3 =	vld [tilespmem:$0x1E280];
	_ =	sdelay $0x4  }
0x53: {  	[tilespmem:s0+$0x18D00] =	vst v3  }
0x54: {  	v3 =	vld [tilespmem:$0x1E290];
	_ =	sdelay $0x3  }
0x55: {  	s30 =	sadd.s32 $0x18D00, s0  }
0x56: {  	[tilespmem:s30+$0x10] =	vst v3  }
0x57: {  	v3 =	vld [tilespmem:$0x1E2A0];
	_ =	sdelay $0x4  }
0x58: {  	[tilespmem:s30+$0x20] =	vst v3  }
0x59: {  	v3 =	vld [tilespmem:$0x1E2B0];
	_ =	sdelay $0x4  }
0x5a: {  	[tilespmem:s30+$0x30] =	vst v3  }
0x5b: {  	v3 =	vld [tilespmem:$0x1E2C0];
	_ =	sdelay $0x4  }
0x5c: {  	[tilespmem:s30+$0x40] =	vst v3  }
0x5d: {  	v3 =	vld [tilespmem:$0x1E2D0];
	_ =	sdelay $0x4  }
0x5e: {  	[tilespmem:s30+$0x50] =	vst v3  }
0x5f: {  	v3 =	vld [tilespmem:$0x1E2E0];
	_ =	sdelay $0x4  }
0x60: {  	[tilespmem:s30+$0x60] =	vst v3  }
0x61: {  	v3 =	vld [tilespmem:$0x1E2F0];
	_ =	sdelay $0x4  }
0x62: {  	[tilespmem:s30+$0x70] =	vst v3  }
0x63: {  	v3 =	vld [tilespmem:$0x1E300];
	_ =	sdelay $0x4  }
0x64: {  	[tilespmem:s0+$0x19100] =	vst v3  }
0x65: {  	v3 =	vld [tilespmem:$0x1E310];
	_ =	sdelay $0x3  }
0x66: {  	s31 =	sadd.s32 $0x19100, s0  }
0x67: {  	[tilespmem:s31+$0x10] =	vst v3  }
0x68: {  	v3 =	vld [tilespmem:$0x1E320];
	_ =	sdelay $0x4  }
0x69: {  	[tilespmem:s31+$0x20] =	vst v3  }
0x6a: {  	v3 =	vld [tilespmem:$0x1E330];
	_ =	sdelay $0x4  }
0x6b: {  	[tilespmem:s31+$0x30] =	vst v3  }
0x6c: {  	v3 =	vld [tilespmem:$0x1E340];
	_ =	sdelay $0x4  }
0x6d: {  	[tilespmem:s31+$0x40] =	vst v3  }
0x6e: {  	v3 =	vld [tilespmem:$0x1E350];
	_ =	sdelay $0x4  }
0x6f: {  	[tilespmem:s31+$0x50] =	vst v3  }
0x70: {  	v3 =	vld [tilespmem:$0x1E360];
	_ =	sdelay $0x4  }
0x71: {  	[tilespmem:s31+$0x60] =	vst v3  }
0x72: {  	v3 =	vld [tilespmem:$0x1E370];
	_ =	sdelay $0x4  }
0x73: {  	[tilespmem:s31+$0x70] =	vst v3  }
0x74: {  	v3 =	vld [tilespmem:$0x1E380];
	_ =	sdelay $0x4  }
0x75: {  	[tilespmem:s0+$0x19500] =	vst v3  }
0x76: {  	v3 =	vld [tilespmem:$0x1E390];
	_ =	sdelay $0x3  }
0x77: {  	s0 =	sadd.s32 $0x19500, s0  }
0x78: {  	[tilespmem:s0+$0x10] =	vst v3  }
0x79: {  	v3 =	vld [tilespmem:$0x1E3A0];
	_ =	sdelay $0x4  }
0x7a: {  	[tilespmem:s0+$0x20] =	vst v3  }
0x7b: {  	v3 =	vld [tilespmem:$0x1E3B0];
	_ =	sdelay $0x4  }
0x7c: {  	[tilespmem:s0+$0x30] =	vst v3  }
0x7d: {  	v3 =	vld [tilespmem:$0x1E3C0];
	_ =	sdelay $0x4  }
0x7e: {  	[tilespmem:s0+$0x40] =	vst v3  }
0x7f: {  	v3 =	vld [tilespmem:$0x1E3D0];
	_ =	sdelay $0x4  }
0x80: {  	[tilespmem:s0+$0x50] =	vst v3  }
0x81: {  	v3 =	vld [tilespmem:$0x1E3E0];
	_ =	sdelay $0x4  }
0x82: {  	[tilespmem:s0+$0x60] =	vst v3  }
0x83: {  	s8 =	simm.s32 $0x0;
	s5 =	simm.s32 $0x1;
	v3 =	vld [tilespmem:$0x1E3F0]  }
.LBB2_2:
0x84: {  	_ =	sdelay $0x2  }
0x85: {  	p0 =	sne.s32 s5, $0x1F  }
0x86: {  	s8 =	sadd.s32 $0x80, s8;
	[tilespmem:s0+$0x70] =	vst v3;
	s0 =	smov.u32 s5;
	s5 =	sadd.s32 $0x1, s5  }
0x87: {  	v3 =	vld [tilespmem:$0x1E100];
	s0 =	sshrl.u32 s0, $0x3  }
0x88: {  	s0 =	smul.u32 $0x6000, s0;
	_ =	sdelay $0x1  }
0x89: {  	s9 =	sand.u32 $0x380, s8;
	s0 =	sshra.s32 s0, $0x2  }
0x8a: {  	s9 =	sor.u32 s9, s0  }
0x8b: {  	[tilespmem:s9+$0x18100] =	vst v3  }
0x8c: {  	v3 =	vld [tilespmem:$0x1E110];
	_ =	sdelay $0x3  }
0x8d: {  	s0 =	sadd.s32 $0x18100, s9  }
0x8e: {  	[tilespmem:s0+$0x10] =	vst v3  }
0x8f: {  	v3 =	vld [tilespmem:$0x1E120];
	_ =	sdelay $0x4  }
0x90: {  	[tilespmem:s0+$0x20] =	vst v3  }
0x91: {  	v3 =	vld [tilespmem:$0x1E130];
	_ =	sdelay $0x4  }
0x92: {  	[tilespmem:s0+$0x30] =	vst v3  }
0x93: {  	v3 =	vld [tilespmem:$0x1E140];
	_ =	sdelay $0x4  }
0x94: {  	[tilespmem:s0+$0x40] =	vst v3  }
0x95: {  	v3 =	vld [tilespmem:$0x1E150];
	_ =	sdelay $0x4  }
0x96: {  	[tilespmem:s0+$0x50] =	vst v3  }
0x97: {  	v3 =	vld [tilespmem:$0x1E160];
	_ =	sdelay $0x4  }
0x98: {  	[tilespmem:s0+$0x60] =	vst v3  }
0x99: {  	v3 =	vld [tilespmem:$0x1E170];
	_ =	sdelay $0x4  }
0x9a: {  	[tilespmem:s0+$0x70] =	vst v3  }
0x9b: {  	v3 =	vld [tilespmem:$0x1E180];
	_ =	sdelay $0x4  }
0x9c: {  	[tilespmem:s0+$0x400] =	vst v3  }
0x9d: {  	v3 =	vld [tilespmem:$0x1E190];
	_ =	sdelay $0x4  }
0x9e: {  	[tilespmem:s0+$0x410] =	vst v3  }
0x9f: {  	v3 =	vld [tilespmem:$0x1E1A0];
	_ =	sdelay $0x4  }
0xa0: {  	[tilespmem:s0+$0x420] =	vst v3  }
0xa1: {  	v3 =	vld [tilespmem:$0x1E1B0];
	_ =	sdelay $0x4  }
0xa2: {  	[tilespmem:s0+$0x430] =	vst v3  }
0xa3: {  	v3 =	vld [tilespmem:$0x1E1C0];
	_ =	sdelay $0x4  }
0xa4: {  	[tilespmem:s0+$0x440] =	vst v3  }
0xa5: {  	v3 =	vld [tilespmem:$0x1E1D0];
	_ =	sdelay $0x4  }
0xa6: {  	[tilespmem:s0+$0x450] =	vst v3  }
0xa7: {  	v3 =	vld [tilespmem:$0x1E1E0];
	_ =	sdelay $0x4  }
0xa8: {  	[tilespmem:s0+$0x460] =	vst v3  }
0xa9: {  	v3 =	vld [tilespmem:$0x1E1F0];
	_ =	sdelay $0x4  }
0xaa: {  	[tilespmem:s0+$0x470] =	vst v3  }
0xab: {  	v3 =	vld [tilespmem:$0x1E200];
	_ =	sdelay $0x4  }
0xac: {  	[tilespmem:s9+$0x18900] =	vst v3  }
0xad: {  	v3 =	vld [tilespmem:$0x1E210];
	_ =	sdelay $0x3  }
0xae: {  	s0 =	sadd.s32 $0x18900, s9  }
0xaf: {  	[tilespmem:s0+$0x10] =	vst v3  }
0xb0: {  	v3 =	vld [tilespmem:$0x1E220];
	_ =	sdelay $0x4  }
0xb1: {  	[tilespmem:s0+$0x20] =	vst v3  }
0xb2: {  	v3 =	vld [tilespmem:$0x1E230];
	_ =	sdelay $0x4  }
0xb3: {  	[tilespmem:s0+$0x30] =	vst v3  }
0xb4: {  	v3 =	vld [tilespmem:$0x1E240];
	_ =	sdelay $0x4  }
0xb5: {  	[tilespmem:s0+$0x40] =	vst v3  }
0xb6: {  	v3 =	vld [tilespmem:$0x1E250];
	_ =	sdelay $0x4  }
0xb7: {  	[tilespmem:s0+$0x50] =	vst v3  }
0xb8: {  	v3 =	vld [tilespmem:$0x1E260];
	_ =	sdelay $0x4  }
0xb9: {  	[tilespmem:s0+$0x60] =	vst v3  }
0xba: {  	v3 =	vld [tilespmem:$0x1E270];
	_ =	sdelay $0x4  }
0xbb: {  	[tilespmem:s0+$0x70] =	vst v3  }
0xbc: {  	v3 =	vld [tilespmem:$0x1E280];
	_ =	sdelay $0x4  }
0xbd: {  	[tilespmem:s9+$0x18D00] =	vst v3  }
0xbe: {  	v3 =	vld [tilespmem:$0x1E290];
	_ =	sdelay $0x3  }
0xbf: {  	s0 =	sadd.s32 $0x18D00, s9  }
0xc0: {  	[tilespmem:s0+$0x10] =	vst v3  }
0xc1: {  	v3 =	vld [tilespmem:$0x1E2A0];
	_ =	sdelay $0x4  }
0xc2: {  	[tilespmem:s0+$0x20] =	vst v3  }
0xc3: {  	v3 =	vld [tilespmem:$0x1E2B0];
	_ =	sdelay $0x4  }
0xc4: {  	[tilespmem:s0+$0x30] =	vst v3  }
0xc5: {  	v3 =	vld [tilespmem:$0x1E2C0];
	_ =	sdelay $0x4  }
0xc6: {  	[tilespmem:s0+$0x40] =	vst v3  }
0xc7: {  	v3 =	vld [tilespmem:$0x1E2D0];
	_ =	sdelay $0x4  }
0xc8: {  	[tilespmem:s0+$0x50] =	vst v3  }
0xc9: {  	v3 =	vld [tilespmem:$0x1E2E0];
	_ =	sdelay $0x4  }
0xca: {  	[tilespmem:s0+$0x60] =	vst v3  }
0xcb: {  	v3 =	vld [tilespmem:$0x1E2F0];
	_ =	sdelay $0x4  }
0xcc: {  	[tilespmem:s0+$0x70] =	vst v3  }
0xcd: {  	v3 =	vld [tilespmem:$0x1E300];
	_ =	sdelay $0x4  }
0xce: {  	[tilespmem:s9+$0x19100] =	vst v3  }
0xcf: {  	v3 =	vld [tilespmem:$0x1E310];
	_ =	sdelay $0x3  }
0xd0: {  	s0 =	sadd.s32 $0x19100, s9  }
0xd1: {  	[tilespmem:s0+$0x10] =	vst v3  }
0xd2: {  	v3 =	vld [tilespmem:$0x1E320];
	_ =	sdelay $0x4  }
0xd3: {  	[tilespmem:s0+$0x20] =	vst v3  }
0xd4: {  	v3 =	vld [tilespmem:$0x1E330];
	_ =	sdelay $0x4  }
0xd5: {  	[tilespmem:s0+$0x30] =	vst v3  }
0xd6: {  	v3 =	vld [tilespmem:$0x1E340];
	_ =	sdelay $0x4  }
0xd7: {  	[tilespmem:s0+$0x40] =	vst v3  }
0xd8: {  	v3 =	vld [tilespmem:$0x1E350];
	_ =	sdelay $0x4  }
0xd9: {  	[tilespmem:s0+$0x50] =	vst v3  }
0xda: {  	v3 =	vld [tilespmem:$0x1E360];
	_ =	sdelay $0x4  }
0xdb: {  	[tilespmem:s0+$0x60] =	vst v3  }
0xdc: {  	v3 =	vld [tilespmem:$0x1E370];
	_ =	sdelay $0x4  }
0xdd: {  	[tilespmem:s0+$0x70] =	vst v3  }
0xde: {  	v3 =	vld [tilespmem:$0x1E380];
	_ =	sdelay $0x4  }
0xdf: {  	[tilespmem:s9+$0x19500] =	vst v3  }
0xe0: {  	v3 =	vld [tilespmem:$0x1E390];
	_ =	sdelay $0x3  }
0xe1: {  	s0 =	sadd.s32 $0x19500, s9  }
0xe2: {  	[tilespmem:s0+$0x10] =	vst v3  }
0xe3: {  	v3 =	vld [tilespmem:$0x1E3A0];
	_ =	sdelay $0x4  }
0xe4: {  	[tilespmem:s0+$0x20] =	vst v3  }
0xe5: {  	v3 =	vld [tilespmem:$0x1E3B0];
	_ =	sdelay $0x4  }
0xe6: {  	[tilespmem:s0+$0x30] =	vst v3  }
0xe7: {  	v3 =	vld [tilespmem:$0x1E3C0];
	_ =	sdelay $0x4  }
0xe8: {  	[tilespmem:s0+$0x40] =	vst v3  }
0xe9: {  	v3 =	vld [tilespmem:$0x1E3D0];
	_ =	sdelay $0x4  }
0xea: {  	[tilespmem:s0+$0x50] =	vst v3  }
0xeb: {  	v3 =	vld [tilespmem:$0x1E3E0];
	_ =	sdelay $0x1  }
.Ltmp0:
0xec: {  	(pc) =	sbr.rel @p0 .LBB2_2-.Ltmp0, $3  }
0xed: {  	_ =	sdelay $0x1  }
0xee: {  	[tilespmem:s0+$0x60] =	vst v3  }
0xef: {  	v3 =	vld [tilespmem:$0x1E3F0]  }
0xf0: {  	_ =	sdelay $0x3  }
0xf1: {  	[tilespmem:s0+$0x70] =	vst v3  }
0xf2: {  	v3 =	vld [tilespmem:$0x0];
	_ =	sdelay $0x4  }
0xf3: {  	v4 =	vshrl.u32 v3, $0x3  }
0xf4: {  	v4 =	vmul.u32 $0x30, v4  }
0xf5: {  	v3 =	vand.u32 $0x7, v3  }
0xf6: {  	v3 =	vor.u32 v3, v4  }
0xf7: {  	v4 =	vperm.xlane v3, v0;
	_ =	sdelay $0x1  }
0xf8: {  	v4 =	vadd.s32 v1, v4;
	_ =	sdelay $0x3  }
0xf9: {  	s15 =	simm.s32 $0x1900;
	v3 =	vperm.xlane v3, v2  }
0xfa: {  	[tilespmem:s15], [sflag:$0x1] =	stream.indirect_vreg.gather [hbm4b:s1+s29], $0x80, v4, vm0, $0xb8;
	[tilespmem:$0x1E600] =	vst v63  }
0xfb: {  	s30 =	simm.s32 $0x2100;
	v3 =	vadd.s32 v1, v3  }
0xfc: {  	[tilespmem:s30], [sflag:$0x1] =	stream.indirect_vreg.gather [hbm4b:s6+s29], $0x80, v4, vm0, $0xb8;
	[tilespmem:$0x1E600] =	vst v63  }
0xfd: {  	s31 =	simm.s32 $0x2900  }
0xfe: {  	[tilespmem:s31], [sflag:$0x1] =	stream.indirect_vreg.gather [hbm4b:s7+s29], $0x80, v4, vm0, $0xb8;
	[tilespmem:$0x1E600] =	vst v63  }
0xff: {  	_ = 	snop  }
0x100: {  	[tilespmem:s16], [sflag:$0x1] =	stream.indirect_vreg.gather [hbm4b:s1+s29], $0x80, v3, vm0, $0xb8;
	[tilespmem:$0x1E600] =	vst v63  }
0x101: {  	_ = 	snop  }
0x102: {  	[tilespmem:s17], [sflag:$0x1] =	stream.indirect_vreg.gather [hbm4b:s6+s29], $0x80, v3, vm0, $0xb8;
	[tilespmem:$0x1E600] =	vst v63  }
0x103: {  	_ = 	snop  }
0x104: {  	[tilespmem:s18], [sflag:$0x1] =	stream.indirect_vreg.gather [hbm4b:s7+s29], $0x80, v3, vm0, $0xb8;
	[tilespmem:$0x1E600] =	vst v63  }
0x105: {  	v3 =	vld [tilespmem:$0x10];
	_ =	sdelay $0x4  }
0x106: {  	v56 =	vshrl.u32 v3, $0x3  }
0x107: {  	v4 =	vmul.u32 $0x30, v56  }
0x108: {  	v3 =	vand.u32 $0x7, v3  }
0x109: {  	v3 =	vor.u32 v3, v4  }
0x10a: {  	v4 =	vperm.xlane v3, v0;
	_ =	sdelay $0x1  }
0x10b: {  	v4 =	vadd.s32 v1, v4;
	_ =	sdelay $0x3  }
0x10c: {  	v3 =	vperm.xlane v3, v2  }
0x10d: {  	[tilespmem:s19], [sflag:$0x1] =	stream.indirect_vreg.gather [hbm4b:s1+s29], $0x80, v4, vm0, $0xb8;
	[tilespmem:$0x1E600] =	vst v63  }
0x10e: {  	v3 =	vadd.s32 v1, v3  }
0x10f: {  	[tilespmem:s20], [sflag:$0x1] =	stream.indirect_vreg.gather [hbm4b:s6+s29], $0x80, v4, vm0, $0xb8;
	[tilespmem:$0x1E600] =	vst v63  }
0x110: {  	_ = 	snop  }
0x111: {  	[tilespmem:s21], [sflag:$0x1] =	stream.indirect_vreg.gather [hbm4b:s7+s29], $0x80, v4, vm0, $0xb8;
	[tilespmem:$0x1E600] =	vst v63  }
0x112: {  	_ = 	snop  }
0x113: {  	[tilespmem:s22], [sflag:$0x1] =	stream.indirect_vreg.gather [hbm4b:s1+s29], $0x80, v3, vm0, $0xb8;
	[tilespmem:$0x1E600] =	vst v63  }
0x114: {  	_ = 	snop  }
0x115: {  	[tilespmem:s23], [sflag:$0x1] =	stream.indirect_vreg.gather [hbm4b:s6+s29], $0x80, v3, vm0, $0xb8;
	[tilespmem:$0x1E600] =	vst v63  }
0x116: {  	_ = 	snop  }
0x117: {  	[tilespmem:s24], [sflag:$0x1] =	stream.indirect_vreg.gather [hbm4b:s7+s29], $0x80, v3, vm0, $0xb8;
	[tilespmem:$0x1E600] =	vst v63  }
0x118: {  	v3 =	vld.msk [tilespmem:$0x20], $0xff;
	_ =	sdelay $0x4  }
0x119: {  	v57 =	vshrl.u32 v3, $0x3  }
0x11a: {  	v4 =	vmul.u32 $0x30, v57  }
0x11b: {  	v3 =	vand.u32 $0x7, v3  }
0x11c: {  	v3 =	vor.u32 v3, v4  }
0x11d: {  	v3 =	vperm.xlane v3, v0;
	_ =	sdelay $0x1  }
0x11e: {  	v3 =	vadd.s32 v1, v3;
	_ =	sdelay $0x4  }
0x11f: {  	[tilespmem:s25], [sflag:$0x1] =	stream.indirect_vreg.gather [hbm4b:s1+s29], $0x80, v3, vm0, $0xb8;
	[tilespmem:$0x1E600] =	vst v63  }
0x120: {  	_ = 	snop  }
0x121: {  	[tilespmem:s26], [sflag:$0x1] =	stream.indirect_vreg.gather [hbm4b:s6+s29], $0x80, v3, vm0, $0xb8;
	[tilespmem:$0x1E600] =	vst v63  }
0x122: {  	_ = 	snop  }
0x123: {  	[tilespmem:s28], [sflag:$0x1] =	stream.indirect_vreg.gather [hbm4b:s7+s29], $0x80, v3, vm0, $0xb8;
	[tilespmem:$0x1E600] =	vst v63  }
0x124: {  	v3 =	vld [tilespmem:$0x28];
	_ =	sdelay $0x4  }
0x125: {  	v58 =	vshrl.u32 v3, $0x3  }
0x126: {  	v4 =	vmul.u32 $0x30, v58  }
0x127: {  	v3 =	vand.u32 $0x7, v3  }
0x128: {  	v3 =	vor.u32 v3, v4  }
0x129: {  	v4 =	vperm.xlane v3, v0;
	_ =	sdelay $0x1  }
0x12a: {  	v4 =	vadd.s32 v1, v4;
	_ =	sdelay $0x3  }
0x12b: {  	s5 =	simm.s32 $0x9100;
	v3 =	vperm.xlane v3, v2  }
0x12c: {  	[tilespmem:s5], [sflag:$0x2] =	stream.indirect_vreg.gather [hbm4b:s1+s29], $0x80, v4, vm0, $0xb8;
	[tilespmem:$0x1E600] =	vst v63  }
0x12d: {  	s8 =	simm.s32 $0x9900;
	v3 =	vadd.s32 v1, v3  }
0x12e: {  	[tilespmem:s8], [sflag:$0x2] =	stream.indirect_vreg.gather [hbm4b:s6+s29], $0x80, v4, vm0, $0xb8;
	[tilespmem:$0x1E600] =	vst v63  }
0x12f: {  	s9 =	simm.s32 $0xA100  }
0x130: {  	[tilespmem:s9], [sflag:$0x2] =	stream.indirect_vreg.gather [hbm4b:s7+s29], $0x80, v4, vm0, $0xb8;
	[tilespmem:$0x1E600] =	vst v63  }
0x131: {  	s10 =	simm.s32 $0xA900  }
0x132: {  	[tilespmem:s10], [sflag:$0x2] =	stream.indirect_vreg.gather [hbm4b:s1+s29], $0x80, v3, vm0, $0xb8;
	[tilespmem:$0x1E600] =	vst v63  }
0x133: {  	s11 =	simm.s32 $0xB100  }
0x134: {  	[tilespmem:s11], [sflag:$0x2] =	stream.indirect_vreg.gather [hbm4b:s6+s29], $0x80, v3, vm0, $0xb8;
	[tilespmem:$0x1E600] =	vst v63  }
0x135: {  	s13 =	simm.s32 $0xB900  }
0x136: {  	[tilespmem:s13], [sflag:$0x2] =	stream.indirect_vreg.gather [hbm4b:s7+s29], $0x80, v3, vm0, $0xb8;
	[tilespmem:$0x1E600] =	vst v63  }
0x137: {  	v3 =	vld [tilespmem:$0x38];
	_ =	sdelay $0x4  }
0x138: {  	v59 =	vshrl.u32 v3, $0x3  }
0x139: {  	v4 =	vmul.u32 $0x30, v59  }
0x13a: {  	v3 =	vand.u32 $0x7, v3  }
0x13b: {  	v3 =	vor.u32 v3, v4  }
0x13c: {  	v4 =	vperm.xlane v3, v0;
	_ =	sdelay $0x1  }
0x13d: {  	v4 =	vadd.s32 v1, v4;
	_ =	sdelay $0x3  }
0x13e: {  	s14 =	simm.s32 $0xC100;
	v3 =	vperm.xlane v3, v2  }
0x13f: {  	[tilespmem:s14], [sflag:$0x2] =	stream.indirect_vreg.gather [hbm4b:s1+s29], $0x80, v4, vm0, $0xb8;
	[tilespmem:$0x1E600] =	vst v63  }
0x140: {  	s15 =	simm.s32 $0xC900;
	v3 =	vadd.s32 v1, v3  }
0x141: {  	[tilespmem:s15], [sflag:$0x2] =	stream.indirect_vreg.gather [hbm4b:s6+s29], $0x80, v4, vm0, $0xb8;
	[tilespmem:$0x1E600] =	vst v63  }
0x142: {  	s30 =	simm.s32 $0xD100  }
0x143: {  	[tilespmem:s30], [sflag:$0x2] =	stream.indirect_vreg.gather [hbm4b:s7+s29], $0x80, v4, vm0, $0xb8;
	[tilespmem:$0x1E600] =	vst v63  }
0x144: {  	s31 =	simm.s32 $0xD900  }
0x145: {  	[tilespmem:s31], [sflag:$0x2] =	stream.indirect_vreg.gather [hbm4b:s1+s29], $0x80, v3, vm0, $0xb8;
	[tilespmem:$0x1E600] =	vst v63  }
0x146: {  	s5 =	simm.s32 $0xE100  }
0x147: {  	[tilespmem:s5], [sflag:$0x2] =	stream.indirect_vreg.gather [hbm4b:s6+s29], $0x80, v3, vm0, $0xb8;
	[tilespmem:$0x1E600] =	vst v63  }
0x148: {  	s8 =	simm.s32 $0xE900  }
0x149: {  	[tilespmem:s8], [sflag:$0x2] =	stream.indirect_vreg.gather [hbm4b:s7+s29], $0x80, v3, vm0, $0xb8;
	[tilespmem:$0x1E600] =	vst v63  }
0x14a: {  	v3 =	vld.msk [tilespmem:$0x48], $0xff;
	_ =	sdelay $0x4  }
0x14b: {  	v60 =	vshrl.u32 v3, $0x3  }
0x14c: {  	v4 =	vmul.u32 $0x30, v60  }
0x14d: {  	v3 =	vand.u32 $0x7, v3  }
0x14e: {  	v3 =	vor.u32 v3, v4  }
0x14f: {  	v3 =	vperm.xlane v3, v0;
	_ =	sdelay $0x1  }
0x150: {  	v3 =	vadd.s32 v1, v3;
	_ =	sdelay $0x3  }
0x151: {  	s9 =	simm.s32 $0xF100  }
0x152: {  	[tilespmem:s9], [sflag:$0x2] =	stream.indirect_vreg.gather [hbm4b:s1+s29], $0x80, v3, vm0, $0xb8;
	[tilespmem:$0x1E600] =	vst v63  }
0x153: {  	s10 =	simm.s32 $0xF900  }
0x154: {  	[tilespmem:s10], [sflag:$0x2] =	stream.indirect_vreg.gather [hbm4b:s6+s29], $0x80, v3, vm0, $0xb8;
	[tilespmem:$0x1E600] =	vst v63  }
0x155: {  	s11 =	simm.s32 $0x10100  }
0x156: {  	[tilespmem:s11], [sflag:$0x2] =	stream.indirect_vreg.gather [hbm4b:s7+s29], $0x80, v3, vm0, $0xb8;
	[tilespmem:$0x1E600] =	vst v63  }
0x157: {  	v3 =	vld [tilespmem:$0x50];
	_ =	sdelay $0x4  }
0x158: {  	v61 =	vshrl.u32 v3, $0x3  }
0x159: {  	v4 =	vmul.u32 $0x30, v61  }
0x15a: {  	v3 =	vand.u32 $0x7, v3  }
0x15b: {  	v3 =	vor.u32 v3, v4  }
0x15c: {  	v4 =	vperm.xlane v3, v0;
	_ =	sdelay $0x1  }
0x15d: {  	v4 =	vadd.s32 v1, v4;
	_ =	sdelay $0x3  }
0x15e: {  	s13 =	simm.s32 $0x10900;
	v3 =	vperm.xlane v3, v2  }
0x15f: {  	[tilespmem:s13], [sflag:$0x3] =	stream.indirect_vreg.gather [hbm4b:s1+s29], $0x80, v4, vm0, $0xb8;
	[tilespmem:$0x1E600] =	vst v63  }
0x160: {  	s14 =	simm.s32 $0x11100;
	v3 =	vadd.s32 v1, v3  }
0x161: {  	[tilespmem:s14], [sflag:$0x3] =	stream.indirect_vreg.gather [hbm4b:s6+s29], $0x80, v4, vm0, $0xb8;
	[tilespmem:$0x1E600] =	vst v63  }
0x162: {  	s15 =	simm.s32 $0x11900  }
0x163: {  	[tilespmem:s15], [sflag:$0x3] =	stream.indirect_vreg.gather [hbm4b:s7+s29], $0x80, v4, vm0, $0xb8;
	[tilespmem:$0x1E600] =	vst v63  }
0x164: {  	s30 =	simm.s32 $0x12100  }
0x165: {  	[tilespmem:s30], [sflag:$0x3] =	stream.indirect_vreg.gather [hbm4b:s1+s29], $0x80, v3, vm0, $0xb8;
	[tilespmem:$0x1E600] =	vst v63  }
0x166: {  	s31 =	simm.s32 $0x12900  }
0x167: {  	[tilespmem:s31], [sflag:$0x3] =	stream.indirect_vreg.gather [hbm4b:s6+s29], $0x80, v3, vm0, $0xb8;
	[tilespmem:$0x1E600] =	vst v63  }
0x168: {  	s5 =	simm.s32 $0x13100  }
0x169: {  	[tilespmem:s5], [sflag:$0x3] =	stream.indirect_vreg.gather [hbm4b:s7+s29], $0x80, v3, vm0, $0xb8;
	[tilespmem:$0x1E600] =	vst v63  }
0x16a: {  	v3 =	vld [tilespmem:$0x60];
	_ =	sdelay $0x4  }
0x16b: {  	v62 =	vshrl.u32 v3, $0x3  }
0x16c: {  	v4 =	vmul.u32 $0x30, v62  }
0x16d: {  	v3 =	vand.u32 $0x7, v3  }
0x16e: {  	v3 =	vor.u32 v3, v4  }
0x16f: {  	v4 =	vperm.xlane v3, v0;
	_ =	sdelay $0x1  }
0x170: {  	v4 =	vadd.s32 v1, v4;
	_ =	sdelay $0x3  }
0x171: {  	s8 =	simm.s32 $0x13900;
	v3 =	vperm.xlane v3, v2  }
0x172: {  	[tilespmem:s8], [sflag:$0x3] =	stream.indirect_vreg.gather [hbm4b:s1+s29], $0x80, v4, vm0, $0xb8;
	[tilespmem:$0x1E600] =	vst v63  }
0x173: {  	s9 =	simm.s32 $0x14100;
	v3 =	vadd.s32 v1, v3  }
0x174: {  	[tilespmem:s9], [sflag:$0x3] =	stream.indirect_vreg.gather [hbm4b:s6+s29], $0x80, v4, vm0, $0xb8;
	[tilespmem:$0x1E600] =	vst v63  }
0x175: {  	s10 =	simm.s32 $0x14900  }
0x176: {  	[tilespmem:s10], [sflag:$0x3] =	stream.indirect_vreg.gather [hbm4b:s7+s29], $0x80, v4, vm0, $0xb8;
	[tilespmem:$0x1E600] =	vst v63  }
0x177: {  	s11 =	simm.s32 $0x15100  }
0x178: {  	[tilespmem:s11], [sflag:$0x3] =	stream.indirect_vreg.gather [hbm4b:s1+s29], $0x80, v3, vm0, $0xb8;
	[tilespmem:$0x1E600] =	vst v63  }
0x179: {  	s13 =	simm.s32 $0x15900  }
0x17a: {  	[tilespmem:s13], [sflag:$0x3] =	stream.indirect_vreg.gather [hbm4b:s6+s29], $0x80, v3, vm0, $0xb8;
	[tilespmem:$0x1E600] =	vst v63  }
0x17b: {  	s14 =	simm.s32 $0x16100  }
0x17c: {  	[tilespmem:s14], [sflag:$0x3] =	stream.indirect_vreg.gather [hbm4b:s7+s29], $0x80, v3, vm0, $0xb8;
	[tilespmem:$0x1E600] =	vst v63  }
0x17d: {  	v3 =	vld.msk [tilespmem:$0x70], $0xff;
	_ =	sdelay $0x4  }
0x17e: {  	v63 =	vshrl.u32 v3, $0x3  }
0x17f: {  	v4 =	vmul.u32 $0x30, v63  }
0x180: {  	v3 =	vand.u32 $0x7, v3  }
0x181: {  	v3 =	vor.u32 v3, v4  }
0x182: {  	v3 =	vperm.xlane v3, v0;
	_ =	sdelay $0x1  }
0x183: {  	v3 =	vadd.s32 v1, v3;
	_ =	sdelay $0x3  }
0x184: {  	s15 =	simm.s32 $0x16900  }
0x185: {  	[tilespmem:s15], [sflag:$0x3] =	stream.indirect_vreg.gather [hbm4b:s1+s29], $0x80, v3, vm0, $0xb8;
	[tilespmem:$0x1E600] =	vst v63  }
0x186: {  	s30 =	simm.s32 $0x17100  }
0x187: {  	[tilespmem:s30], [sflag:$0x3] =	stream.indirect_vreg.gather [hbm4b:s6+s29], $0x80, v3, vm0, $0xb8;
	[tilespmem:$0x1E600] =	vst v63  }
0x188: {  	s31 =	simm.s32 $0x17900;
	s5 =	simm.s32 $0x0  }
0x189: {  	[tilespmem:s31], [sflag:$0x3] =	stream.indirect_vreg.gather [hbm4b:s7+s29], $0x80, v3, vm0, $0xb8;
	[tilespmem:$0x1E600] =	vst v63  }
.LBB2_4:
0x18a: {  	_ =	swait.ge [sflag:s3], $0x7800  }
0x18b: {  	s8 =	sand.u32 $0x70, s29;
	s10 =	sand.u32 $0x1C00, s29;
	[sflag:s3] =	ssyncset.done $0x0  }
0x18c: {  	s30 =	sor.u32 s8, s10;
	[sflag:s3] =	ssyncadd.s32 $0xFFFF8800  }
0x18d: {  	v3 =	vld [tilespmem:s30+$0x7900]  }
0x18e: {  	v4 =	vld [tilespmem:s30+$0x7980]  }
0x18f: {  	v5 =	vld [tilespmem:s30+$0x7A00]  }
0x190: {  	v7 =	vld [tilespmem:s30+$0x7A80]  }
0x191: {  	v22 =	vld [tilespmem:s30+$0x7B00]  }
0x192: {  	v23 =	vld [tilespmem:s30+$0x7B80]  }
0x193: {  	v24 =	vld [tilespmem:s30+$0x7C00]  }
0x194: {  	v25 =	vld [tilespmem:s30+$0x7C80]  }
0x195: {  	v26 =	vld [tilespmem:s30+$0x1980]  }
0x196: {  	v27 =	vld [tilespmem:s30+$0x1900]  }
0x197: {  	v28 =	vld [tilespmem:s30+$0x1A00]  }
0x198: {  	v29 =	vld [tilespmem:s30+$0x1A80]  }
0x199: {  	v30 =	vld [tilespmem:s30+$0x1B00]  }
0x19a: {  	s0 =	sor.u32 s29, s29;
	v31 =	vld [tilespmem:s30+$0x1B80]  }
0x19b: {  	s0 =	sor.u32 $0x380, s0;
	v32 =	vld [tilespmem:s30+$0x1C00]  }
0x19c: {  	v33 =	vld [tilespmem:s0+$0x1900]  }
0x19d: {  	v34 =	vld [tilespmem:s30+$0x3100]  }
0x19e: {  	v35 =	vld [tilespmem:s30+$0x3180]  }
0x19f: {  	v36 =	vld [tilespmem:s30+$0x3200]  }
0x1a0: {  	v37 =	vld [tilespmem:s30+$0x3280]  }
0x1a1: {  	v10 =	vld [tilespmem:s30+$0x3300]  }
0x1a2: {  	v13 =	vld [tilespmem:s30+$0x3380]  }
0x1a3: {  	v14 =	vld [tilespmem:s30+$0x3400]  }
0x1a4: {  	v16 =	vld [tilespmem:s30+$0x3480]  }
0x1a5: {  	v6 =	vld [tilespmem:s30+$0x4900]  }
0x1a6: {  	v8 =	vld [tilespmem:s30+$0x4980]  }
0x1a7: {  	v9 =	vld [tilespmem:s30+$0x4A00]  }
0x1a8: {  	v11 =	vld [tilespmem:s30+$0x4A80]  }
0x1a9: {  	v12 =	vld [tilespmem:s30+$0x4B00]  }
0x1aa: {  	s15 =	smul.u32 $0x267, s5;
	v15 =	vld [tilespmem:s30+$0x4B80]  }
0x1ab: {  	v17 =	vld [tilespmem:s30+$0x4C00]  }
0x1ac: {  	s9 =	sshrl.u32 s15, $0xD;
	v18 =	vld [tilespmem:s30+$0x4C80]  }
0x1ad: {  	s9 =	sand.u32 $0x7, s9;
	v19 =	vld [tilespmem:s30+$0x6100]  }
0x1ae: {  	v20 =	vld [tilespmem:s30+$0x6180];
	s9 =	smul.u32 $0x6000, s9;
	v3 =	vadd.f32 v4, v3;
	v4 =	vadd.f32 v7, v5  }
0x1af: {  	s0 =	sshrl.u32 s15, $0x3;
	v21 =	vld [tilespmem:s30+$0x6200];
	v5 =	vadd.f32 v23, v22;
	v7 =	vadd.f32 v25, v24  }
0x1b0: {  	s0 =	sand.u32 $0x380, s0;
	s11 =	sshrl.u32 s9, $0x2;
	v22 =	vld [tilespmem:s30+$0x6280];
	v25 =	vadd.f32 v26, v27;
	v26 =	vadd.f32 v29, v28  }
0x1b1: {  	s31 =	simm.s32 $0x0;
	s0 =	sor.u32 s0, s11;
	v23 =	vld [tilespmem:s30+$0x6300];
	v27 =	vadd.f32 v31, v30;
	v28 =	vadd.f32 v33, v32  }
0x1b2: {  	s9 =	smul.u32 $0x3, s5;
	s11 =	sadd.s32 $0x18100, s0;
	v24 =	vld [tilespmem:s30+$0x6380];
	v29 =	vadd.f32 v35, v34;
	v30 =	vadd.f32 v37, v36;
	s0 =	simm.s32 $0x10  }
.LBB2_5:
0x1b3: {  	p0 =	sne.s32 s0, $0x2F0;
	v31 =	vld [tilespmem:s30+$0x6400];
	v10 =	vadd.f32 v13, v10;
	v13 =	vadd.f32 v16, v14  }
0x1b4: {  	v16 =	vadd.f32 v26, v25;
	v25 =	vadd.f32 v28, v27;
	v14 =	vld [tilespmem:s30+$0x6480]  }
0x1b5: {  	v26 =	vadd.f32 v30, v29;
	v10 =	vadd.f32 v13, v10  }
0x1b6: {  	v6 =	vadd.f32 v8, v6;
	v8 =	vadd.f32 v11, v9  }
0x1b7: {  	v9 =	vadd.f32 v15, v12;
	v11 =	vadd.f32 v18, v17  }
0x1b8: {  	v12 =	vadd.f32 v20, v19;
	v13 =	vadd.f32 v22, v21  }
0x1b9: {  	v15 =	vadd.f32 v24, v23;
	v14 =	vadd.f32 v14, v31  }
0x1ba: {  	v6 =	vadd.f32 v8, v6;
	v8 =	vadd.f32 v11, v9  }
0x1bb: {  	v9 =	vadd.f32 v13, v12;
	v11 =	vadd.f32 v14, v15  }
0x1bc: {  	v12 =	vadd.f32 v25, v16;
	v10 =	vadd.f32 v10, v26  }
0x1bd: {  	v6 =	vadd.f32 v8, v6;
	v8 =	vadd.f32 v11, v9  }
0x1be: {  	v3 =	vadd.f32 v4, v3;
	v4 =	vadd.f32 v7, v5  }
0x1bf: {  	v5 =	vadd.f32 v10, v12;
	v6 =	vadd.f32 v8, v6;
	_ =	sdelay $0x1  }
0x1c0: {  	v3 =	vadd.f32 v4, v3;
	v4 =	vadd.f32 v6, v5;
	_ =	sdelay $0x1  }
0x1c1: {  	s13 =	sadd.s32 s10, s11;
	s31 =	sadd.s32 $0x80, s31;
	v3 =	vadd.f32 v3, v4  }
0x1c2: {  	s10 =	sand.u32 $0x1C00, s31;
	s13 =	sadd.s32 s8, s13;
	s8 =	sand.u32 $0x70, s0  }
0x1c3: {  	s30 =	sor.u32 s8, s10;
	[tilespmem:s13+$0x0] =	vst.add.f32.msk $0xffff, v3  }
0x1c4: {  	v3 =	vld [tilespmem:s30+$0x7900]  }
0x1c5: {  	v4 =	vld [tilespmem:s30+$0x7980]  }
0x1c6: {  	v5 =	vld [tilespmem:s30+$0x7A00]  }
0x1c7: {  	v7 =	vld [tilespmem:s30+$0x7A80]  }
0x1c8: {  	v22 =	vld [tilespmem:s30+$0x7B00]  }
0x1c9: {  	v23 =	vld [tilespmem:s30+$0x7B80]  }
0x1ca: {  	v24 =	vld [tilespmem:s30+$0x7C00]  }
0x1cb: {  	v25 =	vld [tilespmem:s30+$0x7C80]  }
0x1cc: {  	v26 =	vld [tilespmem:s30+$0x1980]  }
0x1cd: {  	v27 =	vld [tilespmem:s30+$0x1900]  }
0x1ce: {  	v28 =	vld [tilespmem:s30+$0x1A00]  }
0x1cf: {  	v29 =	vld [tilespmem:s30+$0x1A80]  }
0x1d0: {  	v30 =	vld [tilespmem:s30+$0x1B00]  }
0x1d1: {  	s13 =	sor.u32 s31, s0;
	v31 =	vld [tilespmem:s30+$0x1B80]  }
0x1d2: {  	s13 =	sor.u32 $0x380, s13;
	v32 =	vld [tilespmem:s30+$0x1C00]  }
0x1d3: {  	v33 =	vld [tilespmem:s13+$0x1900]  }
0x1d4: {  	v34 =	vld [tilespmem:s30+$0x3100]  }
0x1d5: {  	v35 =	vld [tilespmem:s30+$0x3180]  }
0x1d6: {  	v36 =	vld [tilespmem:s30+$0x3200]  }
0x1d7: {  	v37 =	vld [tilespmem:s30+$0x3280]  }
0x1d8: {  	v10 =	vld [tilespmem:s30+$0x3300]  }
0x1d9: {  	v13 =	vld [tilespmem:s30+$0x3380]  }
0x1da: {  	v14 =	vld [tilespmem:s30+$0x3400]  }
0x1db: {  	v16 =	vld [tilespmem:s30+$0x3480]  }
0x1dc: {  	v6 =	vld [tilespmem:s30+$0x4900]  }
0x1dd: {  	v8 =	vld [tilespmem:s30+$0x4980]  }
0x1de: {  	v9 =	vld [tilespmem:s30+$0x4A00]  }
0x1df: {  	v11 =	vld [tilespmem:s30+$0x4A80]  }
0x1e0: {  	v12 =	vld [tilespmem:s30+$0x4B00]  }
0x1e1: {  	v15 =	vld [tilespmem:s30+$0x4B80]  }
0x1e2: {  	v17 =	vld [tilespmem:s30+$0x4C00]  }
0x1e3: {  	v18 =	vld [tilespmem:s30+$0x4C80]  }
0x1e4: {  	v19 =	vld [tilespmem:s30+$0x6100]  }
.Ltmp1:
0x1e5: {  	v3 =	vadd.f32 v4, v3;
	v4 =	vadd.f32 v7, v5;
	v20 =	vld [tilespmem:s30+$0x6180];
	(pc) =	sbr.rel @p0 .LBB2_5-.Ltmp1, $4  }
0x1e6: {  	v5 =	vadd.f32 v23, v22;
	v7 =	vadd.f32 v25, v24;
	v21 =	vld [tilespmem:s30+$0x6200]  }
0x1e7: {  	v25 =	vadd.f32 v26, v27;
	v26 =	vadd.f32 v29, v28;
	v22 =	vld [tilespmem:s30+$0x6280]  }
0x1e8: {  	v27 =	vadd.f32 v31, v30;
	v28 =	vadd.f32 v33, v32;
	v23 =	vld [tilespmem:s30+$0x6300]  }
0x1e9: {  	s0 =	sadd.s32 $0x10, s0;
	v29 =	vadd.f32 v35, v34;
	v30 =	vadd.f32 v37, v36;
	v24 =	vld [tilespmem:s30+$0x6380]  }
0x1ea: {  	v31 =	vld [tilespmem:s30+$0x6400];
	v10 =	vadd.f32 v13, v10;
	v13 =	vadd.f32 v16, v14  }
0x1eb: {  	v14 =	vld [tilespmem:s30+$0x6480];
	v16 =	vadd.f32 v26, v25;
	v25 =	vadd.f32 v28, v27  }
0x1ec: {  	v6 =	vadd.f32 v8, v6;
	v8 =	vadd.f32 v11, v9  }
0x1ed: {  	v9 =	vadd.f32 v15, v12;
	v11 =	vadd.f32 v18, v17  }
0x1ee: {  	v12 =	vadd.f32 v20, v19;
	v26 =	vadd.f32 v30, v29  }
0x1ef: {  	v10 =	vadd.f32 v13, v10;
	v13 =	vadd.f32 v22, v21  }
0x1f0: {  	v15 =	vadd.f32 v24, v23;
	v14 =	vadd.f32 v14, v31  }
0x1f1: {  	v6 =	vadd.f32 v8, v6;
	v8 =	vadd.f32 v11, v9  }
0x1f2: {  	v9 =	vadd.f32 v13, v12;
	v11 =	vadd.f32 v14, v15  }
0x1f3: {  	v12 =	vadd.f32 v25, v16;
	v10 =	vadd.f32 v10, v26  }
0x1f4: {  	v6 =	vadd.f32 v8, v6;
	v8 =	vadd.f32 v11, v9  }
0x1f5: {  	v3 =	vadd.f32 v4, v3;
	v4 =	vadd.f32 v7, v5  }
0x1f6: {  	v5 =	vadd.f32 v10, v12;
	v6 =	vadd.f32 v8, v6;
	_ =	sdelay $0x1  }
0x1f7: {  	v3 =	vadd.f32 v4, v3;
	v4 =	vadd.f32 v6, v5;
	_ =	sdelay $0x1  }
0x1f8: {  	s0 =	sadd.s32 s10, s11;
	s15 =	smul.u32 $0x1E0, s5;
	v3 =	vadd.f32 v3, v4  }
0x1f9: {  	s0 =	sadd.s32 s8, s0  }
0x1fa: {  	s8 =	sshra.s32 s15, $0x2;
	[tilespmem:s0+$0x0] =	vst.add.f32.msk $0xffff, v3  }
0x1fb: {  	v3 =	vld [tilespmem:s8+$0x78];
	_ =	sdelay $0x4  }
0x1fc: {  	v4 =	vshrl.u32 v3, $0x3  }
0x1fd: {  	v4 =	vmul.u32 $0x30, v4  }
0x1fe: {  	v3 =	vand.u32 $0x7, v3  }
0x1ff: {  	v3 =	vor.u32 v3, v4  }
0x200: {  	v4 =	vperm.xlane v3, v0;
	_ =	sdelay $0x1  }
0x201: {  	v4 =	vadd.s32 v1, v4;
	_ =	sdelay $0x3  }
0x202: {  	s10 =	simm.s32 $0x0;
	s11 =	simm.s32 $0x1900;
	v3 =	vperm.xlane v3, v2  }
0x203: {  	[tilespmem:s11], [sflag:$0x1] =	stream.indirect_vreg.gather [hbm4b:s1+s10], $0x80, v4, vm0, $0xb8;
	[tilespmem:$0x1E600] =	vst v63  }
0x204: {  	s13 =	simm.s32 $0x2100;
	v3 =	vadd.s32 v1, v3  }
0x205: {  	[tilespmem:s13], [sflag:$0x1] =	stream.indirect_vreg.gather [hbm4b:s6+s10], $0x80, v4, vm0, $0xb8;
	[tilespmem:$0x1E600] =	vst v63  }
0x206: {  	s14 =	simm.s32 $0x2900  }
0x207: {  	[tilespmem:s14], [sflag:$0x1] =	stream.indirect_vreg.gather [hbm4b:s7+s10], $0x80, v4, vm0, $0xb8;
	[tilespmem:$0x1E600] =	vst v63  }
0x208: {  	_ = 	snop  }
0x209: {  	[tilespmem:s16], [sflag:$0x1] =	stream.indirect_vreg.gather [hbm4b:s1+s10], $0x80, v3, vm0, $0xb8;
	[tilespmem:$0x1E600] =	vst v63  }
0x20a: {  	_ = 	snop  }
0x20b: {  	[tilespmem:s17], [sflag:$0x1] =	stream.indirect_vreg.gather [hbm4b:s6+s10], $0x80, v3, vm0, $0xb8;
	[tilespmem:$0x1E600] =	vst v63  }
0x20c: {  	_ = 	snop  }
0x20d: {  	[tilespmem:s18], [sflag:$0x1] =	stream.indirect_vreg.gather [hbm4b:s7+s10], $0x80, v3, vm0, $0xb8;
	[tilespmem:$0x1E600] =	vst v63  }
0x20e: {  	v3 =	vld [tilespmem:s8+$0x88];
	_ =	sdelay $0x4  }
0x20f: {  	v4 =	vshrl.u32 v3, $0x3  }
0x210: {  	v4 =	vmul.u32 $0x30, v4  }
0x211: {  	v3 =	vand.u32 $0x7, v3  }
0x212: {  	v3 =	vor.u32 v3, v4  }
0x213: {  	v4 =	vperm.xlane v3, v0;
	_ =	sdelay $0x1  }
0x214: {  	v4 =	vadd.s32 v1, v4;
	_ =	sdelay $0x3  }
0x215: {  	v3 =	vperm.xlane v3, v2  }
0x216: {  	[tilespmem:s19], [sflag:$0x1] =	stream.indirect_vreg.gather [hbm4b:s1+s10], $0x80, v4, vm0, $0xb8;
	[tilespmem:$0x1E600] =	vst v63  }
0x217: {  	v3 =	vadd.s32 v1, v3  }
0x218: {  	[tilespmem:s20], [sflag:$0x1] =	stream.indirect_vreg.gather [hbm4b:s6+s10], $0x80, v4, vm0, $0xb8;
	[tilespmem:$0x1E600] =	vst v63  }
0x219: {  	_ = 	snop  }
0x21a: {  	[tilespmem:s21], [sflag:$0x1] =	stream.indirect_vreg.gather [hbm4b:s7+s10], $0x80, v4, vm0, $0xb8;
	[tilespmem:$0x1E600] =	vst v63  }
0x21b: {  	_ = 	snop  }
0x21c: {  	[tilespmem:s22], [sflag:$0x1] =	stream.indirect_vreg.gather [hbm4b:s1+s10], $0x80, v3, vm0, $0xb8;
	[tilespmem:$0x1E600] =	vst v63  }
0x21d: {  	_ = 	snop  }
0x21e: {  	[tilespmem:s23], [sflag:$0x1] =	stream.indirect_vreg.gather [hbm4b:s6+s10], $0x80, v3, vm0, $0xb8;
	[tilespmem:$0x1E600] =	vst v63  }
0x21f: {  	_ = 	snop  }
0x220: {  	[tilespmem:s24], [sflag:$0x1] =	stream.indirect_vreg.gather [hbm4b:s7+s10], $0x80, v3, vm0, $0xb8;
	[tilespmem:$0x1E600] =	vst v63  }
0x221: {  	v3 =	vld.msk [tilespmem:s8+$0x98], $0xff;
	_ =	sdelay $0x4  }
0x222: {  	v4 =	vshrl.u32 v3, $0x3  }
0x223: {  	v4 =	vmul.u32 $0x30, v4  }
0x224: {  	v3 =	vand.u32 $0x7, v3  }
0x225: {  	v3 =	vor.u32 v3, v4  }
0x226: {  	v3 =	vperm.xlane v3, v0;
	_ =	sdelay $0x1  }
0x227: {  	v3 =	vadd.s32 v1, v3;
	_ =	sdelay $0x4  }
0x228: {  	[tilespmem:s25], [sflag:$0x1] =	stream.indirect_vreg.gather [hbm4b:s1+s10], $0x80, v3, vm0, $0xb8;
	[tilespmem:$0x1E600] =	vst v63  }
0x229: {  	_ = 	snop  }
0x22a: {  	[tilespmem:s26], [sflag:$0x1] =	stream.indirect_vreg.gather [hbm4b:s6+s10], $0x80, v3, vm0, $0xb8;
	[tilespmem:$0x1E600] =	vst v63  }
0x22b: {  	_ = 	snop  }
0x22c: {  	[tilespmem:s28], [sflag:$0x1] =	stream.indirect_vreg.gather [hbm4b:s7+s10], $0x80, v3, vm0, $0xb8;
	[tilespmem:$0x1E600] =	vst v63  }
0x22d: {  	_ =	swait.ge [sflag:s2], $0x7800  }
0x22e: {  	s30 =	sand.u32 $0x1C00, s10;
	s11 =	sand.u32 $0x70, s10;
	[sflag:s2] =	ssyncset.done $0x0  }
0x22f: {  	s0 =	sor.u32 s11, s30;
	[sflag:s2] =	ssyncadd.s32 $0xFFFF8800  }
0x230: {  	v3 =	vld [tilespmem:s0+$0xF100]  }
0x231: {  	v4 =	vld [tilespmem:s0+$0xF180]  }
0x232: {  	v5 =	vld [tilespmem:s0+$0xF200]  }
0x233: {  	v7 =	vld [tilespmem:s0+$0xF280]  }
0x234: {  	v22 =	vld [tilespmem:s0+$0xF300]  }
0x235: {  	v23 =	vld [tilespmem:s0+$0xF380]  }
0x236: {  	v24 =	vld [tilespmem:s0+$0xF400]  }
0x237: {  	v25 =	vld [tilespmem:s0+$0xF480]  }
0x238: {  	v26 =	vld [tilespmem:s0+$0x9180]  }
0x239: {  	v27 =	vld [tilespmem:s0+$0x9100]  }
0x23a: {  	v28 =	vld [tilespmem:s0+$0x9200]  }
0x23b: {  	v29 =	vld [tilespmem:s0+$0x9280]  }
0x23c: {  	v30 =	vld [tilespmem:s0+$0x9300]  }
0x23d: {  	s13 =	sor.u32 s10, s10;
	v31 =	vld [tilespmem:s0+$0x9380]  }
0x23e: {  	s13 =	sor.u32 $0x380, s13;
	v32 =	vld [tilespmem:s0+$0x9400]  }
0x23f: {  	v33 =	vld [tilespmem:s13+$0x9100]  }
0x240: {  	v34 =	vld [tilespmem:s0+$0xA900]  }
0x241: {  	v35 =	vld [tilespmem:s0+$0xA980]  }
0x242: {  	v36 =	vld [tilespmem:s0+$0xAA00]  }
0x243: {  	v37 =	vld [tilespmem:s0+$0xAA80]  }
0x244: {  	v10 =	vld [tilespmem:s0+$0xAB00]  }
0x245: {  	v13 =	vld [tilespmem:s0+$0xAB80]  }
0x246: {  	v14 =	vld [tilespmem:s0+$0xAC00]  }
0x247: {  	v16 =	vld [tilespmem:s0+$0xAC80]  }
0x248: {  	v6 =	vld [tilespmem:s0+$0xC100]  }
0x249: {  	v8 =	vld [tilespmem:s0+$0xC180]  }
0x24a: {  	v9 =	vld [tilespmem:s0+$0xC200]  }
0x24b: {  	v11 =	vld [tilespmem:s0+$0xC280]  }
0x24c: {  	v12 =	vld [tilespmem:s0+$0xC300]  }
0x24d: {  	s15 =	sadd.s32 $0x1, s9;
	v15 =	vld [tilespmem:s0+$0xC380]  }
0x24e: {  	s13 =	smulhi.u32 $0xCCCCCCCD, s15;
	v17 =	vld [tilespmem:s0+$0xC400]  }
0x24f: {  	v18 =	vld [tilespmem:s0+$0xC480]  }
0x250: {  	v19 =	vld [tilespmem:s0+$0xD900];
	s31 =	sshrl.u32 s13, $0x5  }
0x251: {  	v20 =	vld [tilespmem:s0+$0xD980];
	s31 =	smul.u32 $0x6000, s31;
	v3 =	vadd.f32 v4, v3;
	v4 =	vadd.f32 v7, v5  }
0x252: {  	v21 =	vld [tilespmem:s0+$0xDA00];
	s13 =	sshll.u32 s13, $0x5;
	v5 =	vadd.f32 v23, v22;
	v7 =	vadd.f32 v25, v24  }
0x253: {  	s13 =	sand.u32 $0x380, s13;
	s31 =	sshra.s32 s31, $0x2;
	v22 =	vld [tilespmem:s0+$0xDA80];
	v25 =	vadd.f32 v26, v27;
	v26 =	vadd.f32 v29, v28  }
0x254: {  	v23 =	vld [tilespmem:s0+$0xDB00];
	v27 =	vadd.f32 v31, v30;
	v28 =	vadd.f32 v33, v32;
	s13 =	sor.u32 s13, s31  }
0x255: {  	v24 =	vld [tilespmem:s0+$0xDB80];
	v29 =	vadd.f32 v35, v34;
	v30 =	vadd.f32 v37, v36;
	s31 =	sadd.s32 $0x18100, s13;
	s13 =	simm.s32 $0x10  }
.LBB2_7:
0x256: {  	p0 =	sne.s32 s13, $0x2F0;
	v31 =	vld [tilespmem:s0+$0xDC00];
	v10 =	vadd.f32 v13, v10;
	v13 =	vadd.f32 v16, v14  }
0x257: {  	v16 =	vadd.f32 v26, v25;
	v25 =	vadd.f32 v28, v27;
	v14 =	vld [tilespmem:s0+$0xDC80]  }
0x258: {  	v26 =	vadd.f32 v30, v29;
	v10 =	vadd.f32 v13, v10  }
0x259: {  	v6 =	vadd.f32 v8, v6;
	v8 =	vadd.f32 v11, v9  }
0x25a: {  	v9 =	vadd.f32 v15, v12;
	v11 =	vadd.f32 v18, v17  }
0x25b: {  	v12 =	vadd.f32 v20, v19;
	v13 =	vadd.f32 v22, v21  }
0x25c: {  	v15 =	vadd.f32 v24, v23;
	v14 =	vadd.f32 v14, v31  }
0x25d: {  	v6 =	vadd.f32 v8, v6;
	v8 =	vadd.f32 v11, v9  }
0x25e: {  	v9 =	vadd.f32 v13, v12;
	v11 =	vadd.f32 v14, v15  }
0x25f: {  	v12 =	vadd.f32 v25, v16;
	v10 =	vadd.f32 v10, v26  }
0x260: {  	v6 =	vadd.f32 v8, v6;
	v8 =	vadd.f32 v11, v9  }
0x261: {  	v3 =	vadd.f32 v4, v3;
	v4 =	vadd.f32 v7, v5  }
0x262: {  	v5 =	vadd.f32 v10, v12;
	v6 =	vadd.f32 v8, v6;
	_ =	sdelay $0x1  }
0x263: {  	v3 =	vadd.f32 v4, v3;
	v4 =	vadd.f32 v6, v5;
	_ =	sdelay $0x1  }
0x264: {  	s10 =	sadd.s32 $0x80, s10;
	s0 =	sadd.s32 s30, s31;
	v3 =	vadd.f32 v3, v4  }
0x265: {  	s30 =	sand.u32 $0x1C00, s10;
	s14 =	sadd.s32 s11, s0;
	s11 =	sand.u32 $0x70, s13  }
0x266: {  	s0 =	sor.u32 s11, s30;
	[tilespmem:s14+$0x0] =	vst.add.f32.msk $0xffff, v3  }
0x267: {  	v3 =	vld [tilespmem:s0+$0xF100]  }
0x268: {  	v4 =	vld [tilespmem:s0+$0xF180]  }
0x269: {  	v5 =	vld [tilespmem:s0+$0xF200]  }
0x26a: {  	v7 =	vld [tilespmem:s0+$0xF280]  }
0x26b: {  	v22 =	vld [tilespmem:s0+$0xF300]  }
0x26c: {  	v23 =	vld [tilespmem:s0+$0xF380]  }
0x26d: {  	v24 =	vld [tilespmem:s0+$0xF400]  }
0x26e: {  	v25 =	vld [tilespmem:s0+$0xF480]  }
0x26f: {  	v26 =	vld [tilespmem:s0+$0x9180]  }
0x270: {  	v27 =	vld [tilespmem:s0+$0x9100]  }
0x271: {  	v28 =	vld [tilespmem:s0+$0x9200]  }
0x272: {  	v29 =	vld [tilespmem:s0+$0x9280]  }
0x273: {  	v30 =	vld [tilespmem:s0+$0x9300]  }
0x274: {  	s14 =	sor.u32 s10, s13;
	v31 =	vld [tilespmem:s0+$0x9380]  }
0x275: {  	s14 =	sor.u32 $0x380, s14;
	v32 =	vld [tilespmem:s0+$0x9400]  }
0x276: {  	v33 =	vld [tilespmem:s14+$0x9100]  }
0x277: {  	v34 =	vld [tilespmem:s0+$0xA900]  }
0x278: {  	v35 =	vld [tilespmem:s0+$0xA980]  }
0x279: {  	v36 =	vld [tilespmem:s0+$0xAA00]  }
0x27a: {  	v37 =	vld [tilespmem:s0+$0xAA80]  }
0x27b: {  	v10 =	vld [tilespmem:s0+$0xAB00]  }
0x27c: {  	v13 =	vld [tilespmem:s0+$0xAB80]  }
0x27d: {  	v14 =	vld [tilespmem:s0+$0xAC00]  }
0x27e: {  	v16 =	vld [tilespmem:s0+$0xAC80]  }
0x27f: {  	v6 =	vld [tilespmem:s0+$0xC100]  }
0x280: {  	v8 =	vld [tilespmem:s0+$0xC180]  }
0x281: {  	v9 =	vld [tilespmem:s0+$0xC200]  }
0x282: {  	v11 =	vld [tilespmem:s0+$0xC280]  }
0x283: {  	v12 =	vld [tilespmem:s0+$0xC300]  }
0x284: {  	v15 =	vld [tilespmem:s0+$0xC380]  }
0x285: {  	v17 =	vld [tilespmem:s0+$0xC400]  }
0x286: {  	v18 =	vld [tilespmem:s0+$0xC480]  }
0x287: {  	v19 =	vld [tilespmem:s0+$0xD900]  }
.Ltmp2:
0x288: {  	v3 =	vadd.f32 v4, v3;
	v4 =	vadd.f32 v7, v5;
	v20 =	vld [tilespmem:s0+$0xD980];
	(pc) =	sbr.rel @p0 .LBB2_7-.Ltmp2, $4  }
0x289: {  	v5 =	vadd.f32 v23, v22;
	v7 =	vadd.f32 v25, v24;
	v21 =	vld [tilespmem:s0+$0xDA00]  }
0x28a: {  	v25 =	vadd.f32 v26, v27;
	v26 =	vadd.f32 v29, v28;
	v22 =	vld [tilespmem:s0+$0xDA80]  }
0x28b: {  	v27 =	vadd.f32 v31, v30;
	v28 =	vadd.f32 v33, v32;
	v23 =	vld [tilespmem:s0+$0xDB00]  }
0x28c: {  	s13 =	sadd.s32 $0x10, s13;
	v29 =	vadd.f32 v35, v34;
	v30 =	vadd.f32 v37, v36;
	v24 =	vld [tilespmem:s0+$0xDB80]  }
0x28d: {  	v31 =	vld [tilespmem:s0+$0xDC00];
	v10 =	vadd.f32 v13, v10;
	v13 =	vadd.f32 v16, v14  }
0x28e: {  	v14 =	vld [tilespmem:s0+$0xDC80];
	v16 =	vadd.f32 v26, v25;
	v62 =	vadd.f32 v28, v27  }
0x28f: {  	v6 =	vadd.f32 v8, v6;
	v8 =	vadd.f32 v11, v9  }
0x290: {  	v9 =	vadd.f32 v15, v12;
	v11 =	vadd.f32 v18, v17  }
0x291: {  	v12 =	vadd.f32 v20, v19;
	v63 =	vadd.f32 v30, v29  }
0x292: {  	v10 =	vadd.f32 v13, v10;
	v13 =	vadd.f32 v22, v21  }
0x293: {  	v15 =	vadd.f32 v24, v23;
	v14 =	vadd.f32 v14, v31  }
0x294: {  	v6 =	vadd.f32 v8, v6;
	v8 =	vadd.f32 v11, v9  }
0x295: {  	v9 =	vadd.f32 v13, v12;
	v11 =	vadd.f32 v14, v15  }
0x296: {  	v12 =	vadd.f32 v62, v16;
	v10 =	vadd.f32 v10, v63  }
0x297: {  	v6 =	vadd.f32 v8, v6;
	v8 =	vadd.f32 v11, v9  }
0x298: {  	v3 =	vadd.f32 v4, v3;
	v4 =	vadd.f32 v7, v5  }
0x299: {  	v5 =	vadd.f32 v10, v12;
	v6 =	vadd.f32 v8, v6;
	_ =	sdelay $0x1  }
0x29a: {  	v3 =	vadd.f32 v4, v3;
	v4 =	vadd.f32 v6, v5;
	_ =	sdelay $0x1  }
0x29b: {  	s15 =	sadd.s32 s30, s31;
	v3 =	vadd.f32 v3, v4  }
0x29c: {  	s0 =	sadd.s32 s11, s15  }
0x29d: {  	p0 =	seq.s32 s5, $0x34;
	[tilespmem:s0+$0x0] =	vst.add.f32.msk $0xffff, v3  }
0x29e: {  	v3 =	vld @!p0 [tilespmem:s8+$0xA0];
	_ =	sdelay $0x4  }
0x29f: {  	v4 =	vshrl.u32 @!p0 v3, $0x3  }
0x2a0: {  	v4 =	vmul.u32 @!p0 $0x30, v4  }
0x2a1: {  	v5 =	vlaneseq.u32 @!p0;
	v3 =	vand.u32 @!p0 $0x7, v3  }
0x2a2: {  	v6 =	vshrl.u32 @!p0 v5, $0x3;
	v3 =	vor.u32 @!p0 v3, v4;
	v4 =	vand.u32 @!p0 $0x7, v5  }
0x2a3: {  	v6 =	vmul.u32 @!p0 $0x8, v6;
	v7 =	vperm.xlane @!p0 v3, v4;
	_ =	sdelay $0x1  }
0x2a4: {  	v7 =	vadd.s32 @!p0 v6, v7;
	_ =	sdelay $0x2  }
0x2a5: {  	v5 =	vor.u32 @!p0 $0x8, v5  }
0x2a6: {  	vm1 =	vmmov @!p0 $0xffff;
	s10 =	simm.s32 @!p0 $0x9100;
	s0 =	simm.s32 @!p0 $0x0;
	v3 =	vperm.xlane @!p0 v3, v5  }
0x2a7: {  	[tilespmem:s10], [sflag:$0x2] =	stream.indirect_vreg.gather @!p0 [hbm4b:s1+s0], $0x80, v7, vm1, $0xb8;
	[tilespmem:$0x1E600] =	vst v63  }
0x2a8: {  	v3 =	vadd.s32 @!p0 v6, v3;
	s10 =	simm.s32 @!p0 $0x9900  }
0x2a9: {  	[tilespmem:s10], [sflag:$0x2] =	stream.indirect_vreg.gather @!p0 [hbm4b:s6+s0], $0x80, v7, vm1, $0xb8;
	[tilespmem:$0x1E600] =	vst v63  }
0x2aa: {  	s10 =	simm.s32 @!p0 $0xA100  }
0x2ab: {  	[tilespmem:s10], [sflag:$0x2] =	stream.indirect_vreg.gather @!p0 [hbm4b:s7+s0], $0x80, v7, vm1, $0xb8;
	[tilespmem:$0x1E600] =	vst v63  }
0x2ac: {  	s10 =	simm.s32 @!p0 $0xA900  }
0x2ad: {  	[tilespmem:s10], [sflag:$0x2] =	stream.indirect_vreg.gather @!p0 [hbm4b:s1+s0], $0x80, v3, vm1, $0xb8;
	[tilespmem:$0x1E600] =	vst v63  }
0x2ae: {  	s10 =	simm.s32 @!p0 $0xB100  }
0x2af: {  	[tilespmem:s10], [sflag:$0x2] =	stream.indirect_vreg.gather @!p0 [hbm4b:s6+s0], $0x80, v3, vm1, $0xb8;
	[tilespmem:$0x1E600] =	vst v63  }
0x2b0: {  	s10 =	simm.s32 @!p0 $0xB900  }
0x2b1: {  	[tilespmem:s10], [sflag:$0x2] =	stream.indirect_vreg.gather @!p0 [hbm4b:s7+s0], $0x80, v3, vm1, $0xb8;
	[tilespmem:$0x1E600] =	vst v63  }
0x2b2: {  	v3 =	vld @!p0 [tilespmem:s8+$0xB0];
	_ =	sdelay $0x4  }
0x2b3: {  	v7 =	vshrl.u32 @!p0 v3, $0x3  }
0x2b4: {  	v7 =	vmul.u32 @!p0 $0x30, v7  }
0x2b5: {  	v3 =	vand.u32 @!p0 $0x7, v3  }
0x2b6: {  	v3 =	vor.u32 @!p0 v3, v7  }
0x2b7: {  	v7 =	vperm.xlane @!p0 v3, v4;
	_ =	sdelay $0x1  }
0x2b8: {  	v7 =	vadd.s32 @!p0 v6, v7;
	_ =	sdelay $0x3  }
0x2b9: {  	s10 =	simm.s32 @!p0 $0xC100;
	v3 =	vperm.xlane @!p0 v3, v5  }
0x2ba: {  	[tilespmem:s10], [sflag:$0x2] =	stream.indirect_vreg.gather @!p0 [hbm4b:s1+s0], $0x80, v7, vm1, $0xb8;
	[tilespmem:$0x1E600] =	vst v63  }
0x2bb: {  	v3 =	vadd.s32 @!p0 v6, v3;
	s10 =	simm.s32 @!p0 $0xC900  }
0x2bc: {  	[tilespmem:s10], [sflag:$0x2] =	stream.indirect_vreg.gather @!p0 [hbm4b:s6+s0], $0x80, v7, vm1, $0xb8;
	[tilespmem:$0x1E600] =	vst v63  }
0x2bd: {  	s10 =	simm.s32 @!p0 $0xD100  }
0x2be: {  	[tilespmem:s10], [sflag:$0x2] =	stream.indirect_vreg.gather @!p0 [hbm4b:s7+s0], $0x80, v7, vm1, $0xb8;
	[tilespmem:$0x1E600] =	vst v63  }
0x2bf: {  	s10 =	simm.s32 @!p0 $0xD900  }
0x2c0: {  	[tilespmem:s10], [sflag:$0x2] =	stream.indirect_vreg.gather @!p0 [hbm4b:s1+s0], $0x80, v3, vm1, $0xb8;
	[tilespmem:$0x1E600] =	vst v63  }
0x2c1: {  	s10 =	simm.s32 @!p0 $0xE100  }
0x2c2: {  	[tilespmem:s10], [sflag:$0x2] =	stream.indirect_vreg.gather @!p0 [hbm4b:s6+s0], $0x80, v3, vm1, $0xb8;
	[tilespmem:$0x1E600] =	vst v63  }
0x2c3: {  	s10 =	simm.s32 @!p0 $0xE900  }
0x2c4: {  	[tilespmem:s10], [sflag:$0x2] =	stream.indirect_vreg.gather @!p0 [hbm4b:s7+s0], $0x80, v3, vm1, $0xb8;
	[tilespmem:$0x1E600] =	vst v63  }
0x2c5: {  	v3 =	vld.msk @!p0 [tilespmem:s8+$0xC0], $0xff;
	_ =	sdelay $0x4  }
0x2c6: {  	v5 =	vshrl.u32 @!p0 v3, $0x3  }
0x2c7: {  	v5 =	vmul.u32 @!p0 $0x30, v5  }
0x2c8: {  	v3 =	vand.u32 @!p0 $0x7, v3  }
0x2c9: {  	v3 =	vor.u32 @!p0 v3, v5  }
0x2ca: {  	v3 =	vperm.xlane @!p0 v3, v4;
	_ =	sdelay $0x1  }
0x2cb: {  	v3 =	vadd.s32 @!p0 v6, v3;
	_ =	sdelay $0x3  }
0x2cc: {  	s10 =	simm.s32 @!p0 $0xF100  }
0x2cd: {  	[tilespmem:s10], [sflag:$0x2] =	stream.indirect_vreg.gather @!p0 [hbm4b:s1+s0], $0x80, v3, vm1, $0xb8;
	[tilespmem:$0x1E600] =	vst v63  }
0x2ce: {  	s10 =	simm.s32 @!p0 $0xF900  }
0x2cf: {  	[tilespmem:s10], [sflag:$0x2] =	stream.indirect_vreg.gather @!p0 [hbm4b:s6+s0], $0x80, v3, vm1, $0xb8;
	[tilespmem:$0x1E600] =	vst v63  }
0x2d0: {  	s10 =	simm.s32 @!p0 $0x10100  }
0x2d1: {  	[tilespmem:s10], [sflag:$0x2] =	stream.indirect_vreg.gather @!p0 [hbm4b:s7+s0], $0x80, v3, vm1, $0xb8;
	[tilespmem:$0x1E600] =	vst v63  }
0x2d2: {  	s10 =	simm.s32 $0x0;
	_ =	swait.ge [sflag:s12], $0x7800  }
0x2d3: {  	s31 =	sor.u32 s10, s10;
	s14 =	sand.u32 $0x70, s10;
	[sflag:s12] =	ssyncset.done $0x0  }
0x2d4: {  	s13 =	sand.u32 $0x1C00, s10;
	s0 =	sor.u32 $0x380, s31;
	[sflag:s12] =	ssyncadd.s32 $0xFFFF8800  }
0x2d5: {  	s11 =	sor.u32 s14, s13;
	v7 =	vld [tilespmem:s0+$0x10900]  }
0x2d6: {  	v3 =	vld [tilespmem:s11+$0x16980]  }
0x2d7: {  	v4 =	vld [tilespmem:s11+$0x16900]  }
0x2d8: {  	v5 =	vld [tilespmem:s11+$0x16A00]  }
0x2d9: {  	v6 =	vld [tilespmem:s11+$0x16A80]  }
0x2da: {  	v9 =	vld [tilespmem:s11+$0x16B00]  }
0x2db: {  	v11 =	vld [tilespmem:s11+$0x16B80]  }
0x2dc: {  	s9 =	sadd.s32 $0x2, s9;
	v8 =	vld [tilespmem:s11+$0x15480]  }
0x2dd: {  	s0 =	smulhi.u32 $0xCCCCCCCD, s9;
	v12 =	vld [tilespmem:s11+$0x15400]  }
0x2de: {  	v18 =	vld [tilespmem:s11+$0x15380]  }
0x2df: {  	v19 =	vld [tilespmem:s11+$0x15300];
	s15 =	sshrl.u32 s0, $0x5  }
0x2e0: {  	v10 =	vld [tilespmem:s11+$0x10900];
	s9 =	smul.u32 $0x6000, s15  }
0x2e1: {  	v13 =	vld [tilespmem:s11+$0x15180];
	s0 =	sshll.u32 s0, $0x5  }
0x2e2: {  	v15 =	vld [tilespmem:s11+$0x15280];
	s0 =	sand.u32 $0x380, s0;
	s9 =	sshra.s32 s9, $0x2  }
0x2e3: {  	v16 =	vld [tilespmem:s11+$0x15200];
	s0 =	sor.u32 s0, s9  }
0x2e4: {  	v14 =	vld [tilespmem:s11+$0x15100];
	s0 =	sadd.s32 $0x18100, s0  }
0x2e5: {  	v17 =	vld [tilespmem:s11+$0x12380];
	s31 =	sadd.s32 s13, s0  }
0x2e6: {  	s30 =	simm.s32 $0x10;
	v8 =	vadd.f32 v8, v12;
	v12 =	vadd.f32 v18, v19;
	v18 =	vld [tilespmem:s11+$0x12280];
	s13 =	sadd.s32 $0x10900, s11;
	s9 =	sadd.s32 s14, s31  }
.LBB2_9:
0x2e7: {  	p1 =	sne.s32 s30, $0x2F0  }
0x2e8: {  	v19 =	vld [tilespmem:s11+$0x12480];
	s10 =	sadd.s32 $0x80, s10;
	s31 =	smov.u32 s30;
	s30 =	sadd.s32 $0x10, s30  }
0x2e9: {  	v20 =	vld [tilespmem:s13+$0x180]  }
0x2ea: {  	v21 =	vld [tilespmem:s11+$0x12300]  }
0x2eb: {  	v22 =	vld [tilespmem:s11+$0x12400]  }
0x2ec: {  	v23 =	vld [tilespmem:s11+$0x12180]  }
0x2ed: {  	v24 =	vld [tilespmem:s11+$0x12200]  }
0x2ee: {  	v25 =	vld [tilespmem:s11+$0x12100]  }
0x2ef: {  	v26 =	vld [tilespmem:s11+$0x13C80]  }
0x2f0: {  	v27 =	vld [tilespmem:s13+$0x280]  }
0x2f1: {  	v28 =	vld [tilespmem:s11+$0x13C00]  }
0x2f2: {  	v29 =	vld [tilespmem:s13+$0x300];
	v18 =	vadd.f32 v18, v24  }
0x2f3: {  	v17 =	vadd.f32 v17, v21;
	v24 =	vld [tilespmem:s11+$0x13B80];
	v23 =	vadd.f32 v23, v25  }
0x2f4: {  	v19 =	vadd.f32 v19, v22;
	v21 =	vld [tilespmem:s11+$0x13980]  }
0x2f5: {  	v22 =	vld [tilespmem:s11+$0x13A80];
	v18 =	vadd.f32 v18, v23  }
0x2f6: {  	v23 =	vld [tilespmem:s11+$0x13B00];
	v25 =	vadd.f32 v26, v28  }
0x2f7: {  	v26 =	vld [tilespmem:s13+$0x100];
	v7 =	vadd.f32 v7, v29  }
0x2f8: {  	v15 =	vadd.f32 v15, v16;
	v28 =	vld [tilespmem:s11+$0x13A00]  }
0x2f9: {  	v17 =	vadd.f32 v19, v17;
	v16 =	vld [tilespmem:s13+$0x80]  }
0x2fa: {  	v9 =	vadd.f32 v11, v9;
	v19 =	vld [tilespmem:s13+$0x200]  }
0x2fb: {  	v13 =	vadd.f32 v13, v14;
	v11 =	vld [tilespmem:s11+$0x13900];
	v23 =	vadd.f32 v24, v23  }
0x2fc: {  	v5 =	vadd.f32 v6, v5  }
0x2fd: {  	v13 =	vadd.f32 v15, v13;
	v6 =	vadd.f32 v22, v28  }
0x2fe: {  	v3 =	vadd.f32 v3, v4;
	v14 =	vld [tilespmem:s11+$0x16C80];
	v10 =	vadd.f32 v16, v10  }
0x2ff: {  	v15 =	vadd.f32 v20, v26;
	v4 =	vld [tilespmem:s11+$0x16C00];
	v16 =	vadd.f32 v27, v19  }
0x300: {  	v3 =	vadd.f32 v5, v3;
	v11 =	vadd.f32 v21, v11  }
0x301: {  	v5 =	vadd.f32 v15, v10;
	v10 =	vadd.f32 v25, v23  }
0x302: {  	v8 =	vadd.f32 v8, v12;
	v7 =	vadd.f32 v7, v16  }
0x303: {  	v6 =	vadd.f32 v6, v11;
	v11 =	vadd.f32 v17, v18  }
0x304: {  	v8 =	vadd.f32 v8, v13;
	v4 =	vadd.f32 v14, v4  }
0x305: {  	v5 =	vadd.f32 v7, v5;
	v6 =	vadd.f32 v10, v6  }
0x306: {  	v4 =	vadd.f32 v4, v9  }
0x307: {  	v5 =	vadd.f32 v11, v5;
	v6 =	vadd.f32 v8, v6  }
0x308: {  	v3 =	vadd.f32 v4, v3  }
0x309: {  	v4 =	vadd.f32 v6, v5;
	_ =	sdelay $0x1  }
0x30a: {  	s11 =	sor.u32 s10, s31;
	v3 =	vadd.f32 v3, v4  }
0x30b: {  	s14 =	sand.u32 $0x70, s31;
	s13 =	sand.u32 $0x1C00, s10;
	s31 =	sor.u32 $0x380, s11  }
0x30c: {  	s15 =	sadd.s32 s13, s0;
	s11 =	sor.u32 s14, s13;
	[tilespmem:s9+$0x0] =	vst.add.f32.msk $0xffff, v3  }
0x30d: {  	s13 =	sadd.s32 $0x10900, s11;
	s9 =	sadd.s32 s14, s15;
	v7 =	vld [tilespmem:s31+$0x10900]  }
0x30e: {  	v3 =	vld [tilespmem:s11+$0x16980]  }
0x30f: {  	v4 =	vld [tilespmem:s11+$0x16900]  }
0x310: {  	v5 =	vld [tilespmem:s11+$0x16A00]  }
0x311: {  	v6 =	vld [tilespmem:s11+$0x16A80]  }
0x312: {  	v9 =	vld [tilespmem:s11+$0x16B00]  }
0x313: {  	v11 =	vld [tilespmem:s11+$0x16B80]  }
0x314: {  	v8 =	vld [tilespmem:s11+$0x15480]  }
0x315: {  	v12 =	vld [tilespmem:s11+$0x15400]  }
0x316: {  	v17 =	vld [tilespmem:s11+$0x15380]  }
0x317: {  	v18 =	vld [tilespmem:s11+$0x15300]  }
0x318: {  	v10 =	vld [tilespmem:s11+$0x10900]  }
0x319: {  	v13 =	vld [tilespmem:s11+$0x15180]  }
.Ltmp3:
0x31a: {  	v15 =	vld [tilespmem:s11+$0x15280];
	v8 =	vadd.f32 v8, v12;
	(pc) =	sbr.rel @p1 .LBB2_9-.Ltmp3, $4  }
0x31b: {  	v16 =	vld [tilespmem:s11+$0x15200]  }
0x31c: {  	v14 =	vld [tilespmem:s11+$0x15100];
	v12 =	vadd.f32 v17, v18  }
0x31d: {  	v17 =	vld [tilespmem:s11+$0x12380]  }
0x31e: {  	v18 =	vld [tilespmem:s11+$0x12280]  }
0x31f: {  	v19 =	vld [tilespmem:s11+$0x12480]  }
0x320: {  	v20 =	vld [tilespmem:s13+$0x180]  }
0x321: {  	v21 =	vld [tilespmem:s11+$0x12300]  }
0x322: {  	v22 =	vld [tilespmem:s11+$0x12400]  }
0x323: {  	v23 =	vld [tilespmem:s11+$0x12180]  }
0x324: {  	v24 =	vld [tilespmem:s11+$0x12200]  }
0x325: {  	v25 =	vld [tilespmem:s11+$0x12100]  }
0x326: {  	v26 =	vld [tilespmem:s11+$0x13C80]  }
0x327: {  	v27 =	vld [tilespmem:s13+$0x280]  }
0x328: {  	v28 =	vld [tilespmem:s11+$0x13C00]  }
0x329: {  	v29 =	vld [tilespmem:s13+$0x300]  }
0x32a: {  	v30 =	vld [tilespmem:s11+$0x13B80]  }
0x32b: {  	v31 =	vld [tilespmem:s11+$0x13980]  }
0x32c: {  	v32 =	vld [tilespmem:s11+$0x13A80]  }
0x32d: {  	v33 =	vld [tilespmem:s11+$0x13B00]  }
0x32e: {  	v49 =	vld [tilespmem:s13+$0x100]  }
0x32f: {  	v50 =	vld [tilespmem:s11+$0x13A00]  }
0x330: {  	v52 =	vld [tilespmem:s13+$0x80];
	v9 =	vadd.f32 v11, v9;
	v5 =	vadd.f32 v6, v5  }
0x331: {  	v53 =	vld [tilespmem:s13+$0x200];
	v15 =	vadd.f32 v15, v16;
	v13 =	vadd.f32 v13, v14  }
0x332: {  	v54 =	vld [tilespmem:s11+$0x13900];
	v3 =	vadd.f32 v3, v4;
	v8 =	vadd.f32 v8, v12  }
0x333: {  	v57 =	vld [tilespmem:s11+$0x16C80];
	v13 =	vadd.f32 v15, v13;
	v18 =	vadd.f32 v18, v24  }
0x334: {  	v58 =	vld [tilespmem:s11+$0x16C00];
	v23 =	vadd.f32 v23, v25;
	v17 =	vadd.f32 v17, v21  }
0x335: {  	v19 =	vadd.f32 v19, v22;
	v51 =	vadd.f32 v26, v28  }
0x336: {  	v7 =	vadd.f32 v7, v29;
	v55 =	vadd.f32 v30, v33  }
0x337: {  	v56 =	vadd.f32 v32, v50;
	v10 =	vadd.f32 v52, v10  }
0x338: {  	v59 =	vadd.f32 v20, v49;
	v16 =	vadd.f32 v27, v53  }
0x339: {  	v11 =	vadd.f32 v31, v54;
	v4 =	vadd.f32 v57, v58  }
0x33a: {  	v18 =	vadd.f32 v18, v23;
	v17 =	vadd.f32 v19, v17  }
0x33b: {  	v10 =	vadd.f32 v59, v10;
	v60 =	vadd.f32 v51, v55  }
0x33c: {  	v7 =	vadd.f32 v7, v16;
	v6 =	vadd.f32 v56, v11  }
0x33d: {  	v8 =	vadd.f32 v8, v13;
	v61 =	vadd.f32 v17, v18  }
0x33e: {  	v7 =	vadd.f32 v7, v10;
	v6 =	vadd.f32 v60, v6  }
0x33f: {  	v3 =	vadd.f32 v5, v3;
	v4 =	vadd.f32 v4, v9  }
0x340: {  	v62 =	vadd.f32 v61, v7;
	v6 =	vadd.f32 v8, v6;
	_ =	sdelay $0x1  }
.Ltmp4:
0x341: {  	v3 =	vadd.f32 v4, v3;
	v63 =	vadd.f32 v6, v62;
	(pc) =	sbr.rel @p0 .LBB2_12-.Ltmp4, $3  }
0x342: {  	_ = 	snop  }
0x343: {  	v3 =	vadd.f32 v3, v63;
	_ =	sdelay $0x1  }
0x344: {  	[tilespmem:s9+$0x0] =	vst.add.f32.msk $0xffff, v3  }
0x345: {  	v3 =	vld [tilespmem:s8+$0xC8];
	_ =	sdelay $0x4  }
0x346: {  	v4 =	vshrl.u32 v3, $0x3  }
0x347: {  	v4 =	vmul.u32 $0x30, v4  }
0x348: {  	v3 =	vand.u32 $0x7, v3  }
0x349: {  	v3 =	vor.u32 v3, v4  }
0x34a: {  	v4 =	vperm.xlane v3, v0;
	_ =	sdelay $0x1  }
0x34b: {  	v4 =	vadd.s32 v1, v4;
	_ =	sdelay $0x3  }
0x34c: {  	s0 =	simm.s32 $0x10900;
	v3 =	vperm.xlane v3, v2  }
0x34d: {  	[tilespmem:s0], [sflag:$0x3] =	stream.indirect_vreg.gather [hbm4b:s1+s4], $0x80, v4, vm0, $0xb8;
	[tilespmem:$0x1E600] =	vst v63  }
0x34e: {  	s11 =	simm.s32 $0x11100;
	v3 =	vadd.s32 v1, v3  }
0x34f: {  	[tilespmem:s11], [sflag:$0x3] =	stream.indirect_vreg.gather [hbm4b:s6+s4], $0x80, v4, vm0, $0xb8;
	[tilespmem:$0x1E600] =	vst v63  }
0x350: {  	s13 =	simm.s32 $0x11900  }
0x351: {  	[tilespmem:s13], [sflag:$0x3] =	stream.indirect_vreg.gather [hbm4b:s7+s4], $0x80, v4, vm0, $0xb8;
	[tilespmem:$0x1E600] =	vst v63  }
0x352: {  	s14 =	simm.s32 $0x12100  }
0x353: {  	[tilespmem:s14], [sflag:$0x3] =	stream.indirect_vreg.gather [hbm4b:s1+s4], $0x80, v3, vm0, $0xb8;
	[tilespmem:$0x1E600] =	vst v63  }
0x354: {  	s15 =	simm.s32 $0x12900  }
0x355: {  	[tilespmem:s15], [sflag:$0x3] =	stream.indirect_vreg.gather [hbm4b:s6+s4], $0x80, v3, vm0, $0xb8;
	[tilespmem:$0x1E600] =	vst v63  }
0x356: {  	s30 =	simm.s32 $0x13100  }
0x357: {  	[tilespmem:s30], [sflag:$0x3] =	stream.indirect_vreg.gather [hbm4b:s7+s4], $0x80, v3, vm0, $0xb8;
	[tilespmem:$0x1E600] =	vst v63  }
0x358: {  	v3 =	vld [tilespmem:s8+$0xD8];
	_ =	sdelay $0x4  }
0x359: {  	v62 =	vshrl.u32 v3, $0x3  }
0x35a: {  	v4 =	vmul.u32 $0x30, v62  }
0x35b: {  	v3 =	vand.u32 $0x7, v3  }
0x35c: {  	v3 =	vor.u32 v3, v4  }
0x35d: {  	v4 =	vperm.xlane v3, v0;
	_ =	sdelay $0x1  }
0x35e: {  	v4 =	vadd.s32 v1, v4;
	_ =	sdelay $0x3  }
0x35f: {  	s31 =	simm.s32 $0x13900;
	v3 =	vperm.xlane v3, v2  }
0x360: {  	[tilespmem:s31], [sflag:$0x3] =	stream.indirect_vreg.gather [hbm4b:s1+s4], $0x80, v4, vm0, $0xb8;
	[tilespmem:$0x1E600] =	vst v63  }
0x361: {  	s9 =	simm.s32 $0x14100;
	v3 =	vadd.s32 v1, v3  }
0x362: {  	[tilespmem:s9], [sflag:$0x3] =	stream.indirect_vreg.gather [hbm4b:s6+s4], $0x80, v4, vm0, $0xb8;
	[tilespmem:$0x1E600] =	vst v63  }
0x363: {  	s10 =	simm.s32 $0x14900  }
0x364: {  	[tilespmem:s10], [sflag:$0x3] =	stream.indirect_vreg.gather [hbm4b:s7+s4], $0x80, v4, vm0, $0xb8;
	[tilespmem:$0x1E600] =	vst v63  }
0x365: {  	s11 =	simm.s32 $0x15100  }
0x366: {  	[tilespmem:s11], [sflag:$0x3] =	stream.indirect_vreg.gather [hbm4b:s1+s4], $0x80, v3, vm0, $0xb8;
	[tilespmem:$0x1E600] =	vst v63  }
0x367: {  	s13 =	simm.s32 $0x15900  }
0x368: {  	[tilespmem:s13], [sflag:$0x3] =	stream.indirect_vreg.gather [hbm4b:s6+s4], $0x80, v3, vm0, $0xb8;
	[tilespmem:$0x1E600] =	vst v63  }
0x369: {  	s14 =	simm.s32 $0x16100  }
0x36a: {  	[tilespmem:s14], [sflag:$0x3] =	stream.indirect_vreg.gather [hbm4b:s7+s4], $0x80, v3, vm0, $0xb8;
	[tilespmem:$0x1E600] =	vst v63  }
0x36b: {  	v3 =	vld.msk [tilespmem:s8+$0xE8], $0xff;
	_ =	sdelay $0x4  }
0x36c: {  	v63 =	vshrl.u32 v3, $0x3  }
0x36d: {  	v4 =	vmul.u32 $0x30, v63  }
0x36e: {  	v3 =	vand.u32 $0x7, v3  }
0x36f: {  	v3 =	vor.u32 v3, v4  }
0x370: {  	v3 =	vperm.xlane v3, v0;
	_ =	sdelay $0x1  }
0x371: {  	v3 =	vadd.s32 v1, v3;
	_ =	sdelay $0x3  }
0x372: {  	s15 =	simm.s32 $0x16900  }
0x373: {  	[tilespmem:s15], [sflag:$0x3] =	stream.indirect_vreg.gather [hbm4b:s1+s4], $0x80, v3, vm0, $0xb8;
	[tilespmem:$0x1E600] =	vst v63  }
.Ltmp5:
0x374: {  	_ = 	snop;
	(pc) =	sbr.rel .LBB2_4-.Ltmp5, $4  }
0x375: {  	s30 =	simm.s32 $0x17100  }
0x376: {  	[tilespmem:s30], [sflag:$0x3] =	stream.indirect_vreg.gather [hbm4b:s6+s4], $0x80, v3, vm0, $0xb8;
	[tilespmem:$0x1E600] =	vst v63  }
0x377: {  	s5 =	sadd.s32 $0x1, s5;
	s31 =	simm.s32 $0x17900  }
0x378: {  	[tilespmem:s31], [sflag:$0x3] =	stream.indirect_vreg.gather [hbm4b:s7+s4], $0x80, v3, vm0, $0xb8;
	[tilespmem:$0x1E600] =	vst v63  }
.LBB2_12:
0x379: {  	_ =	swait.ge [sflag:s3], $0x7800;
	s5 =	simm.s32 $0x0  }
0x37a: {  	[sflag:s3] =	ssyncset.done $0x0;
	s0 =	sand.u32 $0x70, s5;
	s8 =	sand.u32 $0x1C00, s5  }
0x37b: {  	[sflag:s3] =	ssyncadd.s32 $0xFFFF8800;
	s8 =	sor.u32 s0, s8  }
0x37c: {  	v5 =	vld [tilespmem:s8+$0x7B80]  }
0x37d: {  	v7 =	vld [tilespmem:s8+$0x7B00]  }
0x37e: {  	v4 =	vld [tilespmem:s8+$0x7A80]  }
0x37f: {  	v6 =	vld [tilespmem:s8+$0x7A00]  }
0x380: {  	v3 =	vld [tilespmem:s8+$0x7980]  }
0x381: {  	v8 =	vld [tilespmem:s8+$0x7C80]  }
0x382: {  	v10 =	vld [tilespmem:s8+$0x7C00]  }
0x383: {  	v12 =	vld [tilespmem:s8+$0x6480]  }
0x384: {  	v14 =	vld [tilespmem:s8+$0x6200]  }
0x385: {  	v13 =	vld [tilespmem:s8+$0x6400]  }
0x386: {  	v15 =	vld [tilespmem:s8+$0x6380]  }
0x387: {  	v17 =	vld [tilespmem:s8+$0x6300]  }
0x388: {  	v18 =	vld [tilespmem:s8+$0x6280]  }
0x389: {  	v19 =	vld [tilespmem:s8+$0x6180]  }
0x38a: {  	v20 =	vld [tilespmem:s8+$0x6100]  }
0x38b: {  	v21 =	vld [tilespmem:s8+$0x4C80]  }
0x38c: {  	v9 =	vld [tilespmem:s8+$0x3400]  }
0x38d: {  	v23 =	vld [tilespmem:s8+$0x3380]  }
0x38e: {  	v24 =	vld [tilespmem:s8+$0x3300]  }
0x38f: {  	v11 =	vld [tilespmem:s8+$0x1C00]  }
0x390: {  	v26 =	vld [tilespmem:s8+$0x3280]  }
0x391: {  	v27 =	vld [tilespmem:s8+$0x1A80]  }
0x392: {  	v25 =	vld [tilespmem:s8+$0x4C00]  }
0x393: {  	v28 =	vld [tilespmem:s8+$0x4B80]  }
0x394: {  	v29 =	vld [tilespmem:s8+$0x1A00]  }
0x395: {  	v30 =	vld [tilespmem:s8+$0x3200]  }
0x396: {  	v31 =	vld [tilespmem:s8+$0x1B80]  }
0x397: {  	v32 =	vld [tilespmem:s8+$0x4B00]  }
0x398: {  	v16 =	vld [tilespmem:s8+$0x4980]  }
0x399: {  	v33 =	vld [tilespmem:s8+$0x1980]  }
0x39a: {  	v34 =	vld [tilespmem:s8+$0x1B00]  }
0x39b: {  	v35 =	vld [tilespmem:s8+$0x1900];
	v8 =	vadd.f32 v8, v10;
	v12 =	vadd.f32 v12, v13  }
0x39c: {  	s31 =	sor.u32 s5, s5;
	v22 =	vld [tilespmem:s8+$0x4A80];
	v13 =	vadd.f32 v15, v17;
	v17 =	vadd.f32 v19, v20  }
0x39d: {  	s0 =	sor.u32 $0x380, s31;
	v10 =	vadd.f32 v23, v24;
	v15 =	vadd.f32 v21, v25;
	v25 =	vld [tilespmem:s8+$0x4A00]  }
0x39e: {  	v21 =	vadd.f32 v28, v32;
	v23 =	vadd.f32 v18, v14;
	v20 =	vld [tilespmem:s0+$0x1900]  }
0x39f: {  	v19 =	vadd.f32 v27, v29;
	v14 =	vadd.f32 v26, v30;
	v18 =	vld [tilespmem:s8+$0x3180]  }
0x3a0: {  	v26 =	vadd.f32 v33, v35;
	v24 =	vld [tilespmem:s8+$0x3100];
	v15 =	vadd.f32 v15, v21  }
0x3a1: {  	s10 =	simm.s32 $0x10;
	s0 =	simm.s32 $0x80;
	v21 =	vadd.f32 v23, v17;
	v23 =	vld [tilespmem:s8+$0x4900];
	v17 =	vadd.f32 v31, v34  }
.LBB2_13:
0x3a2: {  	s11 =	sand.u32 $0x70, s10  }
0x3a3: {  	s13 =	sand.u32 $0x1C00, s0;
	v27 =	vld [tilespmem:s8+$0x7900];
	v22 =	vadd.f32 v22, v25;
	s14 =	smov.u32 s10;
	s9 =	sadd.s32 $0x10, s10  }
0x3a4: {  	p0 =	sne.s32 s10, $0x2F0;
	v19 =	vadd.f32 v19, v26;
	v12 =	vadd.f32 v12, v13;
	s11 =	sor.u32 s11, s13;
	v25 =	vld [tilespmem:s8+$0x3480]  }
0x3a5: {  	v26 =	vadd.f32 v4, v6;
	v13 =	vld [tilespmem:s11+$0x7B80]  }
0x3a6: {  	v11 =	vadd.f32 v20, v11;
	v12 =	vadd.f32 v12, v21;
	v28 =	vld [tilespmem:s11+$0x7B00]  }
0x3a7: {  	v21 =	vadd.f32 v5, v7;
	v16 =	vadd.f32 v16, v23;
	v4 =	vld [tilespmem:s11+$0x7A80]  }
0x3a8: {  	v23 =	vadd.f32 v18, v24;
	v6 =	vld [tilespmem:s11+$0x7A00];
	v18 =	vadd.f32 v3, v27  }
0x3a9: {  	v8 =	vadd.f32 v8, v21;
	v16 =	vadd.f32 v22, v16;
	v3 =	vld [tilespmem:s11+$0x7980]  }
0x3aa: {  	s10 =	sor.u32 s0, s14;
	v9 =	vadd.f32 v25, v9;
	v20 =	vld [tilespmem:s11+$0x7C80];
	v18 =	vadd.f32 v26, v18;
	v5 =	vmov v13  }
0x3ab: {  	s10 =	sor.u32 $0x380, s10;
	v11 =	vadd.f32 v11, v17;
	v14 =	vadd.f32 v14, v23;
	v13 =	vld [tilespmem:s11+$0x7C00];
	v7 =	vmov v28  }
0x3ac: {  	v9 =	vadd.f32 v9, v10;
	v17 =	vld [tilespmem:s11+$0x6480];
	v10 =	vadd.f32 v8, v18  }
0x3ad: {  	v11 =	vadd.f32 v11, v19;
	v8 =	vadd.f32 v15, v16;
	v18 =	vld [tilespmem:s11+$0x6200]  }
0x3ae: {  	v9 =	vadd.f32 v9, v14;
	v15 =	vld [tilespmem:s11+$0x6400]  }
0x3af: {  	v12 =	vadd.f32 v12, v8;
	v14 =	vld [tilespmem:s11+$0x6380]  }
0x3b0: {  	v9 =	vadd.f32 v9, v11;
	v16 =	vld [tilespmem:s11+$0x6300];
	v8 =	vadd.f32 v20, v13  }
0x3b1: {  	v20 =	vld [tilespmem:s11+$0x6280]  }
0x3b2: {  	v9 =	vadd.f32 v12, v9;
	v11 =	vld [tilespmem:s11+$0x6180]  }
0x3b3: {  	v19 =	vld [tilespmem:s11+$0x6100];
	v12 =	vadd.f32 v17, v15  }
0x3b4: {  	v10 =	vadd.f32 v10, v9;
	v15 =	vld [tilespmem:s11+$0x4C80]  }
0x3b5: {  	v9 =	vld [tilespmem:s11+$0x3400];
	v13 =	vadd.f32 v14, v16  }
0x3b6: {  	[tilespmem:s8+$0x1CC80] =	vst.add.f32.msk $0xffff, v10;
	s8 =	smov.u32 s11  }
0x3b7: {  	v10 =	vld [tilespmem:s8+$0x3380]  }
0x3b8: {  	v14 =	vld [tilespmem:s8+$0x3300];
	v17 =	vadd.f32 v11, v19  }
0x3b9: {  	v11 =	vld [tilespmem:s8+$0x1C00]  }
0x3ba: {  	v21 =	vld [tilespmem:s8+$0x3280]  }
0x3bb: {  	v19 =	vld [tilespmem:s8+$0x1A80]  }
0x3bc: {  	v16 =	vld [tilespmem:s8+$0x4C00]  }
0x3bd: {  	v23 =	vld [tilespmem:s8+$0x4B80];
	v10 =	vadd.f32 v10, v14  }
0x3be: {  	v14 =	vld [tilespmem:s8+$0x1A00]  }
0x3bf: {  	v22 =	vld [tilespmem:s8+$0x3200]  }
0x3c0: {  	v24 =	vld [tilespmem:s8+$0x1B80]  }
0x3c1: {  	v25 =	vld [tilespmem:s8+$0x4B00];
	v15 =	vadd.f32 v15, v16  }
0x3c2: {  	v16 =	vld [tilespmem:s8+$0x4980]  }
0x3c3: {  	v26 =	vld [tilespmem:s8+$0x1980];
	v19 =	vadd.f32 v19, v14  }
0x3c4: {  	v27 =	vld [tilespmem:s8+$0x1B00];
	v14 =	vadd.f32 v21, v22  }
0x3c5: {  	v28 =	vld [tilespmem:s8+$0x1900]  }
0x3c6: {  	v18 =	vadd.f32 v20, v18;
	v22 =	vld [tilespmem:s8+$0x4A80];
	v21 =	vadd.f32 v23, v25  }
.Ltmp6:
0x3c7: {  	v25 =	vld [tilespmem:s8+$0x4A00];
	(pc) =	sbr.rel @p0 .LBB2_13-.Ltmp6, $4  }
0x3c8: {  	v20 =	vld [tilespmem:s10+$0x1900];
	v15 =	vadd.f32 v15, v21;
	v21 =	vadd.f32 v18, v17  }
0x3c9: {  	v18 =	vld [tilespmem:s8+$0x3180];
	v17 =	vadd.f32 v24, v27  }
0x3ca: {  	v23 =	vld [tilespmem:s8+$0x4900];
	v26 =	vadd.f32 v26, v28  }
0x3cb: {  	s0 =	sadd.s32 $0x80, s0;
	s10 =	smov.u32 s9;
	v24 =	vld [tilespmem:s8+$0x3100]  }
0x3cc: {  	v27 =	vld [tilespmem:s8+$0x3480]  }
0x3cd: {  	v22 =	vadd.f32 v22, v25;
	v12 =	vadd.f32 v12, v13  }
0x3ce: {  	v62 =	vadd.f32 v19, v26;
	v4 =	vadd.f32 v4, v6  }
0x3cf: {  	v6 =	vld [tilespmem:s8+$0x7900];
	v5 =	vadd.f32 v5, v7;
	v11 =	vadd.f32 v20, v11  }
0x3d0: {  	v12 =	vadd.f32 v12, v21;
	v16 =	vadd.f32 v16, v23  }
0x3d1: {  	v7 =	vadd.f32 v18, v24;
	v9 =	vadd.f32 v27, v9  }
0x3d2: {  	v11 =	vadd.f32 v11, v17;
	v16 =	vadd.f32 v22, v16  }
0x3d3: {  	v7 =	vadd.f32 v14, v7;
	v9 =	vadd.f32 v9, v10  }
0x3d4: {  	v3 =	vadd.f32 v3, v6;
	v6 =	vadd.f32 v11, v62  }
0x3d5: {  	v63 =	vadd.f32 v15, v16;
	v7 =	vadd.f32 v9, v7  }
0x3d6: {  	v5 =	vadd.f32 v8, v5;
	v3 =	vadd.f32 v4, v3  }
0x3d7: {  	v4 =	vadd.f32 v12, v63;
	v6 =	vadd.f32 v7, v6  }
0x3d8: {  	s0 =	simm.s32 $0x0  }
0x3d9: {  	s0 =	smul.u32 $0x6000, s0;
	v3 =	vadd.f32 v5, v3;
	v4 =	vadd.f32 v4, v6;
	_ =	sdelay $0x1  }
0x3da: {  	s5 =	sand.u32 $0x380, s5;
	s0 =	sshra.s32 s0, $0x2;
	v3 =	vadd.f32 v3, v4  }
0x3db: {  	s0 =	sor.u32 s5, s0  }
0x3dc: {  	s5 =	sadd.s32 $0x18100, s0;
	[tilespmem:s8+$0x1CC80] =	vst.add.f32.msk $0xffff, v3  }
0x3dd: {  	v3 =	vld [tilespmem:s5+$0x10]  }
0x3de: {  	v4 =	vld [tilespmem:s0+$0x18100];
	_ =	sdelay $0x1  }
0x3df: {  	v5 =	vld [tilespmem:s5+$0x20];
	_ =	sdelay $0x1  }
0x3e0: {  	v6 =	vld [tilespmem:s5+$0x30]  }
0x3e1: {  	v3 =	vadd.f32 v3, v4  }
0x3e2: {  	v4 =	vld [tilespmem:s5+$0x40]  }
0x3e3: {  	v3 =	vadd.f32 v5, v3  }
0x3e4: {  	v5 =	vld [tilespmem:s5+$0x50]  }
0x3e5: {  	v3 =	vadd.f32 v6, v3  }
0x3e6: {  	v6 =	vld [tilespmem:s5+$0x60]  }
0x3e7: {  	v3 =	vadd.f32 v4, v3  }
0x3e8: {  	v4 =	vld [tilespmem:s5+$0x70]  }
0x3e9: {  	v3 =	vadd.f32 v5, v3  }
0x3ea: {  	v5 =	vld [tilespmem:s5+$0x400]  }
0x3eb: {  	v3 =	vadd.f32 v6, v3  }
0x3ec: {  	v6 =	vld [tilespmem:s5+$0x410]  }
0x3ed: {  	v3 =	vadd.f32 v4, v3  }
0x3ee: {  	v4 =	vld [tilespmem:s5+$0x420]  }
0x3ef: {  	v3 =	vadd.f32 v5, v3  }
0x3f0: {  	v5 =	vld [tilespmem:s5+$0x430]  }
0x3f1: {  	v3 =	vadd.f32 v6, v3  }
0x3f2: {  	v6 =	vld [tilespmem:s5+$0x440]  }
0x3f3: {  	v3 =	vadd.f32 v4, v3  }
0x3f4: {  	v4 =	vld [tilespmem:s5+$0x450]  }
0x3f5: {  	v3 =	vadd.f32 v5, v3  }
0x3f6: {  	v5 =	vld [tilespmem:s5+$0x460]  }
0x3f7: {  	v3 =	vadd.f32 v6, v3  }
0x3f8: {  	v6 =	vld [tilespmem:s5+$0x470]  }
0x3f9: {  	v3 =	vadd.f32 v4, v3  }
0x3fa: {  	v4 =	vld [tilespmem:s0+$0x18900]  }
0x3fb: {  	s9 =	sadd.s32 $0x18900, s0;
	v3 =	vadd.f32 v5, v3  }
0x3fc: {  	v5 =	vld [tilespmem:s9+$0x10]  }
0x3fd: {  	v3 =	vadd.f32 v6, v3  }
0x3fe: {  	v6 =	vld [tilespmem:s9+$0x20]  }
0x3ff: {  	v3 =	vadd.f32 v4, v3  }
0x400: {  	v4 =	vld [tilespmem:s9+$0x30]  }
0x401: {  	v3 =	vadd.f32 v5, v3  }
0x402: {  	v5 =	vld [tilespmem:s9+$0x40]  }
0x403: {  	v3 =	vadd.f32 v6, v3  }
0x404: {  	v6 =	vld [tilespmem:s9+$0x50]  }
0x405: {  	v3 =	vadd.f32 v4, v3  }
0x406: {  	v4 =	vld [tilespmem:s9+$0x60]  }
0x407: {  	v3 =	vadd.f32 v5, v3  }
0x408: {  	v5 =	vld [tilespmem:s9+$0x70]  }
0x409: {  	v3 =	vadd.f32 v6, v3  }
0x40a: {  	v6 =	vld [tilespmem:s0+$0x18D00]  }
0x40b: {  	s10 =	sadd.s32 $0x18D00, s0;
	v3 =	vadd.f32 v4, v3  }
0x40c: {  	v4 =	vld [tilespmem:s10+$0x10]  }
0x40d: {  	v3 =	vadd.f32 v5, v3  }
0x40e: {  	v5 =	vld [tilespmem:s10+$0x20]  }
0x40f: {  	v3 =	vadd.f32 v6, v3  }
0x410: {  	v6 =	vld [tilespmem:s10+$0x30]  }
0x411: {  	v3 =	vadd.f32 v4, v3  }
0x412: {  	v4 =	vld [tilespmem:s10+$0x40]  }
0x413: {  	v3 =	vadd.f32 v5, v3  }
0x414: {  	v5 =	vld [tilespmem:s10+$0x50]  }
0x415: {  	v3 =	vadd.f32 v6, v3  }
0x416: {  	v6 =	vld [tilespmem:s10+$0x60]  }
0x417: {  	v3 =	vadd.f32 v4, v3  }
0x418: {  	v4 =	vld [tilespmem:s10+$0x70]  }
0x419: {  	v3 =	vadd.f32 v5, v3  }
0x41a: {  	v5 =	vld [tilespmem:s0+$0x19100]  }
0x41b: {  	s11 =	sadd.s32 $0x19100, s0;
	v3 =	vadd.f32 v6, v3  }
0x41c: {  	v6 =	vld [tilespmem:s11+$0x10]  }
0x41d: {  	v3 =	vadd.f32 v4, v3  }
0x41e: {  	v4 =	vld [tilespmem:s11+$0x20]  }
0x41f: {  	v3 =	vadd.f32 v5, v3  }
0x420: {  	v5 =	vld [tilespmem:s11+$0x30]  }
0x421: {  	v3 =	vadd.f32 v6, v3  }
0x422: {  	v6 =	vld [tilespmem:s11+$0x40]  }
0x423: {  	v3 =	vadd.f32 v4, v3  }
0x424: {  	v4 =	vld [tilespmem:s11+$0x50]  }
0x425: {  	v3 =	vadd.f32 v5, v3  }
0x426: {  	v5 =	vld [tilespmem:s11+$0x60]  }
0x427: {  	v3 =	vadd.f32 v6, v3  }
0x428: {  	v6 =	vld [tilespmem:s11+$0x70]  }
0x429: {  	v3 =	vadd.f32 v4, v3  }
0x42a: {  	v4 =	vld [tilespmem:s0+$0x19500]  }
0x42b: {  	s0 =	sadd.s32 $0x19500, s0;
	v3 =	vadd.f32 v5, v3  }
0x42c: {  	v5 =	vld [tilespmem:s0+$0x10]  }
0x42d: {  	v3 =	vadd.f32 v6, v3  }
0x42e: {  	v6 =	vld [tilespmem:s0+$0x20]  }
0x42f: {  	v3 =	vadd.f32 v4, v3  }
0x430: {  	v4 =	vld [tilespmem:s0+$0x30]  }
0x431: {  	v3 =	vadd.f32 v5, v3  }
0x432: {  	v5 =	vld [tilespmem:s0+$0x40]  }
0x433: {  	v3 =	vadd.f32 v6, v3  }
0x434: {  	v6 =	vld [tilespmem:s0+$0x50]  }
0x435: {  	v3 =	vadd.f32 v4, v3  }
0x436: {  	v4 =	vld [tilespmem:s0+$0x60]  }
0x437: {  	v3 =	vadd.f32 v5, v3  }
0x438: {  	v5 =	vld [tilespmem:s0+$0x70]  }
0x439: {  	v3 =	vadd.f32 v6, v3  }
0x43a: {  	s13 =	simm.s32 $0x0  }
0x43b: {  	s0 =	smul.u32 $0x6000, s13;
	v3 =	vadd.f32 v4, v3  }
0x43c: {  	s8 =	simm.s32 $0x80  }
0x43d: {  	s9 =	sand.u32 $0x380, s8;
	s0 =	sshra.s32 s0, $0x2;
	v3 =	vadd.f32 v5, v3  }
0x43e: {  	s5 =	simm.s32 $0x1E400;
	s0 =	sor.u32 s9, s0  }
0x43f: {  	s9 =	sadd.s32 $0x18100, s0;
	[tilespmem:s5+$0x0] =	vst v3  }
0x440: {  	v3 =	vld [tilespmem:s9+$0x10]  }
0x441: {  	v4 =	vld [tilespmem:s0+$0x18100];
	_ =	sdelay $0x1  }
0x442: {  	v5 =	vld [tilespmem:s9+$0x20];
	_ =	sdelay $0x1  }
0x443: {  	v6 =	vld [tilespmem:s9+$0x30]  }
0x444: {  	v3 =	vadd.f32 v3, v4  }
0x445: {  	v4 =	vld [tilespmem:s9+$0x40]  }
0x446: {  	v3 =	vadd.f32 v5, v3  }
0x447: {  	v5 =	vld [tilespmem:s9+$0x50]  }
0x448: {  	v3 =	vadd.f32 v6, v3  }
0x449: {  	v6 =	vld [tilespmem:s9+$0x60]  }
0x44a: {  	v3 =	vadd.f32 v4, v3  }
0x44b: {  	v4 =	vld [tilespmem:s9+$0x70]  }
0x44c: {  	v3 =	vadd.f32 v5, v3  }
0x44d: {  	v5 =	vld [tilespmem:s9+$0x400]  }
0x44e: {  	v3 =	vadd.f32 v6, v3  }
0x44f: {  	v6 =	vld [tilespmem:s9+$0x410]  }
0x450: {  	v3 =	vadd.f32 v4, v3  }
0x451: {  	v4 =	vld [tilespmem:s9+$0x420]  }
0x452: {  	v3 =	vadd.f32 v5, v3  }
0x453: {  	v5 =	vld [tilespmem:s9+$0x430]  }
0x454: {  	v3 =	vadd.f32 v6, v3  }
0x455: {  	v6 =	vld [tilespmem:s9+$0x440]  }
0x456: {  	v3 =	vadd.f32 v4, v3  }
0x457: {  	v4 =	vld [tilespmem:s9+$0x450]  }
0x458: {  	v3 =	vadd.f32 v5, v3  }
0x459: {  	v5 =	vld [tilespmem:s9+$0x460]  }
0x45a: {  	v3 =	vadd.f32 v6, v3  }
0x45b: {  	v6 =	vld [tilespmem:s9+$0x470]  }
0x45c: {  	v3 =	vadd.f32 v4, v3  }
0x45d: {  	v4 =	vld [tilespmem:s0+$0x18900]  }
0x45e: {  	s14 =	sadd.s32 $0x18900, s0;
	v3 =	vadd.f32 v5, v3  }
0x45f: {  	v5 =	vld [tilespmem:s14+$0x10]  }
0x460: {  	v3 =	vadd.f32 v6, v3  }
0x461: {  	v6 =	vld [tilespmem:s14+$0x20]  }
0x462: {  	v3 =	vadd.f32 v4, v3  }
0x463: {  	v4 =	vld [tilespmem:s14+$0x30]  }
0x464: {  	v3 =	vadd.f32 v5, v3  }
0x465: {  	v5 =	vld [tilespmem:s14+$0x40]  }
0x466: {  	v3 =	vadd.f32 v6, v3  }
0x467: {  	v6 =	vld [tilespmem:s14+$0x50]  }
0x468: {  	v3 =	vadd.f32 v4, v3  }
0x469: {  	v4 =	vld [tilespmem:s14+$0x60]  }
0x46a: {  	v3 =	vadd.f32 v5, v3  }
0x46b: {  	v5 =	vld [tilespmem:s14+$0x70]  }
0x46c: {  	v3 =	vadd.f32 v6, v3  }
0x46d: {  	v6 =	vld [tilespmem:s0+$0x18D00]  }
0x46e: {  	s15 =	sadd.s32 $0x18D00, s0;
	v3 =	vadd.f32 v4, v3  }
0x46f: {  	v4 =	vld [tilespmem:s15+$0x10]  }
0x470: {  	v3 =	vadd.f32 v5, v3  }
0x471: {  	v5 =	vld [tilespmem:s15+$0x20]  }
0x472: {  	v3 =	vadd.f32 v6, v3  }
0x473: {  	v6 =	vld [tilespmem:s15+$0x30]  }
0x474: {  	v3 =	vadd.f32 v4, v3  }
0x475: {  	v4 =	vld [tilespmem:s15+$0x40]  }
0x476: {  	v3 =	vadd.f32 v5, v3  }
0x477: {  	v5 =	vld [tilespmem:s15+$0x50]  }
0x478: {  	v3 =	vadd.f32 v6, v3  }
0x479: {  	v6 =	vld [tilespmem:s15+$0x60]  }
0x47a: {  	v3 =	vadd.f32 v4, v3  }
0x47b: {  	v4 =	vld [tilespmem:s15+$0x70]  }
0x47c: {  	v3 =	vadd.f32 v5, v3  }
0x47d: {  	v5 =	vld [tilespmem:s0+$0x19100]  }
0x47e: {  	s30 =	sadd.s32 $0x19100, s0;
	v3 =	vadd.f32 v6, v3  }
0x47f: {  	v6 =	vld [tilespmem:s30+$0x10]  }
0x480: {  	v3 =	vadd.f32 v4, v3  }
0x481: {  	v4 =	vld [tilespmem:s30+$0x20]  }
0x482: {  	v3 =	vadd.f32 v5, v3  }
0x483: {  	v5 =	vld [tilespmem:s30+$0x30]  }
0x484: {  	v3 =	vadd.f32 v6, v3  }
0x485: {  	v6 =	vld [tilespmem:s30+$0x40]  }
0x486: {  	v3 =	vadd.f32 v4, v3  }
0x487: {  	v4 =	vld [tilespmem:s30+$0x50]  }
0x488: {  	v3 =	vadd.f32 v5, v3  }
0x489: {  	v5 =	vld [tilespmem:s30+$0x60]  }
0x48a: {  	v3 =	vadd.f32 v6, v3  }
0x48b: {  	v6 =	vld [tilespmem:s30+$0x70]  }
0x48c: {  	v3 =	vadd.f32 v4, v3  }
0x48d: {  	v4 =	vld [tilespmem:s0+$0x19500]  }
0x48e: {  	s0 =	sadd.s32 $0x19500, s0;
	v3 =	vadd.f32 v5, v3  }
0x48f: {  	v5 =	vld [tilespmem:s0+$0x10]  }
0x490: {  	v3 =	vadd.f32 v6, v3  }
0x491: {  	v6 =	vld [tilespmem:s0+$0x20]  }
0x492: {  	v3 =	vadd.f32 v4, v3  }
0x493: {  	v4 =	vld [tilespmem:s0+$0x30]  }
0x494: {  	v3 =	vadd.f32 v5, v3  }
0x495: {  	v5 =	vld [tilespmem:s0+$0x40]  }
0x496: {  	v3 =	vadd.f32 v6, v3  }
0x497: {  	v6 =	vld [tilespmem:s0+$0x50]  }
0x498: {  	v3 =	vadd.f32 v4, v3;
	_ =	sdelay $0x1  }
0x499: {  	v4 =	vld [tilespmem:s0+$0x60];
	v3 =	vadd.f32 v5, v3;
	_ =	sdelay $0x1  }
0x49a: {  	v5 =	vadd.f32 v6, v3;
	v3 =	vld [tilespmem:s0+$0x70];
	_ =	sdelay $0x1  }
0x49b: {  	s31 =	simm.s32 $0x0  }
0x49c: {  	s9 =	simm.s32 $0x3;
	s0 =	smul.u32 $0x6000, s31;
	v4 =	vadd.f32 v4, v5  }
.LBB2_15:
0x49d: {  	p0 =	sne.s32 s9, $0x1F;
	s8 =	sadd.s32 $0x80, s8  }
0x49e: {  	s10 =	sand.u32 $0x380, s8;
	s0 =	sshra.s32 s0, $0x2;
	v3 =	vadd.f32 v3, v4  }
0x49f: {  	s5 =	sadd.s32 $0x10, s5;
	s10 =	sor.u32 s10, s0  }
0x4a0: {  	s0 =	sadd.s32 $0x18100, s10;
	[tilespmem:s5+$0x0] =	vst v3  }
0x4a1: {  	v3 =	vld [tilespmem:s0+$0x10]  }
0x4a2: {  	v4 =	vld [tilespmem:s10+$0x18100];
	_ =	sdelay $0x1  }
0x4a3: {  	v5 =	vld [tilespmem:s0+$0x20];
	_ =	sdelay $0x1  }
0x4a4: {  	v6 =	vld [tilespmem:s0+$0x30]  }
0x4a5: {  	v3 =	vadd.f32 v3, v4  }
0x4a6: {  	v4 =	vld [tilespmem:s0+$0x40]  }
0x4a7: {  	v3 =	vadd.f32 v5, v3  }
0x4a8: {  	v5 =	vld [tilespmem:s0+$0x50]  }
0x4a9: {  	v3 =	vadd.f32 v6, v3  }
0x4aa: {  	v6 =	vld [tilespmem:s0+$0x60]  }
0x4ab: {  	v3 =	vadd.f32 v4, v3  }
0x4ac: {  	v4 =	vld [tilespmem:s0+$0x70]  }
0x4ad: {  	v3 =	vadd.f32 v5, v3  }
0x4ae: {  	v5 =	vld [tilespmem:s0+$0x400]  }
0x4af: {  	v3 =	vadd.f32 v6, v3  }
0x4b0: {  	v6 =	vld [tilespmem:s0+$0x410]  }
0x4b1: {  	v3 =	vadd.f32 v4, v3  }
0x4b2: {  	v4 =	vld [tilespmem:s0+$0x420]  }
0x4b3: {  	v3 =	vadd.f32 v5, v3  }
0x4b4: {  	v5 =	vld [tilespmem:s0+$0x430]  }
0x4b5: {  	v3 =	vadd.f32 v6, v3  }
0x4b6: {  	v6 =	vld [tilespmem:s0+$0x440]  }
0x4b7: {  	v3 =	vadd.f32 v4, v3  }
0x4b8: {  	v4 =	vld [tilespmem:s0+$0x450]  }
0x4b9: {  	v3 =	vadd.f32 v5, v3  }
0x4ba: {  	v5 =	vld [tilespmem:s0+$0x460]  }
0x4bb: {  	v3 =	vadd.f32 v6, v3  }
0x4bc: {  	v6 =	vld [tilespmem:s0+$0x470]  }
0x4bd: {  	v3 =	vadd.f32 v4, v3  }
0x4be: {  	v4 =	vld [tilespmem:s10+$0x18900]  }
0x4bf: {  	s0 =	sadd.s32 $0x18900, s10;
	v3 =	vadd.f32 v5, v3  }
0x4c0: {  	v5 =	vld [tilespmem:s0+$0x10]  }
0x4c1: {  	v3 =	vadd.f32 v6, v3  }
0x4c2: {  	v6 =	vld [tilespmem:s0+$0x20]  }
0x4c3: {  	v3 =	vadd.f32 v4, v3  }
0x4c4: {  	v4 =	vld [tilespmem:s0+$0x30]  }
0x4c5: {  	v3 =	vadd.f32 v5, v3  }
0x4c6: {  	v5 =	vld [tilespmem:s0+$0x40]  }
0x4c7: {  	v3 =	vadd.f32 v6, v3  }
0x4c8: {  	v6 =	vld [tilespmem:s0+$0x50]  }
0x4c9: {  	v3 =	vadd.f32 v4, v3  }
0x4ca: {  	v4 =	vld [tilespmem:s0+$0x60]  }
0x4cb: {  	v3 =	vadd.f32 v5, v3  }
0x4cc: {  	v5 =	vld [tilespmem:s0+$0x70]  }
0x4cd: {  	v3 =	vadd.f32 v6, v3  }
0x4ce: {  	v6 =	vld [tilespmem:s10+$0x18D00]  }
0x4cf: {  	s0 =	sadd.s32 $0x18D00, s10;
	v3 =	vadd.f32 v4, v3  }
0x4d0: {  	v4 =	vld [tilespmem:s0+$0x10]  }
0x4d1: {  	v3 =	vadd.f32 v5, v3  }
0x4d2: {  	v5 =	vld [tilespmem:s0+$0x20]  }
0x4d3: {  	v3 =	vadd.f32 v6, v3  }
0x4d4: {  	v6 =	vld [tilespmem:s0+$0x30]  }
0x4d5: {  	v3 =	vadd.f32 v4, v3  }
0x4d6: {  	v4 =	vld [tilespmem:s0+$0x40]  }
0x4d7: {  	v3 =	vadd.f32 v5, v3  }
0x4d8: {  	v5 =	vld [tilespmem:s0+$0x50]  }
0x4d9: {  	v3 =	vadd.f32 v6, v3  }
0x4da: {  	v6 =	vld [tilespmem:s0+$0x60]  }
0x4db: {  	v3 =	vadd.f32 v4, v3  }
0x4dc: {  	v4 =	vld [tilespmem:s0+$0x70]  }
0x4dd: {  	v3 =	vadd.f32 v5, v3  }
0x4de: {  	v5 =	vld [tilespmem:s10+$0x19100]  }
0x4df: {  	s0 =	sadd.s32 $0x19100, s10;
	v3 =	vadd.f32 v6, v3  }
0x4e0: {  	v6 =	vld [tilespmem:s0+$0x10]  }
0x4e1: {  	v3 =	vadd.f32 v4, v3  }
0x4e2: {  	v4 =	vld [tilespmem:s0+$0x20]  }
0x4e3: {  	v3 =	vadd.f32 v5, v3  }
0x4e4: {  	v5 =	vld [tilespmem:s0+$0x30]  }
0x4e5: {  	v3 =	vadd.f32 v6, v3  }
0x4e6: {  	v6 =	vld [tilespmem:s0+$0x40]  }
0x4e7: {  	v3 =	vadd.f32 v4, v3  }
0x4e8: {  	v4 =	vld [tilespmem:s0+$0x50]  }
0x4e9: {  	v3 =	vadd.f32 v5, v3  }
0x4ea: {  	v5 =	vld [tilespmem:s0+$0x60]  }
0x4eb: {  	v3 =	vadd.f32 v6, v3  }
0x4ec: {  	v6 =	vld [tilespmem:s0+$0x70]  }
0x4ed: {  	v3 =	vadd.f32 v4, v3  }
0x4ee: {  	v4 =	vld [tilespmem:s10+$0x19500]  }
0x4ef: {  	s0 =	sadd.s32 $0x19500, s10;
	v3 =	vadd.f32 v5, v3  }
0x4f0: {  	v5 =	vld [tilespmem:s0+$0x10]  }
0x4f1: {  	v3 =	vadd.f32 v6, v3  }
0x4f2: {  	v6 =	vld [tilespmem:s0+$0x20]  }
0x4f3: {  	v3 =	vadd.f32 v4, v3  }
0x4f4: {  	v4 =	vld [tilespmem:s0+$0x30]  }
0x4f5: {  	v3 =	vadd.f32 v5, v3  }
0x4f6: {  	v5 =	vld [tilespmem:s0+$0x40]  }
0x4f7: {  	v3 =	vadd.f32 v6, v3  }
0x4f8: {  	v6 =	vld [tilespmem:s0+$0x50]  }
0x4f9: {  	v3 =	vadd.f32 v4, v3  }
0x4fa: {  	v4 =	vld [tilespmem:s0+$0x60]  }
.Ltmp7:
0x4fb: {  	v5 =	vadd.f32 v5, v3;
	(pc) =	sbr.rel @p0 .LBB2_15-.Ltmp7, $4  }
0x4fc: {  	v3 =	vld [tilespmem:s0+$0x70]  }
0x4fd: {  	v5 =	vadd.f32 v6, v5  }
0x4fe: {  	s0 =	sshrl.u32 s9, $0x3  }
0x4ff: {  	s9 =	sadd.s32 $0x1, s9;
	s0 =	smul.u32 $0x6000, s0;
	v4 =	vadd.f32 v4, v5  }
0x500: {  	s8 =	sadd.s32 $0x80, s8  }
0x501: {  	s8 =	sand.u32 $0x380, s8;
	s0 =	sshra.s32 s0, $0x2;
	v3 =	vadd.f32 v3, v4  }
0x502: {  	s14 =	sadd.s32 $0x10, s5;
	s8 =	sor.u32 s8, s0  }
0x503: {  	s15 =	sadd.s32 $0x18100, s8;
	[tilespmem:s14+$0x0] =	vst v3  }
0x504: {  	v3 =	vld [tilespmem:s15+$0x10]  }
0x505: {  	v19 =	vld [tilespmem:s8+$0x18100];
	_ =	sdelay $0x1  }
0x506: {  	v5 =	vld [tilespmem:s15+$0x20];
	_ =	sdelay $0x1  }
0x507: {  	v6 =	vld [tilespmem:s15+$0x30]  }
0x508: {  	v3 =	vadd.f32 v3, v19  }
0x509: {  	v20 =	vld [tilespmem:s15+$0x40]  }
0x50a: {  	v3 =	vadd.f32 v5, v3  }
0x50b: {  	v21 =	vld [tilespmem:s15+$0x50]  }
0x50c: {  	v3 =	vadd.f32 v6, v3  }
0x50d: {  	v22 =	vld [tilespmem:s15+$0x60]  }
0x50e: {  	v3 =	vadd.f32 v20, v3  }
0x50f: {  	v23 =	vld [tilespmem:s15+$0x70]  }
0x510: {  	v3 =	vadd.f32 v21, v3  }
0x511: {  	v24 =	vld [tilespmem:s15+$0x400]  }
0x512: {  	v3 =	vadd.f32 v22, v3  }
0x513: {  	v25 =	vld [tilespmem:s15+$0x410]  }
0x514: {  	v3 =	vadd.f32 v23, v3  }
0x515: {  	v26 =	vld [tilespmem:s15+$0x420]  }
0x516: {  	v3 =	vadd.f32 v24, v3  }
0x517: {  	v27 =	vld [tilespmem:s15+$0x430]  }
0x518: {  	v3 =	vadd.f32 v25, v3  }
0x519: {  	v28 =	vld [tilespmem:s15+$0x440]  }
0x51a: {  	v3 =	vadd.f32 v26, v3  }
0x51b: {  	v29 =	vld [tilespmem:s15+$0x450]  }
0x51c: {  	v3 =	vadd.f32 v27, v3  }
0x51d: {  	v30 =	vld [tilespmem:s15+$0x460]  }
0x51e: {  	v3 =	vadd.f32 v28, v3  }
0x51f: {  	v31 =	vld [tilespmem:s15+$0x470]  }
0x520: {  	v3 =	vadd.f32 v29, v3  }
0x521: {  	v32 =	vld [tilespmem:s8+$0x18900]  }
0x522: {  	s30 =	sadd.s32 $0x18900, s8;
	v3 =	vadd.f32 v30, v3  }
0x523: {  	v33 =	vld [tilespmem:s30+$0x10]  }
0x524: {  	v3 =	vadd.f32 v31, v3  }
0x525: {  	v34 =	vld [tilespmem:s30+$0x20]  }
0x526: {  	v3 =	vadd.f32 v32, v3  }
0x527: {  	v35 =	vld [tilespmem:s30+$0x30]  }
0x528: {  	v3 =	vadd.f32 v33, v3  }
0x529: {  	v36 =	vld [tilespmem:s30+$0x40]  }
0x52a: {  	v3 =	vadd.f32 v34, v3  }
0x52b: {  	v37 =	vld [tilespmem:s30+$0x50]  }
0x52c: {  	v3 =	vadd.f32 v35, v3  }
0x52d: {  	v38 =	vld [tilespmem:s30+$0x60]  }
0x52e: {  	v3 =	vadd.f32 v36, v3  }
0x52f: {  	v39 =	vld [tilespmem:s30+$0x70]  }
0x530: {  	v3 =	vadd.f32 v37, v3  }
0x531: {  	v40 =	vld [tilespmem:s8+$0x18D00]  }
0x532: {  	s31 =	sadd.s32 $0x18D00, s8;
	v3 =	vadd.f32 v38, v3  }
0x533: {  	v41 =	vld [tilespmem:s31+$0x10]  }
0x534: {  	v3 =	vadd.f32 v39, v3  }
0x535: {  	v42 =	vld [tilespmem:s31+$0x20]  }
0x536: {  	v3 =	vadd.f32 v40, v3  }
0x537: {  	v43 =	vld [tilespmem:s31+$0x30]  }
0x538: {  	v3 =	vadd.f32 v41, v3  }
0x539: {  	v44 =	vld [tilespmem:s31+$0x40]  }
0x53a: {  	v3 =	vadd.f32 v42, v3  }
0x53b: {  	v45 =	vld [tilespmem:s31+$0x50]  }
0x53c: {  	v3 =	vadd.f32 v43, v3  }
0x53d: {  	v46 =	vld [tilespmem:s31+$0x60]  }
0x53e: {  	v3 =	vadd.f32 v44, v3  }
0x53f: {  	v47 =	vld [tilespmem:s31+$0x70]  }
0x540: {  	v3 =	vadd.f32 v45, v3  }
0x541: {  	v48 =	vld [tilespmem:s8+$0x19100]  }
0x542: {  	s9 =	sadd.s32 $0x19100, s8;
	v3 =	vadd.f32 v46, v3  }
0x543: {  	v49 =	vld [tilespmem:s9+$0x10]  }
0x544: {  	v3 =	vadd.f32 v47, v3  }
0x545: {  	v50 =	vld [tilespmem:s9+$0x20]  }
0x546: {  	v3 =	vadd.f32 v48, v3  }
0x547: {  	v51 =	vld [tilespmem:s9+$0x30]  }
0x548: {  	v3 =	vadd.f32 v49, v3  }
0x549: {  	v52 =	vld [tilespmem:s9+$0x40]  }
0x54a: {  	v3 =	vadd.f32 v50, v3  }
0x54b: {  	v53 =	vld [tilespmem:s9+$0x50]  }
0x54c: {  	v3 =	vadd.f32 v51, v3  }
0x54d: {  	v54 =	vld [tilespmem:s9+$0x60]  }
0x54e: {  	v3 =	vadd.f32 v52, v3  }
0x54f: {  	v55 =	vld [tilespmem:s9+$0x70]  }
0x550: {  	v3 =	vadd.f32 v53, v3  }
0x551: {  	v56 =	vld [tilespmem:s8+$0x19500]  }
0x552: {  	s10 =	sadd.s32 $0x19500, s8;
	v3 =	vadd.f32 v54, v3  }
0x553: {  	v57 =	vld [tilespmem:s10+$0x10]  }
0x554: {  	v3 =	vadd.f32 v55, v3  }
0x555: {  	v58 =	vld [tilespmem:s10+$0x20]  }
0x556: {  	v3 =	vadd.f32 v56, v3  }
0x557: {  	v59 =	vld [tilespmem:s10+$0x30]  }
0x558: {  	v3 =	vadd.f32 v57, v3  }
0x559: {  	v60 =	vld [tilespmem:s10+$0x40]  }
0x55a: {  	v3 =	vadd.f32 v58, v3  }
0x55b: {  	v61 =	vld [tilespmem:s10+$0x50]  }
0x55c: {  	v3 =	vadd.f32 v59, v3  }
0x55d: {  	v62 =	vld [tilespmem:s10+$0x60]  }
0x55e: {  	v3 =	vadd.f32 v60, v3  }
0x55f: {  	v63 =	vld [tilespmem:s10+$0x70]  }
0x560: {  	v3 =	vadd.f32 v61, v3;
	_ =	sdelay $0x1  }
0x561: {  	v3 =	vadd.f32 v62, v3;
	_ =	sdelay $0x1  }
0x562: {  	v3 =	vadd.f32 v63, v3  }
0x563: {  	s0 =	sadd.s32 $0x10, s14  }
0x564: {  	s11 =	rddreg [dreg:$0x6];
	s13 =	simm.s32 $0x18100;
	s5 =	simm.s32 $0x4;
	[tilespmem:s0+$0x0] =	vst v3  }
0x565: {  	[hbm4b:s11+s4] =	stream.linear.scatter [tilespmem:s13], [sflag:$0x4], $0x6000, $0x38;
	[tilespmem:$0x1E600] =	vst v63  }
0x566: {  	_ =	swait.ge [sflag:s5], $0x6000  }
0x567: {  	[sflag:s5] =	ssyncset.done $0x0  }
0x568: {  	s15 =	simm.s32 $0x1E400;
	s14 =	rddreg [dreg:$0x7];
	[sflag:s5] =	ssyncadd.s32 $0xFFFFA000  }
0x569: {  	[hbm4b:s14+s4] =	stream.linear.scatter [tilespmem:s15], [sflag:$0x4], $0x200, $0x38;
	[tilespmem:$0x1E600] =	vst v63  }
0x56a: {  	_ =	swait.ge [sflag:s5], $0x200  }
0x56b: {  	s30 =	rddreg [dreg:$0x9]  }
0x56c: {  	s31 =	rddreg [dreg:$0x8];
	s8 =	sadd.s32 $0x1, s30  }
0x56d: {  	p0 =	sne.s32 s8, s31  }
.Ltmp8:
0x56e: {  	_ = 	snop;
	(pc) =	sbr.rel @p0 .LBB2_1-.Ltmp8, $3  }
0x56f: {  	_ =	sdelay $0x1  }
0x570: {  	[sflag:s5] =	ssyncset.done $0x0  }
0x571: {  	[sflag:s5] =	ssyncadd.s32 $0xFFFFFE00  }
0x572: {  	_ =	sfence.sel $0x180000  }
0x573: {  	[bflag:$0x0] =	sbarrier.arrive $0xFFFF  }
0x574: {  	_ =	strace $0x90000047  }
0x575: {  	s0 =	stileid.u32;
	[bflag:$0x2] =	sbarrier.arrive $0xFFFF  }
0x576: {  	p0 =	sne.s32 s0, $0x0;
	s0 =	rddreg [dreg:$0x4]  }
0x577: {  	s0 =	sadd.s32 @!p0 $0x100000, s0  }
0x578: {  	[sflag:s0] =	ssyncadd.tile.s32 @!p0 $0x1;
	_ =	shalt  }
.Lfunc_end2:
_tile_overlayer_lowered:
.L_overlay_start_2:
0x579: {  	(tag) =	ssettag $0x2  }
0x57a: {  	s0 =	rddreg [dreg:$0x0];
	s2 =	stileid.u32  }
0x57b: {  	s1 =	rddreg [dreg:$0x1];
	p0 =	sne.s32 s2, $0x0  }
0x57c: {  	s3 =	rddreg [dreg:$0x2];
	[bflag:$0x3] =	sbarrier.arrive $0xFFFF;
	s2 =	simm.s32 @!p0 $0x1C04  }
0x57d: {  	[timem:s3], [sflag:s2] =	dma.local @!p0 [hbm:s0], s1  }
0x57e: {  	s0 =	simm.s32 @!p0 $0x4  }
0x57f: {  	_ =	swait.ge @!p0 [sflag:s0], s1  }
0x580: {  	s1 =	ssub.s32 @!p0 $0x0, s1;
	[sflag:s0] =	ssyncset.done @!p0 $0x0  }
0x581: {  	[sflag:s0] =	ssyncadd.s32 @!p0 s1  }
0x582: {  	[bflag:$0x3] =	sbarrier.arrive $0xFFFF  }
0x583: {  	_ =	shalt  }

</sc_bundles>
